<compile_context>
chip_gen: v7x
topology: tpu7x:2x2x1
jax: 0.10.2.dev20260603
libtpu: 0.0.44.dev20260713+nightly
codegen_flags: <defaults>
</compile_context>

<pallas_src>
import jax
import jax.numpy as jnp
from jax import lax
from jax.experimental import pallas as pl
from jax.experimental.pallas import tpu as pltpu
from jax.experimental.pallas import tpu_sc as plsc

N = 8388608
NBINS = 1024
A = 0.05
B = 0.95
XI = 0.1

NC = 2
NS = 16
L = 16
NW = NC * NS
PER_TILE = N // NW
CHUNK = 16384
NCHUNK = PER_TILE // CHUNK
TAB = 1040
NPAR = 7
STAGE = TAB + NPAR * L
UNROLL = 2


def _body(x_hbm, stage_hbm, out_hbm,
          stage_v, p_v, q_v, r_v,
          xb0, xb1, ub0, ub1, si0, si1, so0, so1):
    xb = (xb0, xb1)
    ubuf = (ub0, ub1)
    si = (si0, si1)
    so = (so0, so1)
    wid = lax.axis_index("s") * NC + lax.axis_index("c")
    base = wid * PER_TILE

    in_desc = [None] * NCHUNK
    out_desc = [None] * NCHUNK
    in_desc[0] = pltpu.async_copy(
        x_hbm.at[pl.ds(base, CHUNK)], xb[0], si[0])
    in_desc[1] = pltpu.async_copy(
        x_hbm.at[pl.ds(base + CHUNK, CHUNK)], xb[1], si[1])

    pltpu.sync_copy(stage_hbm, stage_v)

    c_mul = stage_v[pl.ds(TAB, L)]
    c_add = stage_v[pl.ds(TAB + L, L)]
    c_mid = stage_v[pl.ds(TAB + 2 * L, L)]
    c_base = stage_v[pl.ds(TAB + 3 * L, L)]
    inv_heps = stage_v[pl.ds(TAB + 4 * L, L)]
    alpha_v = stage_v[pl.ds(TAB + 5 * L, L)]
    h_v = stage_v[pl.ds(TAB + 6 * L, L)]

    iota = lax.iota(jnp.int32, L)

    @pl.loop(0, TAB, step=L)
    def _tab(i):
        pos = iota + i
        pm = jnp.minimum(jnp.maximum(pos - 1, 0), NBINS)
        pc = jnp.minimum(pos, NBINS)
        y0 = plsc.load_gather(stage_v, [pm])
        y1 = plsc.load_gather(stage_v, [pc])
        e0 = pm.astype(jnp.float32) * h_v + alpha_v
        sl = (y1 - y0) * inv_heps
        is_lo = pos == 0
        is_hi = pos == NBINS + 1
        p_v[pl.ds(i, L)] = jnp.where(
            is_lo, 0.0, jnp.where(is_hi, 1.0, y0 - sl * e0))
        q_v[pl.ds(i, L)] = sl
        r_v[pl.ds(i, L)] = jnp.where(
            is_lo, A, jnp.where(is_hi, B - 1.0, 0.0))

    for c in range(NCHUNK):
        b = c & 1
        in_desc[c].wait()
        if c >= 2:
            out_desc[c - 2].wait()

        @plsc.parallel_loop(0, CHUNK, step=L, unroll=UNROLL)
        def _vec(i, _b=b):
            xv = xb[_b][pl.ds(i, L)]
            t = xv * c_mul + c_add
            t = jnp.minimum(jnp.maximum(t, 0.0), float(NBINS + 1))
            j = t.astype(jnp.int32)
            pj = plsc.load_gather(p_v, [j])
            qj = plsc.load_gather(q_v, [j])
            rj = plsc.load_gather(r_v, [j])
            b1 = jnp.abs(xv - c_mid) * XI + c_base
            b2 = b1 * b1
            b4 = b2 * b2
            b8 = b4 * b4
            s = 1.0 / (b8 * b2)
            ubuf[_b][pl.ds(i, L)] = pj + qj * xv + rj * s

        out_desc[c] = pltpu.async_copy(
            ubuf[b], out_hbm.at[pl.ds(base + c * CHUNK, CHUNK)], so[b])
        if c + 2 < NCHUNK:
            in_desc[c + 2] = pltpu.async_copy(
                x_hbm.at[pl.ds(base + (c + 2) * CHUNK, CHUNK)], xb[b], si[b])

    out_desc[NCHUNK - 2].wait()
    out_desc[NCHUNK - 1].wait()


@jax.jit
def _marginal_sc(x, stage):
    fn = pl.kernel(
        _body,
        out_type=jax.ShapeDtypeStruct((N,), jnp.float32),
        mesh=plsc.VectorSubcoreMesh(
            core_axis_name="c", subcore_axis_name="s",
            num_cores=NC, num_subcores=NS),
        scratch_types=[
            pltpu.VMEM((STAGE,), jnp.float32),
            pltpu.VMEM((TAB,), jnp.float32),
            pltpu.VMEM((TAB,), jnp.float32),
            pltpu.VMEM((TAB,), jnp.float32),
            pltpu.VMEM((CHUNK,), jnp.float32),
            pltpu.VMEM((CHUNK,), jnp.float32),
            pltpu.VMEM((CHUNK,), jnp.float32),
            pltpu.VMEM((CHUNK,), jnp.float32),
            pltpu.SemaphoreType.DMA,
            pltpu.SemaphoreType.DMA,
            pltpu.SemaphoreType.DMA,
            pltpu.SemaphoreType.DMA,
        ],
        compiler_params=pltpu.CompilerParams(needs_layout_passes=False),
    )
    return fn(x, stage)


def kernel(x, bin_edges, cdf_vals):
    alpha = bin_edges[0]
    beta = bin_edges[-1]
    h = (beta - alpha) / NBINS
    eps = jnp.finfo(jnp.float32).eps
    stage = jnp.concatenate([
        cdf_vals,
        jnp.zeros((TAB - NBINS - 1,), jnp.float32),
        jnp.full((L,), 1.0 / h, jnp.float32),
        jnp.full((L,), 1.0 - alpha / h, jnp.float32),
        jnp.full((L,), (alpha + beta) / 2.0, jnp.float32),
        jnp.full((L,), 1.0 - XI * (beta - alpha) / 2.0, jnp.float32),
        jnp.full((L,), 1.0 / (eps + h), jnp.float32),
        jnp.full((L,), alpha, jnp.float32),
        jnp.full((L,), h, jnp.float32),
    ])
    return _marginal_sc(x, stage)

# --- scband reference (transcript-rebuilt; emitter-appended) ---
"""Pipeline reference for scband-marginal-layer-5514738008986 (READ-ONLY COPY).

The authoritative reference and input builder live on the scoring server;
editing this copy changes nothing except your own understanding.
"""

import jax, jax.numpy as jnp
import numpy as np

N = 8388608
NBINS = 1024
A = 0.05
B = 0.95
LOWER_XI = 0.1
UPPER_XI = 0.1
LOWER_SIGMA = 1.0
UPPER_SIGMA = 1.0


def setup_inputs(seed: int = 0) -> dict:
    key = jax.random.key(seed)
    k1, k2 = jax.random.split(key)
    x = jax.random.normal(k1, (N,), dtype=jnp.float32)
    # alpha/beta are the a- and b-quantiles of the fitted data (N(0,1) here)
    alpha = -1.6448536
    beta = 1.6448536
    bin_edges = jnp.linspace(alpha, beta, NBINS + 1, dtype=jnp.float32)
    # fitted empirical CDF values at the bin edges, monotone from A to B
    raw = jax.random.uniform(k2, (NBINS,), dtype=jnp.float32) + 0.01
    cum = jnp.cumsum(raw) / jnp.sum(raw)
    cdf_vals = A + (B - A) * jnp.concatenate([jnp.zeros((1,), jnp.float32), cum])
    return {"x": x, "bin_edges": bin_edges, "cdf_vals": cdf_vals}


def _interp1d(xp, yp, xq):
    # faithful port of Interp1d.forward (single-row case)
    eps = jnp.finfo(yp.dtype).eps
    ind = jnp.searchsorted(xp, xq) - 1
    ind = jnp.clip(ind, 0, xp.shape[0] - 2)
    slopes = (yp[1:] - yp[:-1]) / (eps + (xp[1:] - xp[:-1]))
    return yp[ind] + slopes[ind] * (xq - xp[ind])


def _gpd_sf(z, xi, sigma):
    # genpareto survival function 1-CDF for z>=0, xi>0
    return jnp.power(1.0 + xi * z / sigma, -1.0 / xi)


def reference(x, bin_edges, cdf_vals):
    alpha = bin_edges[0]
    beta = bin_edges[-1]
    # middle region: histogram-interpolated empirical CDF
    mid = _interp1d(bin_edges, cdf_vals, x)
    # lower GPD tail: a * (1 - GPD_cdf(alpha - x))
    zl = jnp.maximum(alpha - x, 0.0)
    lower = A * _gpd_sf(zl, LOWER_XI, LOWER_SIGMA)
    # upper GPD tail: b + (1-b) * GPD_cdf(x - beta)
    zu = jnp.maximum(x - beta, 0.0)
    upper = B + (1.0 - B) * (1.0 - _gpd_sf(zu, UPPER_XI, UPPER_SIGMA))
    u = jnp.where(x < alpha, lower, jnp.where(x > beta, upper, mid))
    return u

if __name__ == "__main__":
    import jax
    _d = setup_inputs()
    print(jax.jit(kernel)(*tuple(_d.values())))

</pallas_src>

<mosaic_0001>
#map = affine_map<(d0, d1) -> (0)>
module attributes {stable_mosaic.version = 14 : i64} {
  func.func @_body(%arg0: i32, %arg1: i32, %arg2: memref<8388608xf32, #tpu.memory_space<hbm>>, %arg3: memref<1152xf32, #tpu.memory_space<hbm>>, %arg4: memref<8388608xf32, #tpu.memory_space<hbm>>, %arg5: memref<1152xf32, #tpu.memory_space<vmem>>, %arg6: memref<1040xf32, #tpu.memory_space<vmem>>, %arg7: memref<1040xf32, #tpu.memory_space<vmem>>, %arg8: memref<1040xf32, #tpu.memory_space<vmem>>, %arg9: memref<16384xf32, #tpu.memory_space<vmem>>, %arg10: memref<16384xf32, #tpu.memory_space<vmem>>, %arg11: memref<16384xf32, #tpu.memory_space<vmem>>, %arg12: memref<16384xf32, #tpu.memory_space<vmem>>, %arg13: memref<!tpu.dma_semaphore, #tpu.memory_space<semaphore_mem>>, %arg14: memref<!tpu.dma_semaphore, #tpu.memory_space<semaphore_mem>>, %arg15: memref<!tpu.dma_semaphore, #tpu.memory_space<semaphore_mem>>, %arg16: memref<!tpu.dma_semaphore, #tpu.memory_space<semaphore_mem>>) attributes {dimension_semantics = [#tpu.dimension_semantics<core_parallel>, #tpu.dimension_semantics<subcore_parallel>], iteration_bounds = array<i64: 2, 16>, scalar_prefetch = 0 : i64, scratch_operands = 12 : i64, tpu.core_type = #tpu.core_type<sc_vector_subcore>, window_params = [{transform_indices = #map}, {transform_indices = #map}, {transform_indices = #map}]} {
    %mul3A = arith.constant 2 : i32
    %mul3A_0 = arith.muli %arg1, %mul3A : i32
    %add3A = arith.addi %mul3A_0, %arg0 : i32
    %mul3A_1 = arith.constant 262144 : i32
    %mul3A_2 = arith.muli %add3A, %mul3A_1 : i32
    %dma_start3A = tpu.memref_slice %arg2[%mul3A_2] : memref<8388608xf32, #tpu.memory_space<hbm>> -> memref<16384xf32, #tpu.memory_space<hbm>>
    %dma_start3A_3 = tpu.memref_slice %arg2[%mul3A_2] : memref<8388608xf32, #tpu.memory_space<hbm>> -> memref<16384xf32, #tpu.memory_space<hbm>>
    tpu.enqueue_dma source(%dma_start3A_3 : memref<16384xf32, #tpu.memory_space<hbm>>) target(%arg9 : memref<16384xf32, #tpu.memory_space<vmem>>) target_semaphore(%arg13 : memref<!tpu.dma_semaphore, #tpu.memory_space<semaphore_mem>>)
    %add3A_4 = arith.constant 16384 : i32
    %add3A_5 = arith.addi %mul3A_2, %add3A_4 : i32
    %dma_start3A_6 = tpu.memref_slice %arg2[%add3A_5] : memref<8388608xf32, #tpu.memory_space<hbm>> -> memref<16384xf32, #tpu.memory_space<hbm>>
    %dma_start3A_7 = tpu.memref_slice %arg2[%add3A_5] : memref<8388608xf32, #tpu.memory_space<hbm>> -> memref<16384xf32, #tpu.memory_space<hbm>>
    tpu.enqueue_dma source(%dma_start3A_7 : memref<16384xf32, #tpu.memory_space<hbm>>) target(%arg10 : memref<16384xf32, #tpu.memory_space<vmem>>) target_semaphore(%arg14 : memref<!tpu.dma_semaphore, #tpu.memory_space<semaphore_mem>>)
    "tpu.region"() ({
      %run_scoped3A = tpu.sem_alloc : memref<!tpu.dma_semaphore, #tpu.memory_space<semaphore_mem>>
      tpu.enqueue_dma source(%arg3 : memref<1152xf32, #tpu.memory_space<hbm>>) target(%arg5 : memref<1152xf32, #tpu.memory_space<vmem>>) target_semaphore(%run_scoped3A : memref<!tpu.dma_semaphore, #tpu.memory_space<semaphore_mem>>)
      tpu.wait_dma2 semaphore(%run_scoped3A : memref<!tpu.dma_semaphore, #tpu.memory_space<semaphore_mem>>) src(%arg3 : memref<1152xf32, #tpu.memory_space<hbm>>) dst(%arg5 : memref<1152xf32, #tpu.memory_space<vmem>>)
      tpu.yield
    }) : () -> ()
    %get3A = arith.constant 1040 : index
    %get3A_8 = tpu.vector_load %arg5[%get3A] {strides = array<i32>} : memref<1152xf32, #tpu.memory_space<vmem>>, vector<16xf32>,
    %get3A_9 = arith.constant 1056 : index
    %get3A_10 = tpu.vector_load %arg5[%get3A_9] {strides = array<i32>} : memref<1152xf32, #tpu.memory_space<vmem>>, vector<16xf32>,
    %get3A_11 = arith.constant 1072 : index
    %get3A_12 = tpu.vector_load %arg5[%get3A_11] {strides = array<i32>} : memref<1152xf32, #tpu.memory_space<vmem>>, vector<16xf32>,
    %get3A_13 = arith.constant 1088 : index
    %get3A_14 = tpu.vector_load %arg5[%get3A_13] {strides = array<i32>} : memref<1152xf32, #tpu.memory_space<vmem>>, vector<16xf32>,
    %get3A_15 = arith.constant 1104 : index
    %get3A_16 = tpu.vector_load %arg5[%get3A_15] {strides = array<i32>} : memref<1152xf32, #tpu.memory_space<vmem>>, vector<16xf32>,
    %get3A_17 = arith.constant 1120 : index
    %get3A_18 = tpu.vector_load %arg5[%get3A_17] {strides = array<i32>} : memref<1152xf32, #tpu.memory_space<vmem>>, vector<16xf32>,
    %get3A_19 = arith.constant 1136 : index
    %get3A_20 = tpu.vector_load %arg5[%get3A_19] {strides = array<i32>} : memref<1152xf32, #tpu.memory_space<vmem>>, vector<16xf32>,
    %iota3A = tpu.iota {dimensions = array<i32: 0>} : vector<16xi32>
    %scan3A = arith.constant 0 : i32
    %scan3A_21 = arith.constant 65 : i32
    %scan3A_22 = arith.addi %scan3A, %scan3A_21 : i32
    %scan3A_23 = arith.constant 1 : i32
    scf.for %scan3A_255 = %scan3A to %scan3A_22 step %scan3A_23  : i32 {
      %mul3A_256 = arith.constant 16 : i32
      %mul3A_257 = arith.muli %scan3A_255, %mul3A_256 : i32
      %add3A_258 = arith.constant 0 : i32
      %add3A_259 = arith.addi %add3A_258, %mul3A_257 : i32
      %add3A_260 = vector.broadcast %add3A_259 : i32 to vector<16xi32>
      %add3A_261 = arith.addi %iota3A, %add3A_260 : vector<16xi32>
      %sub3A = arith.constant 1 : i32
      %sub3A_262 = vector.broadcast %sub3A : i32 to vector<16xi32>
      %sub3A_263 = arith.subi %add3A_261, %sub3A_262 : vector<16xi32>
      %max3A = arith.constant 0 : i32
      %max3A_264 = vector.broadcast %max3A : i32 to vector<16xi32>
      %max3A_265 = arith.maxsi %sub3A_263, %max3A_264 : vector<16xi32>
      %min3A = arith.constant 1024 : i32
      %min3A_266 = vector.broadcast %min3A : i32 to vector<16xi32>
      %min3A_267 = arith.minsi %max3A_265, %min3A_266 : vector<16xi32>
      %min3A_268 = arith.constant 1024 : i32
      %min3A_269 = vector.broadcast %min3A_268 : i32 to vector<16xi32>
      %min3A_270 = arith.minsi %add3A_261, %min3A_269 : vector<16xi32>
      %gather3A = tpu.vector_load_idx %arg5[%min3A_267] : memref<1152xf32, #tpu.memory_space<vmem>>[vector<16xi32>], vector<16xf32>,
      %gather3A_271 = tpu.vector_load_idx %arg5[%min3A_270] : memref<1152xf32, #tpu.memory_space<vmem>>[vector<16xi32>], vector<16xf32>,
      %convert_element_type3A = arith.sitofp %min3A_267 : vector<16xi32> to vector<16xf32>
      %mul3A_272 = arith.mulf %convert_element_type3A, %get3A_20 : vector<16xf32>
      %add3A_273 = arith.addf %mul3A_272, %get3A_18 : vector<16xf32>
      %sub3A_274 = arith.subf %gather3A_271, %gather3A : vector<16xf32>
      %mul3A_275 = arith.mulf %sub3A_274, %get3A_16 : vector<16xf32>
      %eq3A = arith.constant 0 : i32
      %eq3A_276 = vector.broadcast %eq3A : i32 to vector<16xi32>
      %eq3A_277 = arith.cmpi eq, %add3A_261, %eq3A_276 : vector<16xi32>
      %eq3A_278 = arith.constant 1025 : i32
      %eq3A_279 = vector.broadcast %eq3A_278 : i32 to vector<16xi32>
      %eq3A_280 = arith.cmpi eq, %add3A_261, %eq3A_279 : vector<16xi32>
      %mul3A_281 = arith.mulf %mul3A_275, %add3A_273 : vector<16xf32>
      %sub3A_282 = arith.subf %gather3A, %mul3A_281 : vector<16xf32>
      %jit3A = arith.constant 1.000000e+00 : f32
      %broadcast_in_dim3A = vector.broadcast %jit3A : f32 to vector<16xf32>
      %select_n3A = arith.select %eq3A_280, %broadcast_in_dim3A, %sub3A_282 : vector<16xi1>, vector<16xf32>
      %jit3A_283 = arith.constant 0.000000e+00 : f32
      %broadcast_in_dim3A_284 = vector.broadcast %jit3A_283 : f32 to vector<16xf32>
      %select_n3A_285 = arith.select %eq3A_277, %broadcast_in_dim3A_284, %select_n3A : vector<16xi1>, vector<16xf32>
      %swap3A = arith.index_cast %add3A_259 : i32 to index
      %swap3A_286 = tpu.vector_load %arg6[%swap3A] {strides = array<i32>} : memref<1040xf32, #tpu.memory_space<vmem>>, vector<16xf32>,
      tpu.vector_store %arg6[%swap3A], %select_n3A_285 {strides = array<i32>} : memref<1040xf32, #tpu.memory_space<vmem>>, vector<16xf32>,
      %swap3A_287 = arith.index_cast %add3A_259 : i32 to index
      %swap3A_288 = tpu.vector_load %arg7[%swap3A_287] {strides = array<i32>} : memref<1040xf32, #tpu.memory_space<vmem>>, vector<16xf32>,
      tpu.vector_store %arg7[%swap3A_287], %mul3A_275 {strides = array<i32>} : memref<1040xf32, #tpu.memory_space<vmem>>, vector<16xf32>,
      %jit3A_289 = arith.constant -5.000000e-02 : f32
      %jit3A_290 = arith.constant 0.000000e+00 : f32
      %broadcast_in_dim3A_291 = vector.broadcast %jit3A_289 : f32 to vector<16xf32>
      %broadcast_in_dim3A_292 = vector.broadcast %jit3A_290 : f32 to vector<16xf32>
      %select_n3A_293 = arith.select %eq3A_280, %broadcast_in_dim3A_291, %broadcast_in_dim3A_292 : vector<16xi1>, vector<16xf32>
      %jit3A_294 = arith.constant 5.000000e-02 : f32
      %broadcast_in_dim3A_295 = vector.broadcast %jit3A_294 : f32 to vector<16xf32>
      %select_n3A_296 = arith.select %eq3A_277, %broadcast_in_dim3A_295, %select_n3A_293 : vector<16xi1>, vector<16xf32>
      %swap3A_297 = arith.index_cast %add3A_259 : i32 to index
      %swap3A_298 = tpu.vector_load %arg8[%swap3A_297] {strides = array<i32>} : memref<1040xf32, #tpu.memory_space<vmem>>, vector<16xf32>,
      tpu.vector_store %arg8[%swap3A_297], %select_n3A_296 {strides = array<i32>} : memref<1040xf32, #tpu.memory_space<vmem>>, vector<16xf32>,
    }
    %scan3A_24 = arith.constant 65 : i32
    %dma_wait3A = tpu.memref_slice %arg2[%mul3A_2] : memref<8388608xf32, #tpu.memory_space<hbm>> -> memref<16384xf32, #tpu.memory_space<hbm>>
    %dma_wait3A_25 = tpu.memref_slice %arg2[%mul3A_2] : memref<8388608xf32, #tpu.memory_space<hbm>> -> memref<16384xf32, #tpu.memory_space<hbm>>
    tpu.wait_dma2 semaphore(%arg13 : memref<!tpu.dma_semaphore, #tpu.memory_space<semaphore_mem>>) src(%dma_wait3A_25 : memref<16384xf32, #tpu.memory_space<hbm>>) dst(%arg9 : memref<16384xf32, #tpu.memory_space<vmem>>)
    %parallel_loop3A = arith.constant 0 : i32
    %parallel_loop3A_26 = arith.constant 16384 : i32
    %parallel_loop3A_27 = arith.constant 16 : i32
    scf.for %parallel_loop3A_255 = %parallel_loop3A to %parallel_loop3A_26 step %parallel_loop3A_27  : i32 {
      %parallel_loop3A_256 = arith.index_cast %parallel_loop3A_255 : i32 to index
      %parallel_loop3A_257 = tpu.vector_load %arg9[%parallel_loop3A_256] {strides = array<i32>} : memref<16384xf32, #tpu.memory_space<vmem>>, vector<16xf32>,
      %parallel_loop3A_258 = arith.mulf %parallel_loop3A_257, %get3A_8 : vector<16xf32>
      %parallel_loop3A_259 = arith.addf %parallel_loop3A_258, %get3A_10 : vector<16xf32>
      %parallel_loop3A_260 = arith.constant 0.000000e+00 : f32
      %parallel_loop3A_261 = vector.broadcast %parallel_loop3A_260 : f32 to vector<16xf32>
      %parallel_loop3A_262 = arith.maximumf %parallel_loop3A_259, %parallel_loop3A_261 : vector<16xf32>
      %parallel_loop3A_263 = arith.constant 1.025000e+03 : f32
      %parallel_loop3A_264 = vector.broadcast %parallel_loop3A_263 : f32 to vector<16xf32>
      %parallel_loop3A_265 = arith.minimumf %parallel_loop3A_262, %parallel_loop3A_264 : vector<16xf32>
      %parallel_loop3A_266 = arith.fptosi %parallel_loop3A_265 : vector<16xf32> to vector<16xi32>
      %parallel_loop3A_267 = tpu.vector_load_idx %arg6[%parallel_loop3A_266] : memref<1040xf32, #tpu.memory_space<vmem>>[vector<16xi32>], vector<16xf32>,
      %parallel_loop3A_268 = tpu.vector_load_idx %arg7[%parallel_loop3A_266] : memref<1040xf32, #tpu.memory_space<vmem>>[vector<16xi32>], vector<16xf32>,
      %parallel_loop3A_269 = tpu.vector_load_idx %arg8[%parallel_loop3A_266] : memref<1040xf32, #tpu.memory_space<vmem>>[vector<16xi32>], vector<16xf32>,
      %parallel_loop3A_270 = arith.subf %parallel_loop3A_257, %get3A_12 : vector<16xf32>
      %parallel_loop3A_271 = math.absf %parallel_loop3A_270 : vector<16xf32>
      %parallel_loop3A_272 = arith.constant 1.000000e-01 : f32
      %parallel_loop3A_273 = vector.broadcast %parallel_loop3A_272 : f32 to vector<16xf32>
      %parallel_loop3A_274 = arith.mulf %parallel_loop3A_271, %parallel_loop3A_273 : vector<16xf32>
      %parallel_loop3A_275 = arith.addf %parallel_loop3A_274, %get3A_14 : vector<16xf32>
      %parallel_loop3A_276 = arith.mulf %parallel_loop3A_275, %parallel_loop3A_275 : vector<16xf32>
      %parallel_loop3A_277 = arith.mulf %parallel_loop3A_276, %parallel_loop3A_276 : vector<16xf32>
      %parallel_loop3A_278 = arith.mulf %parallel_loop3A_277, %parallel_loop3A_277 : vector<16xf32>
      %parallel_loop3A_279 = arith.mulf %parallel_loop3A_278, %parallel_loop3A_276 : vector<16xf32>
      %parallel_loop3A_280 = arith.constant 1.000000e+00 : f32
      %parallel_loop3A_281 = vector.broadcast %parallel_loop3A_280 : f32 to vector<16xf32>
      %parallel_loop3A_282 = arith.divf %parallel_loop3A_281, %parallel_loop3A_279 : vector<16xf32>
      %parallel_loop3A_283 = arith.mulf %parallel_loop3A_268, %parallel_loop3A_257 : vector<16xf32>
      %parallel_loop3A_284 = arith.addf %parallel_loop3A_267, %parallel_loop3A_283 : vector<16xf32>
      %parallel_loop3A_285 = arith.mulf %parallel_loop3A_269, %parallel_loop3A_282 : vector<16xf32>
      %parallel_loop3A_286 = arith.addf %parallel_loop3A_284, %parallel_loop3A_285 : vector<16xf32>
      %parallel_loop3A_287 = arith.index_cast %parallel_loop3A_255 : i32 to index
      %parallel_loop3A_288 = tpu.vector_load %arg11[%parallel_loop3A_287] {strides = array<i32>} : memref<16384xf32, #tpu.memory_space<vmem>>, vector<16xf32>,
      tpu.vector_store %arg11[%parallel_loop3A_287], %parallel_loop3A_286 {strides = array<i32>} : memref<16384xf32, #tpu.memory_space<vmem>>, vector<16xf32>,
    } {sc.loop_unroll_factor = 2 : i64, sc.parallel_access}
    %add3A_28 = arith.constant 0 : i32
    %add3A_29 = arith.addi %mul3A_2, %add3A_28 : i32
    %dma_start3A_30 = tpu.memref_slice %arg4[%add3A_29] : memref<8388608xf32, #tpu.memory_space<hbm>> -> memref<16384xf32, #tpu.memory_space<hbm>>
    %dma_start3A_31 = tpu.memref_slice %arg4[%add3A_29] : memref<8388608xf32, #tpu.memory_space<hbm>> -> memref<16384xf32, #tpu.memory_space<hbm>>
    tpu.enqueue_dma source(%arg11 : memref<16384xf32, #tpu.memory_space<vmem>>) target(%dma_start3A_31 : memref<16384xf32, #tpu.memory_space<hbm>>) target_semaphore(%arg15 : memref<!tpu.dma_semaphore, #tpu.memory_space<semaphore_mem>>)
    %add3A_32 = arith.constant 32768 : i32
    %add3A_33 = arith.addi %mul3A_2, %add3A_32 : i32
    %dma_start3A_34 = tpu.memref_slice %arg2[%add3A_33] : memref<8388608xf32, #tpu.memory_space<hbm>> -> memref<16384xf32, #tpu.memory_space<hbm>>
    %dma_start3A_35 = tpu.memref_slice %arg2[%add3A_33] : memref<8388608xf32, #tpu.memory_space<hbm>> -> memref<16384xf32, #tpu.memory_space<hbm>>
    tpu.enqueue_dma source(%dma_start3A_35 : memref<16384xf32, #tpu.memory_space<hbm>>) target(%arg9 : memref<16384xf32, #tpu.memory_space<vmem>>) target_semaphore(%arg13 : memref<!tpu.dma_semaphore, #tpu.memory_space<semaphore_mem>>)
    %dma_wait3A_36 = tpu.memref_slice %arg2[%add3A_5] : memref<8388608xf32, #tpu.memory_space<hbm>> -> memref<16384xf32, #tpu.memory_space<hbm>>
    %dma_wait3A_37 = tpu.memref_slice %arg2[%add3A_5] : memref<8388608xf32, #tpu.memory_space<hbm>> -> memref<16384xf32, #tpu.memory_space<hbm>>
    tpu.wait_dma2 semaphore(%arg14 : memref<!tpu.dma_semaphore, #tpu.memory_space<semaphore_mem>>) src(%dma_wait3A_37 : memref<16384xf32, #tpu.memory_space<hbm>>) dst(%arg10 : memref<16384xf32, #tpu.memory_space<vmem>>)
    %parallel_loop3A_38 = arith.constant 0 : i32
    %parallel_loop3A_39 = arith.constant 16384 : i32
    %parallel_loop3A_40 = arith.constant 16 : i32
    scf.for %parallel_loop3A_255 = %parallel_loop3A_38 to %parallel_loop3A_39 step %parallel_loop3A_40  : i32 {
      %parallel_loop3A_256 = arith.index_cast %parallel_loop3A_255 : i32 to index
      %parallel_loop3A_257 = tpu.vector_load %arg10[%parallel_loop3A_256] {strides = array<i32>} : memref<16384xf32, #tpu.memory_space<vmem>>, vector<16xf32>,
      %parallel_loop3A_258 = arith.mulf %parallel_loop3A_257, %get3A_8 : vector<16xf32>
      %parallel_loop3A_259 = arith.addf %parallel_loop3A_258, %get3A_10 : vector<16xf32>
      %parallel_loop3A_260 = arith.constant 0.000000e+00 : f32
      %parallel_loop3A_261 = vector.broadcast %parallel_loop3A_260 : f32 to vector<16xf32>
      %parallel_loop3A_262 = arith.maximumf %parallel_loop3A_259, %parallel_loop3A_261 : vector<16xf32>
      %parallel_loop3A_263 = arith.constant 1.025000e+03 : f32
      %parallel_loop3A_264 = vector.broadcast %parallel_loop3A_263 : f32 to vector<16xf32>
      %parallel_loop3A_265 = arith.minimumf %parallel_loop3A_262, %parallel_loop3A_264 : vector<16xf32>
      %parallel_loop3A_266 = arith.fptosi %parallel_loop3A_265 : vector<16xf32> to vector<16xi32>
      %parallel_loop3A_267 = tpu.vector_load_idx %arg6[%parallel_loop3A_266] : memref<1040xf32, #tpu.memory_space<vmem>>[vector<16xi32>], vector<16xf32>,
      %parallel_loop3A_268 = tpu.vector_load_idx %arg7[%parallel_loop3A_266] : memref<1040xf32, #tpu.memory_space<vmem>>[vector<16xi32>], vector<16xf32>,
      %parallel_loop3A_269 = tpu.vector_load_idx %arg8[%parallel_loop3A_266] : memref<1040xf32, #tpu.memory_space<vmem>>[vector<16xi32>], vector<16xf32>,
      %parallel_loop3A_270 = arith.subf %parallel_loop3A_257, %get3A_12 : vector<16xf32>
      %parallel_loop3A_271 = math.absf %parallel_loop3A_270 : vector<16xf32>
      %parallel_loop3A_272 = arith.constant 1.000000e-01 : f32
      %parallel_loop3A_273 = vector.broadcast %parallel_loop3A_272 : f32 to vector<16xf32>
      %parallel_loop3A_274 = arith.mulf %parallel_loop3A_271, %parallel_loop3A_273 : vector<16xf32>
      %parallel_loop3A_275 = arith.addf %parallel_loop3A_274, %get3A_14 : vector<16xf32>
      %parallel_loop3A_276 = arith.mulf %parallel_loop3A_275, %parallel_loop3A_275 : vector<16xf32>
      %parallel_loop3A_277 = arith.mulf %parallel_loop3A_276, %parallel_loop3A_276 : vector<16xf32>
      %parallel_loop3A_278 = arith.mulf %parallel_loop3A_277, %parallel_loop3A_277 : vector<16xf32>
      %parallel_loop3A_279 = arith.mulf %parallel_loop3A_278, %parallel_loop3A_276 : vector<16xf32>
      %parallel_loop3A_280 = arith.constant 1.000000e+00 : f32
      %parallel_loop3A_281 = vector.broadcast %parallel_loop3A_280 : f32 to vector<16xf32>
      %parallel_loop3A_282 = arith.divf %parallel_loop3A_281, %parallel_loop3A_279 : vector<16xf32>
      %parallel_loop3A_283 = arith.mulf %parallel_loop3A_268, %parallel_loop3A_257 : vector<16xf32>
      %parallel_loop3A_284 = arith.addf %parallel_loop3A_267, %parallel_loop3A_283 : vector<16xf32>
      %parallel_loop3A_285 = arith.mulf %parallel_loop3A_269, %parallel_loop3A_282 : vector<16xf32>
      %parallel_loop3A_286 = arith.addf %parallel_loop3A_284, %parallel_loop3A_285 : vector<16xf32>
      %parallel_loop3A_287 = arith.index_cast %parallel_loop3A_255 : i32 to index
      %parallel_loop3A_288 = tpu.vector_load %arg12[%parallel_loop3A_287] {strides = array<i32>} : memref<16384xf32, #tpu.memory_space<vmem>>, vector<16xf32>,
      tpu.vector_store %arg12[%parallel_loop3A_287], %parallel_loop3A_286 {strides = array<i32>} : memref<16384xf32, #tpu.memory_space<vmem>>, vector<16xf32>,
    } {sc.loop_unroll_factor = 2 : i64, sc.parallel_access}
    %add3A_41 = arith.constant 16384 : i32
    %add3A_42 = arith.addi %mul3A_2, %add3A_41 : i32
    %dma_start3A_43 = tpu.memref_slice %arg4[%add3A_42] : memref<8388608xf32, #tpu.memory_space<hbm>> -> memref<16384xf32, #tpu.memory_space<hbm>>
    %dma_start3A_44 = tpu.memref_slice %arg4[%add3A_42] : memref<8388608xf32, #tpu.memory_space<hbm>> -> memref<16384xf32, #tpu.memory_space<hbm>>
    tpu.enqueue_dma source(%arg12 : memref<16384xf32, #tpu.memory_space<vmem>>) target(%dma_start3A_44 : memref<16384xf32, #tpu.memory_space<hbm>>) target_semaphore(%arg16 : memref<!tpu.dma_semaphore, #tpu.memory_space<semaphore_mem>>)
    %add3A_45 = arith.constant 49152 : i32
    %add3A_46 = arith.addi %mul3A_2, %add3A_45 : i32
    %dma_start3A_47 = tpu.memref_slice %arg2[%add3A_46] : memref<8388608xf32, #tpu.memory_space<hbm>> -> memref<16384xf32, #tpu.memory_space<hbm>>
    %dma_start3A_48 = tpu.memref_slice %arg2[%add3A_46] : memref<8388608xf32, #tpu.memory_space<hbm>> -> memref<16384xf32, #tpu.memory_space<hbm>>
    tpu.enqueue_dma source(%dma_start3A_48 : memref<16384xf32, #tpu.memory_space<hbm>>) target(%arg10 : memref<16384xf32, #tpu.memory_space<vmem>>) target_semaphore(%arg14 : memref<!tpu.dma_semaphore, #tpu.memory_space<semaphore_mem>>)
    %dma_wait3A_49 = tpu.memref_slice %arg2[%add3A_33] : memref<8388608xf32, #tpu.memory_space<hbm>> -> memref<16384xf32, #tpu.memory_space<hbm>>
    %dma_wait3A_50 = tpu.memref_slice %arg2[%add3A_33] : memref<8388608xf32, #tpu.memory_space<hbm>> -> memref<16384xf32, #tpu.memory_space<hbm>>
    tpu.wait_dma2 semaphore(%arg13 : memref<!tpu.dma_semaphore, #tpu.memory_space<semaphore_mem>>) src(%dma_wait3A_50 : memref<16384xf32, #tpu.memory_space<hbm>>) dst(%arg9 : memref<16384xf32, #tpu.memory_space<vmem>>)
    %dma_wait3A_51 = tpu.memref_slice %arg4[%add3A_29] : memref<8388608xf32, #tpu.memory_space<hbm>> -> memref<16384xf32, #tpu.memory_space<hbm>>
    %dma_wait3A_52 = tpu.memref_slice %arg4[%add3A_29] : memref<8388608xf32, #tpu.memory_space<hbm>> -> memref<16384xf32, #tpu.memory_space<hbm>>
    tpu.wait_dma2 semaphore(%arg15 : memref<!tpu.dma_semaphore, #tpu.memory_space<semaphore_mem>>) src(%arg11 : memref<16384xf32, #tpu.memory_space<vmem>>) dst(%dma_wait3A_52 : memref<16384xf32, #tpu.memory_space<hbm>>)
    %parallel_loop3A_53 = arith.constant 0 : i32
    %parallel_loop3A_54 = arith.constant 16384 : i32
    %parallel_loop3A_55 = arith.constant 16 : i32
    scf.for %parallel_loop3A_255 = %parallel_loop3A_53 to %parallel_loop3A_54 step %parallel_loop3A_55  : i32 {
      %parallel_loop3A_256 = arith.index_cast %parallel_loop3A_255 : i32 to index
      %parallel_loop3A_257 = tpu.vector_load %arg9[%parallel_loop3A_256] {strides = array<i32>} : memref<16384xf32, #tpu.memory_space<vmem>>, vector<16xf32>,
      %parallel_loop3A_258 = arith.mulf %parallel_loop3A_257, %get3A_8 : vector<16xf32>
      %parallel_loop3A_259 = arith.addf %parallel_loop3A_258, %get3A_10 : vector<16xf32>
      %parallel_loop3A_260 = arith.constant 0.000000e+00 : f32
      %parallel_loop3A_261 = vector.broadcast %parallel_loop3A_260 : f32 to vector<16xf32>
      %parallel_loop3A_262 = arith.maximumf %parallel_loop3A_259, %parallel_loop3A_261 : vector<16xf32>
      %parallel_loop3A_263 = arith.constant 1.025000e+03 : f32
      %parallel_loop3A_264 = vector.broadcast %parallel_loop3A_263 : f32 to vector<16xf32>
      %parallel_loop3A_265 = arith.minimumf %parallel_loop3A_262, %parallel_loop3A_264 : vector<16xf32>
      %parallel_loop3A_266 = arith.fptosi %parallel_loop3A_265 : vector<16xf32> to vector<16xi32>
      %parallel_loop3A_267 = tpu.vector_load_idx %arg6[%parallel_loop3A_266] : memref<1040xf32, #tpu.memory_space<vmem>>[vector<16xi32>], vector<16xf32>,
      %parallel_loop3A_268 = tpu.vector_load_idx %arg7[%parallel_loop3A_266] : memref<1040xf32, #tpu.memory_space<vmem>>[vector<16xi32>], vector<16xf32>,
      %parallel_loop3A_269 = tpu.vector_load_idx %arg8[%parallel_loop3A_266] : memref<1040xf32, #tpu.memory_space<vmem>>[vector<16xi32>], vector<16xf32>,
      %parallel_loop3A_270 = arith.subf %parallel_loop3A_257, %get3A_12 : vector<16xf32>
      %parallel_loop3A_271 = math.absf %parallel_loop3A_270 : vector<16xf32>
      %parallel_loop3A_272 = arith.constant 1.000000e-01 : f32
      %parallel_loop3A_273 = vector.broadcast %parallel_loop3A_272 : f32 to vector<16xf32>
      %parallel_loop3A_274 = arith.mulf %parallel_loop3A_271, %parallel_loop3A_273 : vector<16xf32>
      %parallel_loop3A_275 = arith.addf %parallel_loop3A_274, %get3A_14 : vector<16xf32>
      %parallel_loop3A_276 = arith.mulf %parallel_loop3A_275, %parallel_loop3A_275 : vector<16xf32>
      %parallel_loop3A_277 = arith.mulf %parallel_loop3A_276, %parallel_loop3A_276 : vector<16xf32>
      %parallel_loop3A_278 = arith.mulf %parallel_loop3A_277, %parallel_loop3A_277 : vector<16xf32>
      %parallel_loop3A_279 = arith.mulf %parallel_loop3A_278, %parallel_loop3A_276 : vector<16xf32>
      %parallel_loop3A_280 = arith.constant 1.000000e+00 : f32
      %parallel_loop3A_281 = vector.broadcast %parallel_loop3A_280 : f32 to vector<16xf32>
      %parallel_loop3A_282 = arith.divf %parallel_loop3A_281, %parallel_loop3A_279 : vector<16xf32>
      %parallel_loop3A_283 = arith.mulf %parallel_loop3A_268, %parallel_loop3A_257 : vector<16xf32>
      %parallel_loop3A_284 = arith.addf %parallel_loop3A_267, %parallel_loop3A_283 : vector<16xf32>
      %parallel_loop3A_285 = arith.mulf %parallel_loop3A_269, %parallel_loop3A_282 : vector<16xf32>
      %parallel_loop3A_286 = arith.addf %parallel_loop3A_284, %parallel_loop3A_285 : vector<16xf32>
      %parallel_loop3A_287 = arith.index_cast %parallel_loop3A_255 : i32 to index
      %parallel_loop3A_288 = tpu.vector_load %arg11[%parallel_loop3A_287] {strides = array<i32>} : memref<16384xf32, #tpu.memory_space<vmem>>, vector<16xf32>,
      tpu.vector_store %arg11[%parallel_loop3A_287], %parallel_loop3A_286 {strides = array<i32>} : memref<16384xf32, #tpu.memory_space<vmem>>, vector<16xf32>,
    } {sc.loop_unroll_factor = 2 : i64, sc.parallel_access}
    %add3A_56 = arith.constant 32768 : i32
    %add3A_57 = arith.addi %mul3A_2, %add3A_56 : i32
    %dma_start3A_58 = tpu.memref_slice %arg4[%add3A_57] : memref<8388608xf32, #tpu.memory_space<hbm>> -> memref<16384xf32, #tpu.memory_space<hbm>>
    %dma_start3A_59 = tpu.memref_slice %arg4[%add3A_57] : memref<8388608xf32, #tpu.memory_space<hbm>> -> memref<16384xf32, #tpu.memory_space<hbm>>
    tpu.enqueue_dma source(%arg11 : memref<16384xf32, #tpu.memory_space<vmem>>) target(%dma_start3A_59 : memref<16384xf32, #tpu.memory_space<hbm>>) target_semaphore(%arg15 : memref<!tpu.dma_semaphore, #tpu.memory_space<semaphore_mem>>)
    %add3A_60 = arith.constant 65536 : i32
    %add3A_61 = arith.addi %mul3A_2, %add3A_60 : i32
    %dma_start3A_62 = tpu.memref_slice %arg2[%add3A_61] : memref<8388608xf32, #tpu.memory_space<hbm>> -> memref<16384xf32, #tpu.memory_space<hbm>>
    %dma_start3A_63 = tpu.memref_slice %arg2[%add3A_61] : memref<8388608xf32, #tpu.memory_space<hbm>> -> memref<16384xf32, #tpu.memory_space<hbm>>
    tpu.enqueue_dma source(%dma_start3A_63 : memref<16384xf32, #tpu.memory_space<hbm>>) target(%arg9 : memref<16384xf32, #tpu.memory_space<vmem>>) target_semaphore(%arg13 : memref<!tpu.dma_semaphore, #tpu.memory_space<semaphore_mem>>)
    %dma_wait3A_64 = tpu.memref_slice %arg2[%add3A_46] : memref<8388608xf32, #tpu.memory_space<hbm>> -> memref<16384xf32, #tpu.memory_space<hbm>>
    %dma_wait3A_65 = tpu.memref_slice %arg2[%add3A_46] : memref<8388608xf32, #tpu.memory_space<hbm>> -> memref<16384xf32, #tpu.memory_space<hbm>>
    tpu.wait_dma2 semaphore(%arg14 : memref<!tpu.dma_semaphore, #tpu.memory_space<semaphore_mem>>) src(%dma_wait3A_65 : memref<16384xf32, #tpu.memory_space<hbm>>) dst(%arg10 : memref<16384xf32, #tpu.memory_space<vmem>>)
    %dma_wait3A_66 = tpu.memref_slice %arg4[%add3A_42] : memref<8388608xf32, #tpu.memory_space<hbm>> -> memref<16384xf32, #tpu.memory_space<hbm>>
    %dma_wait3A_67 = tpu.memref_slice %arg4[%add3A_42] : memref<8388608xf32, #tpu.memory_space<hbm>> -> memref<16384xf32, #tpu.memory_space<hbm>>
    tpu.wait_dma2 semaphore(%arg16 : memref<!tpu.dma_semaphore, #tpu.memory_space<semaphore_mem>>) src(%arg12 : memref<16384xf32, #tpu.memory_space<vmem>>) dst(%dma_wait3A_67 : memref<16384xf32, #tpu.memory_space<hbm>>)
    %parallel_loop3A_68 = arith.constant 0 : i32
    %parallel_loop3A_69 = arith.constant 16384 : i32
    %parallel_loop3A_70 = arith.constant 16 : i32
    scf.for %parallel_loop3A_255 = %parallel_loop3A_68 to %parallel_loop3A_69 step %parallel_loop3A_70  : i32 {
      %parallel_loop3A_256 = arith.index_cast %parallel_loop3A_255 : i32 to index
      %parallel_loop3A_257 = tpu.vector_load %arg10[%parallel_loop3A_256] {strides = array<i32>} : memref<16384xf32, #tpu.memory_space<vmem>>, vector<16xf32>,
      %parallel_loop3A_258 = arith.mulf %parallel_loop3A_257, %get3A_8 : vector<16xf32>
      %parallel_loop3A_259 = arith.addf %parallel_loop3A_258, %get3A_10 : vector<16xf32>
      %parallel_loop3A_260 = arith.constant 0.000000e+00 : f32
      %parallel_loop3A_261 = vector.broadcast %parallel_loop3A_260 : f32 to vector<16xf32>
      %parallel_loop3A_262 = arith.maximumf %parallel_loop3A_259, %parallel_loop3A_261 : vector<16xf32>
      %parallel_loop3A_263 = arith.constant 1.025000e+03 : f32
      %parallel_loop3A_264 = vector.broadcast %parallel_loop3A_263 : f32 to vector<16xf32>
      %parallel_loop3A_265 = arith.minimumf %parallel_loop3A_262, %parallel_loop3A_264 : vector<16xf32>
      %parallel_loop3A_266 = arith.fptosi %parallel_loop3A_265 : vector<16xf32> to vector<16xi32>
      %parallel_loop3A_267 = tpu.vector_load_idx %arg6[%parallel_loop3A_266] : memref<1040xf32, #tpu.memory_space<vmem>>[vector<16xi32>], vector<16xf32>,
      %parallel_loop3A_268 = tpu.vector_load_idx %arg7[%parallel_loop3A_266] : memref<1040xf32, #tpu.memory_space<vmem>>[vector<16xi32>], vector<16xf32>,
      %parallel_loop3A_269 = tpu.vector_load_idx %arg8[%parallel_loop3A_266] : memref<1040xf32, #tpu.memory_space<vmem>>[vector<16xi32>], vector<16xf32>,
      %parallel_loop3A_270 = arith.subf %parallel_loop3A_257, %get3A_12 : vector<16xf32>
      %parallel_loop3A_271 = math.absf %parallel_loop3A_270 : vector<16xf32>
      %parallel_loop3A_272 = arith.constant 1.000000e-01 : f32
      %parallel_loop3A_273 = vector.broadcast %parallel_loop3A_272 : f32 to vector<16xf32>
      %parallel_loop3A_274 = arith.mulf %parallel_loop3A_271, %parallel_loop3A_273 : vector<16xf32>
      %parallel_loop3A_275 = arith.addf %parallel_loop3A_274, %get3A_14 : vector<16xf32>
      %parallel_loop3A_276 = arith.mulf %parallel_loop3A_275, %parallel_loop3A_275 : vector<16xf32>
      %parallel_loop3A_277 = arith.mulf %parallel_loop3A_276, %parallel_loop3A_276 : vector<16xf32>
      %parallel_loop3A_278 = arith.mulf %parallel_loop3A_277, %parallel_loop3A_277 : vector<16xf32>
      %parallel_loop3A_279 = arith.mulf %parallel_loop3A_278, %parallel_loop3A_276 : vector<16xf32>
      %parallel_loop3A_280 = arith.constant 1.000000e+00 : f32
      %parallel_loop3A_281 = vector.broadcast %parallel_loop3A_280 : f32 to vector<16xf32>
      %parallel_loop3A_282 = arith.divf %parallel_loop3A_281, %parallel_loop3A_279 : vector<16xf32>
      %parallel_loop3A_283 = arith.mulf %parallel_loop3A_268, %parallel_loop3A_257 : vector<16xf32>
      %parallel_loop3A_284 = arith.addf %parallel_loop3A_267, %parallel_loop3A_283 : vector<16xf32>
      %parallel_loop3A_285 = arith.mulf %parallel_loop3A_269, %parallel_loop3A_282 : vector<16xf32>
      %parallel_loop3A_286 = arith.addf %parallel_loop3A_284, %parallel_loop3A_285 : vector<16xf32>
      %parallel_loop3A_287 = arith.index_cast %parallel_loop3A_255 : i32 to index
      %parallel_loop3A_288 = tpu.vector_load %arg12[%parallel_loop3A_287] {strides = array<i32>} : memref<16384xf32, #tpu.memory_space<vmem>>, vector<16xf32>,
      tpu.vector_store %arg12[%parallel_loop3A_287], %parallel_loop3A_286 {strides = array<i32>} : memref<16384xf32, #tpu.memory_space<vmem>>, vector<16xf32>,
    } {sc.loop_unroll_factor = 2 : i64, sc.parallel_access}
    %add3A_71 = arith.constant 49152 : i32
    %add3A_72 = arith.addi %mul3A_2, %add3A_71 : i32
    %dma_start3A_73 = tpu.memref_slice %arg4[%add3A_72] : memref<8388608xf32, #tpu.memory_space<hbm>> -> memref<16384xf32, #tpu.memory_space<hbm>>
    %dma_start3A_74 = tpu.memref_slice %arg4[%add3A_72] : memref<8388608xf32, #tpu.memory_space<hbm>> -> memref<16384xf32, #tpu.memory_space<hbm>>
    tpu.enqueue_dma source(%arg12 : memref<16384xf32, #tpu.memory_space<vmem>>) target(%dma_start3A_74 : memref<16384xf32, #tpu.memory_space<hbm>>) target_semaphore(%arg16 : memref<!tpu.dma_semaphore, #tpu.memory_space<semaphore_mem>>)
    %add3A_75 = arith.constant 81920 : i32
    %add3A_76 = arith.addi %mul3A_2, %add3A_75 : i32
    %dma_start3A_77 = tpu.memref_slice %arg2[%add3A_76] : memref<8388608xf32, #tpu.memory_space<hbm>> -> memref<16384xf32, #tpu.memory_space<hbm>>
    %dma_start3A_78 = tpu.memref_slice %arg2[%add3A_76] : memref<8388608xf32, #tpu.memory_space<hbm>> -> memref<16384xf32, #tpu.memory_space<hbm>>
    tpu.enqueue_dma source(%dma_start3A_78 : memref<16384xf32, #tpu.memory_space<hbm>>) target(%arg10 : memref<16384xf32, #tpu.memory_space<vmem>>) target_semaphore(%arg14 : memref<!tpu.dma_semaphore, #tpu.memory_space<semaphore_mem>>)
    %dma_wait3A_79 = tpu.memref_slice %arg2[%add3A_61] : memref<8388608xf32, #tpu.memory_space<hbm>> -> memref<16384xf32, #tpu.memory_space<hbm>>
    %dma_wait3A_80 = tpu.memref_slice %arg2[%add3A_61] : memref<8388608xf32, #tpu.memory_space<hbm>> -> memref<16384xf32, #tpu.memory_space<hbm>>
    tpu.wait_dma2 semaphore(%arg13 : memref<!tpu.dma_semaphore, #tpu.memory_space<semaphore_mem>>) src(%dma_wait3A_80 : memref<16384xf32, #tpu.memory_space<hbm>>) dst(%arg9 : memref<16384xf32, #tpu.memory_space<vmem>>)
    %dma_wait3A_81 = tpu.memref_slice %arg4[%add3A_57] : memref<8388608xf32, #tpu.memory_space<hbm>> -> memref<16384xf32, #tpu.memory_space<hbm>>
    %dma_wait3A_82 = tpu.memref_slice %arg4[%add3A_57] : memref<8388608xf32, #tpu.memory_space<hbm>> -> memref<16384xf32, #tpu.memory_space<hbm>>
    tpu.wait_dma2 semaphore(%arg15 : memref<!tpu.dma_semaphore, #tpu.memory_space<semaphore_mem>>) src(%arg11 : memref<16384xf32, #tpu.memory_space<vmem>>) dst(%dma_wait3A_82 : memref<16384xf32, #tpu.memory_space<hbm>>)
    %parallel_loop3A_83 = arith.constant 0 : i32
    %parallel_loop3A_84 = arith.constant 16384 : i32
    %parallel_loop3A_85 = arith.constant 16 : i32
    scf.for %parallel_loop3A_255 = %parallel_loop3A_83 to %parallel_loop3A_84 step %parallel_loop3A_85  : i32 {
      %parallel_loop3A_256 = arith.index_cast %parallel_loop3A_255 : i32 to index
      %parallel_loop3A_257 = tpu.vector_load %arg9[%parallel_loop3A_256] {strides = array<i32>} : memref<16384xf32, #tpu.memory_space<vmem>>, vector<16xf32>,
      %parallel_loop3A_258 = arith.mulf %parallel_loop3A_257, %get3A_8 : vector<16xf32>
      %parallel_loop3A_259 = arith.addf %parallel_loop3A_258, %get3A_10 : vector<16xf32>
      %parallel_loop3A_260 = arith.constant 0.000000e+00 : f32
      %parallel_loop3A_261 = vector.broadcast %parallel_loop3A_260 : f32 to vector<16xf32>
      %parallel_loop3A_262 = arith.maximumf %parallel_loop3A_259, %parallel_loop3A_261 : vector<16xf32>
      %parallel_loop3A_263 = arith.constant 1.025000e+03 : f32
      %parallel_loop3A_264 = vector.broadcast %parallel_loop3A_263 : f32 to vector<16xf32>
      %parallel_loop3A_265 = arith.minimumf %parallel_loop3A_262, %parallel_loop3A_264 : vector<16xf32>
      %parallel_loop3A_266 = arith.fptosi %parallel_loop3A_265 : vector<16xf32> to vector<16xi32>
      %parallel_loop3A_267 = tpu.vector_load_idx %arg6[%parallel_loop3A_266] : memref<1040xf32, #tpu.memory_space<vmem>>[vector<16xi32>], vector<16xf32>,
      %parallel_loop3A_268 = tpu.vector_load_idx %arg7[%parallel_loop3A_266] : memref<1040xf32, #tpu.memory_space<vmem>>[vector<16xi32>], vector<16xf32>,
      %parallel_loop3A_269 = tpu.vector_load_idx %arg8[%parallel_loop3A_266] : memref<1040xf32, #tpu.memory_space<vmem>>[vector<16xi32>], vector<16xf32>,
      %parallel_loop3A_270 = arith.subf %parallel_loop3A_257, %get3A_12 : vector<16xf32>
      %parallel_loop3A_271 = math.absf %parallel_loop3A_270 : vector<16xf32>
      %parallel_loop3A_272 = arith.constant 1.000000e-01 : f32
      %parallel_loop3A_273 = vector.broadcast %parallel_loop3A_272 : f32 to vector<16xf32>
      %parallel_loop3A_274 = arith.mulf %parallel_loop3A_271, %parallel_loop3A_273 : vector<16xf32>
      %parallel_loop3A_275 = arith.addf %parallel_loop3A_274, %get3A_14 : vector<16xf32>
      %parallel_loop3A_276 = arith.mulf %parallel_loop3A_275, %parallel_loop3A_275 : vector<16xf32>
      %parallel_loop3A_277 = arith.mulf %parallel_loop3A_276, %parallel_loop3A_276 : vector<16xf32>
      %parallel_loop3A_278 = arith.mulf %parallel_loop3A_277, %parallel_loop3A_277 : vector<16xf32>
      %parallel_loop3A_279 = arith.mulf %parallel_loop3A_278, %parallel_loop3A_276 : vector<16xf32>
      %parallel_loop3A_280 = arith.constant 1.000000e+00 : f32
      %parallel_loop3A_281 = vector.broadcast %parallel_loop3A_280 : f32 to vector<16xf32>
      %parallel_loop3A_282 = arith.divf %parallel_loop3A_281, %parallel_loop3A_279 : vector<16xf32>
      %parallel_loop3A_283 = arith.mulf %parallel_loop3A_268, %parallel_loop3A_257 : vector<16xf32>
      %parallel_loop3A_284 = arith.addf %parallel_loop3A_267, %parallel_loop3A_283 : vector<16xf32>
      %parallel_loop3A_285 = arith.mulf %parallel_loop3A_269, %parallel_loop3A_282 : vector<16xf32>
      %parallel_loop3A_286 = arith.addf %parallel_loop3A_284, %parallel_loop3A_285 : vector<16xf32>
      %parallel_loop3A_287 = arith.index_cast %parallel_loop3A_255 : i32 to index
      %parallel_loop3A_288 = tpu.vector_load %arg11[%parallel_loop3A_287] {strides = array<i32>} : memref<16384xf32, #tpu.memory_space<vmem>>, vector<16xf32>,
      tpu.vector_store %arg11[%parallel_loop3A_287], %parallel_loop3A_286 {strides = array<i32>} : memref<16384xf32, #tpu.memory_space<vmem>>, vector<16xf32>,
    } {sc.loop_unroll_factor = 2 : i64, sc.parallel_access}
    %add3A_86 = arith.constant 65536 : i32
    %add3A_87 = arith.addi %mul3A_2, %add3A_86 : i32
    %dma_start3A_88 = tpu.memref_slice %arg4[%add3A_87] : memref<8388608xf32, #tpu.memory_space<hbm>> -> memref<16384xf32, #tpu.memory_space<hbm>>
    %dma_start3A_89 = tpu.memref_slice %arg4[%add3A_87] : memref<8388608xf32, #tpu.memory_space<hbm>> -> memref<16384xf32, #tpu.memory_space<hbm>>
    tpu.enqueue_dma source(%arg11 : memref<16384xf32, #tpu.memory_space<vmem>>) target(%dma_start3A_89 : memref<16384xf32, #tpu.memory_space<hbm>>) target_semaphore(%arg15 : memref<!tpu.dma_semaphore, #tpu.memory_space<semaphore_mem>>)
    %add3A_90 = arith.constant 98304 : i32
    %add3A_91 = arith.addi %mul3A_2, %add3A_90 : i32
    %dma_start3A_92 = tpu.memref_slice %arg2[%add3A_91] : memref<8388608xf32, #tpu.memory_space<hbm>> -> memref<16384xf32, #tpu.memory_space<hbm>>
    %dma_start3A_93 = tpu.memref_slice %arg2[%add3A_91] : memref<8388608xf32, #tpu.memory_space<hbm>> -> memref<16384xf32, #tpu.memory_space<hbm>>
    tpu.enqueue_dma source(%dma_start3A_93 : memref<16384xf32, #tpu.memory_space<hbm>>) target(%arg9 : memref<16384xf32, #tpu.memory_space<vmem>>) target_semaphore(%arg13 : memref<!tpu.dma_semaphore, #tpu.memory_space<semaphore_mem>>)
    %dma_wait3A_94 = tpu.memref_slice %arg2[%add3A_76] : memref<8388608xf32, #tpu.memory_space<hbm>> -> memref<16384xf32, #tpu.memory_space<hbm>>
    %dma_wait3A_95 = tpu.memref_slice %arg2[%add3A_76] : memref<8388608xf32, #tpu.memory_space<hbm>> -> memref<16384xf32, #tpu.memory_space<hbm>>
    tpu.wait_dma2 semaphore(%arg14 : memref<!tpu.dma_semaphore, #tpu.memory_space<semaphore_mem>>) src(%dma_wait3A_95 : memref<16384xf32, #tpu.memory_space<hbm>>) dst(%arg10 : memref<16384xf32, #tpu.memory_space<vmem>>)
    %dma_wait3A_96 = tpu.memref_slice %arg4[%add3A_72] : memref<8388608xf32, #tpu.memory_space<hbm>> -> memref<16384xf32, #tpu.memory_space<hbm>>
    %dma_wait3A_97 = tpu.memref_slice %arg4[%add3A_72] : memref<8388608xf32, #tpu.memory_space<hbm>> -> memref<16384xf32, #tpu.memory_space<hbm>>
    tpu.wait_dma2 semaphore(%arg16 : memref<!tpu.dma_semaphore, #tpu.memory_space<semaphore_mem>>) src(%arg12 : memref<16384xf32, #tpu.memory_space<vmem>>) dst(%dma_wait3A_97 : memref<16384xf32, #tpu.memory_space<hbm>>)
    %parallel_loop3A_98 = arith.constant 0 : i32
    %parallel_loop3A_99 = arith.constant 16384 : i32
    %parallel_loop3A_100 = arith.constant 16 : i32
    scf.for %parallel_loop3A_255 = %parallel_loop3A_98 to %parallel_loop3A_99 step %parallel_loop3A_100  : i32 {
      %parallel_loop3A_256 = arith.index_cast %parallel_loop3A_255 : i32 to index
      %parallel_loop3A_257 = tpu.vector_load %arg10[%parallel_loop3A_256] {strides = array<i32>} : memref<16384xf32, #tpu.memory_space<vmem>>, vector<16xf32>,
      %parallel_loop3A_258 = arith.mulf %parallel_loop3A_257, %get3A_8 : vector<16xf32>
      %parallel_loop3A_259 = arith.addf %parallel_loop3A_258, %get3A_10 : vector<16xf32>
      %parallel_loop3A_260 = arith.constant 0.000000e+00 : f32
      %parallel_loop3A_261 = vector.broadcast %parallel_loop3A_260 : f32 to vector<16xf32>
      %parallel_loop3A_262 = arith.maximumf %parallel_loop3A_259, %parallel_loop3A_261 : vector<16xf32>
      %parallel_loop3A_263 = arith.constant 1.025000e+03 : f32
      %parallel_loop3A_264 = vector.broadcast %parallel_loop3A_263 : f32 to vector<16xf32>
      %parallel_loop3A_265 = arith.minimumf %parallel_loop3A_262, %parallel_loop3A_264 : vector<16xf32>
      %parallel_loop3A_266 = arith.fptosi %parallel_loop3A_265 : vector<16xf32> to vector<16xi32>
      %parallel_loop3A_267 = tpu.vector_load_idx %arg6[%parallel_loop3A_266] : memref<1040xf32, #tpu.memory_space<vmem>>[vector<16xi32>], vector<16xf32>,
      %parallel_loop3A_268 = tpu.vector_load_idx %arg7[%parallel_loop3A_266] : memref<1040xf32, #tpu.memory_space<vmem>>[vector<16xi32>], vector<16xf32>,
      %parallel_loop3A_269 = tpu.vector_load_idx %arg8[%parallel_loop3A_266] : memref<1040xf32, #tpu.memory_space<vmem>>[vector<16xi32>], vector<16xf32>,
      %parallel_loop3A_270 = arith.subf %parallel_loop3A_257, %get3A_12 : vector<16xf32>
      %parallel_loop3A_271 = math.absf %parallel_loop3A_270 : vector<16xf32>
      %parallel_loop3A_272 = arith.constant 1.000000e-01 : f32
      %parallel_loop3A_273 = vector.broadcast %parallel_loop3A_272 : f32 to vector<16xf32>
      %parallel_loop3A_274 = arith.mulf %parallel_loop3A_271, %parallel_loop3A_273 : vector<16xf32>
      %parallel_loop3A_275 = arith.addf %parallel_loop3A_274, %get3A_14 : vector<16xf32>
      %parallel_loop3A_276 = arith.mulf %parallel_loop3A_275, %parallel_loop3A_275 : vector<16xf32>
      %parallel_loop3A_277 = arith.mulf %parallel_loop3A_276, %parallel_loop3A_276 : vector<16xf32>
      %parallel_loop3A_278 = arith.mulf %parallel_loop3A_277, %parallel_loop3A_277 : vector<16xf32>
      %parallel_loop3A_279 = arith.mulf %parallel_loop3A_278, %parallel_loop3A_276 : vector<16xf32>
      %parallel_loop3A_280 = arith.constant 1.000000e+00 : f32
      %parallel_loop3A_281 = vector.broadcast %parallel_loop3A_280 : f32 to vector<16xf32>
      %parallel_loop3A_282 = arith.divf %parallel_loop3A_281, %parallel_loop3A_279 : vector<16xf32>
      %parallel_loop3A_283 = arith.mulf %parallel_loop3A_268, %parallel_loop3A_257 : vector<16xf32>
      %parallel_loop3A_284 = arith.addf %parallel_loop3A_267, %parallel_loop3A_283 : vector<16xf32>
      %parallel_loop3A_285 = arith.mulf %parallel_loop3A_269, %parallel_loop3A_282 : vector<16xf32>
      %parallel_loop3A_286 = arith.addf %parallel_loop3A_284, %parallel_loop3A_285 : vector<16xf32>
      %parallel_loop3A_287 = arith.index_cast %parallel_loop3A_255 : i32 to index
      %parallel_loop3A_288 = tpu.vector_load %arg12[%parallel_loop3A_287] {strides = array<i32>} : memref<16384xf32, #tpu.memory_space<vmem>>, vector<16xf32>,
      tpu.vector_store %arg12[%parallel_loop3A_287], %parallel_loop3A_286 {strides = array<i32>} : memref<16384xf32, #tpu.memory_space<vmem>>, vector<16xf32>,
    } {sc.loop_unroll_factor = 2 : i64, sc.parallel_access}
    %add3A_101 = arith.constant 81920 : i32
    %add3A_102 = arith.addi %mul3A_2, %add3A_101 : i32
    %dma_start3A_103 = tpu.memref_slice %arg4[%add3A_102] : memref<8388608xf32, #tpu.memory_space<hbm>> -> memref<16384xf32, #tpu.memory_space<hbm>>
    %dma_start3A_104 = tpu.memref_slice %arg4[%add3A_102] : memref<8388608xf32, #tpu.memory_space<hbm>> -> memref<16384xf32, #tpu.memory_space<hbm>>
    tpu.enqueue_dma source(%arg12 : memref<16384xf32, #tpu.memory_space<vmem>>) target(%dma_start3A_104 : memref<16384xf32, #tpu.memory_space<hbm>>) target_semaphore(%arg16 : memref<!tpu.dma_semaphore, #tpu.memory_space<semaphore_mem>>)
    %add3A_105 = arith.constant 114688 : i32
    %add3A_106 = arith.addi %mul3A_2, %add3A_105 : i32
    %dma_start3A_107 = tpu.memref_slice %arg2[%add3A_106] : memref<8388608xf32, #tpu.memory_space<hbm>> -> memref<16384xf32, #tpu.memory_space<hbm>>
    %dma_start3A_108 = tpu.memref_slice %arg2[%add3A_106] : memref<8388608xf32, #tpu.memory_space<hbm>> -> memref<16384xf32, #tpu.memory_space<hbm>>
    tpu.enqueue_dma source(%dma_start3A_108 : memref<16384xf32, #tpu.memory_space<hbm>>) target(%arg10 : memref<16384xf32, #tpu.memory_space<vmem>>) target_semaphore(%arg14 : memref<!tpu.dma_semaphore, #tpu.memory_space<semaphore_mem>>)
    %dma_wait3A_109 = tpu.memref_slice %arg2[%add3A_91] : memref<8388608xf32, #tpu.memory_space<hbm>> -> memref<16384xf32, #tpu.memory_space<hbm>>
    %dma_wait3A_110 = tpu.memref_slice %arg2[%add3A_91] : memref<8388608xf32, #tpu.memory_space<hbm>> -> memref<16384xf32, #tpu.memory_space<hbm>>
    tpu.wait_dma2 semaphore(%arg13 : memref<!tpu.dma_semaphore, #tpu.memory_space<semaphore_mem>>) src(%dma_wait3A_110 : memref<16384xf32, #tpu.memory_space<hbm>>) dst(%arg9 : memref<16384xf32, #tpu.memory_space<vmem>>)
    %dma_wait3A_111 = tpu.memref_slice %arg4[%add3A_87] : memref<8388608xf32, #tpu.memory_space<hbm>> -> memref<16384xf32, #tpu.memory_space<hbm>>
    %dma_wait3A_112 = tpu.memref_slice %arg4[%add3A_87] : memref<8388608xf32, #tpu.memory_space<hbm>> -> memref<16384xf32, #tpu.memory_space<hbm>>
    tpu.wait_dma2 semaphore(%arg15 : memref<!tpu.dma_semaphore, #tpu.memory_space<semaphore_mem>>) src(%arg11 : memref<16384xf32, #tpu.memory_space<vmem>>) dst(%dma_wait3A_112 : memref<16384xf32, #tpu.memory_space<hbm>>)
    %parallel_loop3A_113 = arith.constant 0 : i32
    %parallel_loop3A_114 = arith.constant 16384 : i32
    %parallel_loop3A_115 = arith.constant 16 : i32
    scf.for %parallel_loop3A_255 = %parallel_loop3A_113 to %parallel_loop3A_114 step %parallel_loop3A_115  : i32 {
      %parallel_loop3A_256 = arith.index_cast %parallel_loop3A_255 : i32 to index
      %parallel_loop3A_257 = tpu.vector_load %arg9[%parallel_loop3A_256] {strides = array<i32>} : memref<16384xf32, #tpu.memory_space<vmem>>, vector<16xf32>,
      %parallel_loop3A_258 = arith.mulf %parallel_loop3A_257, %get3A_8 : vector<16xf32>
      %parallel_loop3A_259 = arith.addf %parallel_loop3A_258, %get3A_10 : vector<16xf32>
      %parallel_loop3A_260 = arith.constant 0.000000e+00 : f32
      %parallel_loop3A_261 = vector.broadcast %parallel_loop3A_260 : f32 to vector<16xf32>
      %parallel_loop3A_262 = arith.maximumf %parallel_loop3A_259, %parallel_loop3A_261 : vector<16xf32>
      %parallel_loop3A_263 = arith.constant 1.025000e+03 : f32
      %parallel_loop3A_264 = vector.broadcast %parallel_loop3A_263 : f32 to vector<16xf32>
      %parallel_loop3A_265 = arith.minimumf %parallel_loop3A_262, %parallel_loop3A_264 : vector<16xf32>
      %parallel_loop3A_266 = arith.fptosi %parallel_loop3A_265 : vector<16xf32> to vector<16xi32>
      %parallel_loop3A_267 = tpu.vector_load_idx %arg6[%parallel_loop3A_266] : memref<1040xf32, #tpu.memory_space<vmem>>[vector<16xi32>], vector<16xf32>,
      %parallel_loop3A_268 = tpu.vector_load_idx %arg7[%parallel_loop3A_266] : memref<1040xf32, #tpu.memory_space<vmem>>[vector<16xi32>], vector<16xf32>,
      %parallel_loop3A_269 = tpu.vector_load_idx %arg8[%parallel_loop3A_266] : memref<1040xf32, #tpu.memory_space<vmem>>[vector<16xi32>], vector<16xf32>,
      %parallel_loop3A_270 = arith.subf %parallel_loop3A_257, %get3A_12 : vector<16xf32>
      %parallel_loop3A_271 = math.absf %parallel_loop3A_270 : vector<16xf32>
      %parallel_loop3A_272 = arith.constant 1.000000e-01 : f32
      %parallel_loop3A_273 = vector.broadcast %parallel_loop3A_272 : f32 to vector<16xf32>
      %parallel_loop3A_274 = arith.mulf %parallel_loop3A_271, %parallel_loop3A_273 : vector<16xf32>
      %parallel_loop3A_275 = arith.addf %parallel_loop3A_274, %get3A_14 : vector<16xf32>
      %parallel_loop3A_276 = arith.mulf %parallel_loop3A_275, %parallel_loop3A_275 : vector<16xf32>
      %parallel_loop3A_277 = arith.mulf %parallel_loop3A_276, %parallel_loop3A_276 : vector<16xf32>
      %parallel_loop3A_278 = arith.mulf %parallel_loop3A_277, %parallel_loop3A_277 : vector<16xf32>
      %parallel_loop3A_279 = arith.mulf %parallel_loop3A_278, %parallel_loop3A_276 : vector<16xf32>
      %parallel_loop3A_280 = arith.constant 1.000000e+00 : f32
      %parallel_loop3A_281 = vector.broadcast %parallel_loop3A_280 : f32 to vector<16xf32>
      %parallel_loop3A_282 = arith.divf %parallel_loop3A_281, %parallel_loop3A_279 : vector<16xf32>
      %parallel_loop3A_283 = arith.mulf %parallel_loop3A_268, %parallel_loop3A_257 : vector<16xf32>
      %parallel_loop3A_284 = arith.addf %parallel_loop3A_267, %parallel_loop3A_283 : vector<16xf32>
      %parallel_loop3A_285 = arith.mulf %parallel_loop3A_269, %parallel_loop3A_282 : vector<16xf32>
      %parallel_loop3A_286 = arith.addf %parallel_loop3A_284, %parallel_loop3A_285 : vector<16xf32>
      %parallel_loop3A_287 = arith.index_cast %parallel_loop3A_255 : i32 to index
      %parallel_loop3A_288 = tpu.vector_load %arg11[%parallel_loop3A_287] {strides = array<i32>} : memref<16384xf32, #tpu.memory_space<vmem>>, vector<16xf32>,
      tpu.vector_store %arg11[%parallel_loop3A_287], %parallel_loop3A_286 {strides = array<i32>} : memref<16384xf32, #tpu.memory_space<vmem>>, vector<16xf32>,
    } {sc.loop_unroll_factor = 2 : i64, sc.parallel_access}
    %add3A_116 = arith.constant 98304 : i32
    %add3A_117 = arith.addi %mul3A_2, %add3A_116 : i32
    %dma_start3A_118 = tpu.memref_slice %arg4[%add3A_117] : memref<8388608xf32, #tpu.memory_space<hbm>> -> memref<16384xf32, #tpu.memory_space<hbm>>
    %dma_start3A_119 = tpu.memref_slice %arg4[%add3A_117] : memref<8388608xf32, #tpu.memory_space<hbm>> -> memref<16384xf32, #tpu.memory_space<hbm>>
    tpu.enqueue_dma source(%arg11 : memref<16384xf32, #tpu.memory_space<vmem>>) target(%dma_start3A_119 : memref<16384xf32, #tpu.memory_space<hbm>>) target_semaphore(%arg15 : memref<!tpu.dma_semaphore, #tpu.memory_space<semaphore_mem>>)
    %add3A_120 = arith.constant 131072 : i32
    %add3A_121 = arith.addi %mul3A_2, %add3A_120 : i32
    %dma_start3A_122 = tpu.memref_slice %arg2[%add3A_121] : memref<8388608xf32, #tpu.memory_space<hbm>> -> memref<16384xf32, #tpu.memory_space<hbm>>
    %dma_start3A_123 = tpu.memref_slice %arg2[%add3A_121] : memref<8388608xf32, #tpu.memory_space<hbm>> -> memref<16384xf32, #tpu.memory_space<hbm>>
    tpu.enqueue_dma source(%dma_start3A_123 : memref<16384xf32, #tpu.memory_space<hbm>>) target(%arg9 : memref<16384xf32, #tpu.memory_space<vmem>>) target_semaphore(%arg13 : memref<!tpu.dma_semaphore, #tpu.memory_space<semaphore_mem>>)
    %dma_wait3A_124 = tpu.memref_slice %arg2[%add3A_106] : memref<8388608xf32, #tpu.memory_space<hbm>> -> memref<16384xf32, #tpu.memory_space<hbm>>
    %dma_wait3A_125 = tpu.memref_slice %arg2[%add3A_106] : memref<8388608xf32, #tpu.memory_space<hbm>> -> memref<16384xf32, #tpu.memory_space<hbm>>
    tpu.wait_dma2 semaphore(%arg14 : memref<!tpu.dma_semaphore, #tpu.memory_space<semaphore_mem>>) src(%dma_wait3A_125 : memref<16384xf32, #tpu.memory_space<hbm>>) dst(%arg10 : memref<16384xf32, #tpu.memory_space<vmem>>)
    %dma_wait3A_126 = tpu.memref_slice %arg4[%add3A_102] : memref<8388608xf32, #tpu.memory_space<hbm>> -> memref<16384xf32, #tpu.memory_space<hbm>>
    %dma_wait3A_127 = tpu.memref_slice %arg4[%add3A_102] : memref<8388608xf32, #tpu.memory_space<hbm>> -> memref<16384xf32, #tpu.memory_space<hbm>>
    tpu.wait_dma2 semaphore(%arg16 : memref<!tpu.dma_semaphore, #tpu.memory_space<semaphore_mem>>) src(%arg12 : memref<16384xf32, #tpu.memory_space<vmem>>) dst(%dma_wait3A_127 : memref<16384xf32, #tpu.memory_space<hbm>>)
    %parallel_loop3A_128 = arith.constant 0 : i32
    %parallel_loop3A_129 = arith.constant 16384 : i32
    %parallel_loop3A_130 = arith.constant 16 : i32
    scf.for %parallel_loop3A_255 = %parallel_loop3A_128 to %parallel_loop3A_129 step %parallel_loop3A_130  : i32 {
      %parallel_loop3A_256 = arith.index_cast %parallel_loop3A_255 : i32 to index
      %parallel_loop3A_257 = tpu.vector_load %arg10[%parallel_loop3A_256] {strides = array<i32>} : memref<16384xf32, #tpu.memory_space<vmem>>, vector<16xf32>,
      %parallel_loop3A_258 = arith.mulf %parallel_loop3A_257, %get3A_8 : vector<16xf32>
      %parallel_loop3A_259 = arith.addf %parallel_loop3A_258, %get3A_10 : vector<16xf32>
      %parallel_loop3A_260 = arith.constant 0.000000e+00 : f32
      %parallel_loop3A_261 = vector.broadcast %parallel_loop3A_260 : f32 to vector<16xf32>
      %parallel_loop3A_262 = arith.maximumf %parallel_loop3A_259, %parallel_loop3A_261 : vector<16xf32>
      %parallel_loop3A_263 = arith.constant 1.025000e+03 : f32
      %parallel_loop3A_264 = vector.broadcast %parallel_loop3A_263 : f32 to vector<16xf32>
      %parallel_loop3A_265 = arith.minimumf %parallel_loop3A_262, %parallel_loop3A_264 : vector<16xf32>
      %parallel_loop3A_266 = arith.fptosi %parallel_loop3A_265 : vector<16xf32> to vector<16xi32>
      %parallel_loop3A_267 = tpu.vector_load_idx %arg6[%parallel_loop3A_266] : memref<1040xf32, #tpu.memory_space<vmem>>[vector<16xi32>], vector<16xf32>,
      %parallel_loop3A_268 = tpu.vector_load_idx %arg7[%parallel_loop3A_266] : memref<1040xf32, #tpu.memory_space<vmem>>[vector<16xi32>], vector<16xf32>,
      %parallel_loop3A_269 = tpu.vector_load_idx %arg8[%parallel_loop3A_266] : memref<1040xf32, #tpu.memory_space<vmem>>[vector<16xi32>], vector<16xf32>,
      %parallel_loop3A_270 = arith.subf %parallel_loop3A_257, %get3A_12 : vector<16xf32>
      %parallel_loop3A_271 = math.absf %parallel_loop3A_270 : vector<16xf32>
      %parallel_loop3A_272 = arith.constant 1.000000e-01 : f32
      %parallel_loop3A_273 = vector.broadcast %parallel_loop3A_272 : f32 to vector<16xf32>
      %parallel_loop3A_274 = arith.mulf %parallel_loop3A_271, %parallel_loop3A_273 : vector<16xf32>
      %parallel_loop3A_275 = arith.addf %parallel_loop3A_274, %get3A_14 : vector<16xf32>
      %parallel_loop3A_276 = arith.mulf %parallel_loop3A_275, %parallel_loop3A_275 : vector<16xf32>
      %parallel_loop3A_277 = arith.mulf %parallel_loop3A_276, %parallel_loop3A_276 : vector<16xf32>
      %parallel_loop3A_278 = arith.mulf %parallel_loop3A_277, %parallel_loop3A_277 : vector<16xf32>
      %parallel_loop3A_279 = arith.mulf %parallel_loop3A_278, %parallel_loop3A_276 : vector<16xf32>
      %parallel_loop3A_280 = arith.constant 1.000000e+00 : f32
      %parallel_loop3A_281 = vector.broadcast %parallel_loop3A_280 : f32 to vector<16xf32>
      %parallel_loop3A_282 = arith.divf %parallel_loop3A_281, %parallel_loop3A_279 : vector<16xf32>
      %parallel_loop3A_283 = arith.mulf %parallel_loop3A_268, %parallel_loop3A_257 : vector<16xf32>
      %parallel_loop3A_284 = arith.addf %parallel_loop3A_267, %parallel_loop3A_283 : vector<16xf32>
      %parallel_loop3A_285 = arith.mulf %parallel_loop3A_269, %parallel_loop3A_282 : vector<16xf32>
      %parallel_loop3A_286 = arith.addf %parallel_loop3A_284, %parallel_loop3A_285 : vector<16xf32>
      %parallel_loop3A_287 = arith.index_cast %parallel_loop3A_255 : i32 to index
      %parallel_loop3A_288 = tpu.vector_load %arg12[%parallel_loop3A_287] {strides = array<i32>} : memref<16384xf32, #tpu.memory_space<vmem>>, vector<16xf32>,
      tpu.vector_store %arg12[%parallel_loop3A_287], %parallel_loop3A_286 {strides = array<i32>} : memref<16384xf32, #tpu.memory_space<vmem>>, vector<16xf32>,
    } {sc.loop_unroll_factor = 2 : i64, sc.parallel_access}
    %add3A_131 = arith.constant 114688 : i32
    %add3A_132 = arith.addi %mul3A_2, %add3A_131 : i32
    %dma_start3A_133 = tpu.memref_slice %arg4[%add3A_132] : memref<8388608xf32, #tpu.memory_space<hbm>> -> memref<16384xf32, #tpu.memory_space<hbm>>
    %dma_start3A_134 = tpu.memref_slice %arg4[%add3A_132] : memref<8388608xf32, #tpu.memory_space<hbm>> -> memref<16384xf32, #tpu.memory_space<hbm>>
    tpu.enqueue_dma source(%arg12 : memref<16384xf32, #tpu.memory_space<vmem>>) target(%dma_start3A_134 : memref<16384xf32, #tpu.memory_space<hbm>>) target_semaphore(%arg16 : memref<!tpu.dma_semaphore, #tpu.memory_space<semaphore_mem>>)
    %add3A_135 = arith.constant 147456 : i32
    %add3A_136 = arith.addi %mul3A_2, %add3A_135 : i32
    %dma_start3A_137 = tpu.memref_slice %arg2[%add3A_136] : memref<8388608xf32, #tpu.memory_space<hbm>> -> memref<16384xf32, #tpu.memory_space<hbm>>
    %dma_start3A_138 = tpu.memref_slice %arg2[%add3A_136] : memref<8388608xf32, #tpu.memory_space<hbm>> -> memref<16384xf32, #tpu.memory_space<hbm>>
    tpu.enqueue_dma source(%dma_start3A_138 : memref<16384xf32, #tpu.memory_space<hbm>>) target(%arg10 : memref<16384xf32, #tpu.memory_space<vmem>>) target_semaphore(%arg14 : memref<!tpu.dma_semaphore, #tpu.memory_space<semaphore_mem>>)
    %dma_wait3A_139 = tpu.memref_slice %arg2[%add3A_121] : memref<8388608xf32, #tpu.memory_space<hbm>> -> memref<16384xf32, #tpu.memory_space<hbm>>
    %dma_wait3A_140 = tpu.memref_slice %arg2[%add3A_121] : memref<8388608xf32, #tpu.memory_space<hbm>> -> memref<16384xf32, #tpu.memory_space<hbm>>
    tpu.wait_dma2 semaphore(%arg13 : memref<!tpu.dma_semaphore, #tpu.memory_space<semaphore_mem>>) src(%dma_wait3A_140 : memref<16384xf32, #tpu.memory_space<hbm>>) dst(%arg9 : memref<16384xf32, #tpu.memory_space<vmem>>)
    %dma_wait3A_141 = tpu.memref_slice %arg4[%add3A_117] : memref<8388608xf32, #tpu.memory_space<hbm>> -> memref<16384xf32, #tpu.memory_space<hbm>>
    %dma_wait3A_142 = tpu.memref_slice %arg4[%add3A_117] : memref<8388608xf32, #tpu.memory_space<hbm>> -> memref<16384xf32, #tpu.memory_space<hbm>>
    tpu.wait_dma2 semaphore(%arg15 : memref<!tpu.dma_semaphore, #tpu.memory_space<semaphore_mem>>) src(%arg11 : memref<16384xf32, #tpu.memory_space<vmem>>) dst(%dma_wait3A_142 : memref<16384xf32, #tpu.memory_space<hbm>>)
    %parallel_loop3A_143 = arith.constant 0 : i32
    %parallel_loop3A_144 = arith.constant 16384 : i32
    %parallel_loop3A_145 = arith.constant 16 : i32
    scf.for %parallel_loop3A_255 = %parallel_loop3A_143 to %parallel_loop3A_144 step %parallel_loop3A_145  : i32 {
      %parallel_loop3A_256 = arith.index_cast %parallel_loop3A_255 : i32 to index
      %parallel_loop3A_257 = tpu.vector_load %arg9[%parallel_loop3A_256] {strides = array<i32>} : memref<16384xf32, #tpu.memory_space<vmem>>, vector<16xf32>,
      %parallel_loop3A_258 = arith.mulf %parallel_loop3A_257, %get3A_8 : vector<16xf32>
      %parallel_loop3A_259 = arith.addf %parallel_loop3A_258, %get3A_10 : vector<16xf32>
      %parallel_loop3A_260 = arith.constant 0.000000e+00 : f32
      %parallel_loop3A_261 = vector.broadcast %parallel_loop3A_260 : f32 to vector<16xf32>
      %parallel_loop3A_262 = arith.maximumf %parallel_loop3A_259, %parallel_loop3A_261 : vector<16xf32>
      %parallel_loop3A_263 = arith.constant 1.025000e+03 : f32
      %parallel_loop3A_264 = vector.broadcast %parallel_loop3A_263 : f32 to vector<16xf32>
      %parallel_loop3A_265 = arith.minimumf %parallel_loop3A_262, %parallel_loop3A_264 : vector<16xf32>
      %parallel_loop3A_266 = arith.fptosi %parallel_loop3A_265 : vector<16xf32> to vector<16xi32>
      %parallel_loop3A_267 = tpu.vector_load_idx %arg6[%parallel_loop3A_266] : memref<1040xf32, #tpu.memory_space<vmem>>[vector<16xi32>], vector<16xf32>,
      %parallel_loop3A_268 = tpu.vector_load_idx %arg7[%parallel_loop3A_266] : memref<1040xf32, #tpu.memory_space<vmem>>[vector<16xi32>], vector<16xf32>,
      %parallel_loop3A_269 = tpu.vector_load_idx %arg8[%parallel_loop3A_266] : memref<1040xf32, #tpu.memory_space<vmem>>[vector<16xi32>], vector<16xf32>,
      %parallel_loop3A_270 = arith.subf %parallel_loop3A_257, %get3A_12 : vector<16xf32>
      %parallel_loop3A_271 = math.absf %parallel_loop3A_270 : vector<16xf32>
      %parallel_loop3A_272 = arith.constant 1.000000e-01 : f32
      %parallel_loop3A_273 = vector.broadcast %parallel_loop3A_272 : f32 to vector<16xf32>
      %parallel_loop3A_274 = arith.mulf %parallel_loop3A_271, %parallel_loop3A_273 : vector<16xf32>
      %parallel_loop3A_275 = arith.addf %parallel_loop3A_274, %get3A_14 : vector<16xf32>
      %parallel_loop3A_276 = arith.mulf %parallel_loop3A_275, %parallel_loop3A_275 : vector<16xf32>
      %parallel_loop3A_277 = arith.mulf %parallel_loop3A_276, %parallel_loop3A_276 : vector<16xf32>
      %parallel_loop3A_278 = arith.mulf %parallel_loop3A_277, %parallel_loop3A_277 : vector<16xf32>
      %parallel_loop3A_279 = arith.mulf %parallel_loop3A_278, %parallel_loop3A_276 : vector<16xf32>
      %parallel_loop3A_280 = arith.constant 1.000000e+00 : f32
      %parallel_loop3A_281 = vector.broadcast %parallel_loop3A_280 : f32 to vector<16xf32>
      %parallel_loop3A_282 = arith.divf %parallel_loop3A_281, %parallel_loop3A_279 : vector<16xf32>
      %parallel_loop3A_283 = arith.mulf %parallel_loop3A_268, %parallel_loop3A_257 : vector<16xf32>
      %parallel_loop3A_284 = arith.addf %parallel_loop3A_267, %parallel_loop3A_283 : vector<16xf32>
      %parallel_loop3A_285 = arith.mulf %parallel_loop3A_269, %parallel_loop3A_282 : vector<16xf32>
      %parallel_loop3A_286 = arith.addf %parallel_loop3A_284, %parallel_loop3A_285 : vector<16xf32>
      %parallel_loop3A_287 = arith.index_cast %parallel_loop3A_255 : i32 to index
      %parallel_loop3A_288 = tpu.vector_load %arg11[%parallel_loop3A_287] {strides = array<i32>} : memref<16384xf32, #tpu.memory_space<vmem>>, vector<16xf32>,
      tpu.vector_store %arg11[%parallel_loop3A_287], %parallel_loop3A_286 {strides = array<i32>} : memref<16384xf32, #tpu.memory_space<vmem>>, vector<16xf32>,
    } {sc.loop_unroll_factor = 2 : i64, sc.parallel_access}
    %add3A_146 = arith.constant 131072 : i32
    %add3A_147 = arith.addi %mul3A_2, %add3A_146 : i32
    %dma_start3A_148 = tpu.memref_slice %arg4[%add3A_147] : memref<8388608xf32, #tpu.memory_space<hbm>> -> memref<16384xf32, #tpu.memory_space<hbm>>
    %dma_start3A_149 = tpu.memref_slice %arg4[%add3A_147] : memref<8388608xf32, #tpu.memory_space<hbm>> -> memref<16384xf32, #tpu.memory_space<hbm>>
    tpu.enqueue_dma source(%arg11 : memref<16384xf32, #tpu.memory_space<vmem>>) target(%dma_start3A_149 : memref<16384xf32, #tpu.memory_space<hbm>>) target_semaphore(%arg15 : memref<!tpu.dma_semaphore, #tpu.memory_space<semaphore_mem>>)
    %add3A_150 = arith.constant 163840 : i32
    %add3A_151 = arith.addi %mul3A_2, %add3A_150 : i32
    %dma_start3A_152 = tpu.memref_slice %arg2[%add3A_151] : memref<8388608xf32, #tpu.memory_space<hbm>> -> memref<16384xf32, #tpu.memory_space<hbm>>
    %dma_start3A_153 = tpu.memref_slice %arg2[%add3A_151] : memref<8388608xf32, #tpu.memory_space<hbm>> -> memref<16384xf32, #tpu.memory_space<hbm>>
    tpu.enqueue_dma source(%dma_start3A_153 : memref<16384xf32, #tpu.memory_space<hbm>>) target(%arg9 : memref<16384xf32, #tpu.memory_space<vmem>>) target_semaphore(%arg13 : memref<!tpu.dma_semaphore, #tpu.memory_space<semaphore_mem>>)
    %dma_wait3A_154 = tpu.memref_slice %arg2[%add3A_136] : memref<8388608xf32, #tpu.memory_space<hbm>> -> memref<16384xf32, #tpu.memory_space<hbm>>
    %dma_wait3A_155 = tpu.memref_slice %arg2[%add3A_136] : memref<8388608xf32, #tpu.memory_space<hbm>> -> memref<16384xf32, #tpu.memory_space<hbm>>
    tpu.wait_dma2 semaphore(%arg14 : memref<!tpu.dma_semaphore, #tpu.memory_space<semaphore_mem>>) src(%dma_wait3A_155 : memref<16384xf32, #tpu.memory_space<hbm>>) dst(%arg10 : memref<16384xf32, #tpu.memory_space<vmem>>)
    %dma_wait3A_156 = tpu.memref_slice %arg4[%add3A_132] : memref<8388608xf32, #tpu.memory_space<hbm>> -> memref<16384xf32, #tpu.memory_space<hbm>>
    %dma_wait3A_157 = tpu.memref_slice %arg4[%add3A_132] : memref<8388608xf32, #tpu.memory_space<hbm>> -> memref<16384xf32, #tpu.memory_space<hbm>>
    tpu.wait_dma2 semaphore(%arg16 : memref<!tpu.dma_semaphore, #tpu.memory_space<semaphore_mem>>) src(%arg12 : memref<16384xf32, #tpu.memory_space<vmem>>) dst(%dma_wait3A_157 : memref<16384xf32, #tpu.memory_space<hbm>>)
    %parallel_loop3A_158 = arith.constant 0 : i32
    %parallel_loop3A_159 = arith.constant 16384 : i32
    %parallel_loop3A_160 = arith.constant 16 : i32
    scf.for %parallel_loop3A_255 = %parallel_loop3A_158 to %parallel_loop3A_159 step %parallel_loop3A_160  : i32 {
      %parallel_loop3A_256 = arith.index_cast %parallel_loop3A_255 : i32 to index
      %parallel_loop3A_257 = tpu.vector_load %arg10[%parallel_loop3A_256] {strides = array<i32>} : memref<16384xf32, #tpu.memory_space<vmem>>, vector<16xf32>,
      %parallel_loop3A_258 = arith.mulf %parallel_loop3A_257, %get3A_8 : vector<16xf32>
      %parallel_loop3A_259 = arith.addf %parallel_loop3A_258, %get3A_10 : vector<16xf32>
      %parallel_loop3A_260 = arith.constant 0.000000e+00 : f32
      %parallel_loop3A_261 = vector.broadcast %parallel_loop3A_260 : f32 to vector<16xf32>
      %parallel_loop3A_262 = arith.maximumf %parallel_loop3A_259, %parallel_loop3A_261 : vector<16xf32>
      %parallel_loop3A_263 = arith.constant 1.025000e+03 : f32
      %parallel_loop3A_264 = vector.broadcast %parallel_loop3A_263 : f32 to vector<16xf32>
      %parallel_loop3A_265 = arith.minimumf %parallel_loop3A_262, %parallel_loop3A_264 : vector<16xf32>
      %parallel_loop3A_266 = arith.fptosi %parallel_loop3A_265 : vector<16xf32> to vector<16xi32>
      %parallel_loop3A_267 = tpu.vector_load_idx %arg6[%parallel_loop3A_266] : memref<1040xf32, #tpu.memory_space<vmem>>[vector<16xi32>], vector<16xf32>,
      %parallel_loop3A_268 = tpu.vector_load_idx %arg7[%parallel_loop3A_266] : memref<1040xf32, #tpu.memory_space<vmem>>[vector<16xi32>], vector<16xf32>,
      %parallel_loop3A_269 = tpu.vector_load_idx %arg8[%parallel_loop3A_266] : memref<1040xf32, #tpu.memory_space<vmem>>[vector<16xi32>], vector<16xf32>,
      %parallel_loop3A_270 = arith.subf %parallel_loop3A_257, %get3A_12 : vector<16xf32>
      %parallel_loop3A_271 = math.absf %parallel_loop3A_270 : vector<16xf32>
      %parallel_loop3A_272 = arith.constant 1.000000e-01 : f32
      %parallel_loop3A_273 = vector.broadcast %parallel_loop3A_272 : f32 to vector<16xf32>
      %parallel_loop3A_274 = arith.mulf %parallel_loop3A_271, %parallel_loop3A_273 : vector<16xf32>
      %parallel_loop3A_275 = arith.addf %parallel_loop3A_274, %get3A_14 : vector<16xf32>
      %parallel_loop3A_276 = arith.mulf %parallel_loop3A_275, %parallel_loop3A_275 : vector<16xf32>
      %parallel_loop3A_277 = arith.mulf %parallel_loop3A_276, %parallel_loop3A_276 : vector<16xf32>
      %parallel_loop3A_278 = arith.mulf %parallel_loop3A_277, %parallel_loop3A_277 : vector<16xf32>
      %parallel_loop3A_279 = arith.mulf %parallel_loop3A_278, %parallel_loop3A_276 : vector<16xf32>
      %parallel_loop3A_280 = arith.constant 1.000000e+00 : f32
      %parallel_loop3A_281 = vector.broadcast %parallel_loop3A_280 : f32 to vector<16xf32>
      %parallel_loop3A_282 = arith.divf %parallel_loop3A_281, %parallel_loop3A_279 : vector<16xf32>
      %parallel_loop3A_283 = arith.mulf %parallel_loop3A_268, %parallel_loop3A_257 : vector<16xf32>
      %parallel_loop3A_284 = arith.addf %parallel_loop3A_267, %parallel_loop3A_283 : vector<16xf32>
      %parallel_loop3A_285 = arith.mulf %parallel_loop3A_269, %parallel_loop3A_282 : vector<16xf32>
      %parallel_loop3A_286 = arith.addf %parallel_loop3A_284, %parallel_loop3A_285 : vector<16xf32>
      %parallel_loop3A_287 = arith.index_cast %parallel_loop3A_255 : i32 to index
      %parallel_loop3A_288 = tpu.vector_load %arg12[%parallel_loop3A_287] {strides = array<i32>} : memref<16384xf32, #tpu.memory_space<vmem>>, vector<16xf32>,
      tpu.vector_store %arg12[%parallel_loop3A_287], %parallel_loop3A_286 {strides = array<i32>} : memref<16384xf32, #tpu.memory_space<vmem>>, vector<16xf32>,
    } {sc.loop_unroll_factor = 2 : i64, sc.parallel_access}
    %add3A_161 = arith.constant 147456 : i32
    %add3A_162 = arith.addi %mul3A_2, %add3A_161 : i32
    %dma_start3A_163 = tpu.memref_slice %arg4[%add3A_162] : memref<8388608xf32, #tpu.memory_space<hbm>> -> memref<16384xf32, #tpu.memory_space<hbm>>
    %dma_start3A_164 = tpu.memref_slice %arg4[%add3A_162] : memref<8388608xf32, #tpu.memory_space<hbm>> -> memref<16384xf32, #tpu.memory_space<hbm>>
    tpu.enqueue_dma source(%arg12 : memref<16384xf32, #tpu.memory_space<vmem>>) target(%dma_start3A_164 : memref<16384xf32, #tpu.memory_space<hbm>>) target_semaphore(%arg16 : memref<!tpu.dma_semaphore, #tpu.memory_space<semaphore_mem>>)
    %add3A_165 = arith.constant 180224 : i32
    %add3A_166 = arith.addi %mul3A_2, %add3A_165 : i32
    %dma_start3A_167 = tpu.memref_slice %arg2[%add3A_166] : memref<8388608xf32, #tpu.memory_space<hbm>> -> memref<16384xf32, #tpu.memory_space<hbm>>
    %dma_start3A_168 = tpu.memref_slice %arg2[%add3A_166] : memref<8388608xf32, #tpu.memory_space<hbm>> -> memref<16384xf32, #tpu.memory_space<hbm>>
    tpu.enqueue_dma source(%dma_start3A_168 : memref<16384xf32, #tpu.memory_space<hbm>>) target(%arg10 : memref<16384xf32, #tpu.memory_space<vmem>>) target_semaphore(%arg14 : memref<!tpu.dma_semaphore, #tpu.memory_space<semaphore_mem>>)
    %dma_wait3A_169 = tpu.memref_slice %arg2[%add3A_151] : memref<8388608xf32, #tpu.memory_space<hbm>> -> memref<16384xf32, #tpu.memory_space<hbm>>
    %dma_wait3A_170 = tpu.memref_slice %arg2[%add3A_151] : memref<8388608xf32, #tpu.memory_space<hbm>> -> memref<16384xf32, #tpu.memory_space<hbm>>
    tpu.wait_dma2 semaphore(%arg13 : memref<!tpu.dma_semaphore, #tpu.memory_space<semaphore_mem>>) src(%dma_wait3A_170 : memref<16384xf32, #tpu.memory_space<hbm>>) dst(%arg9 : memref<16384xf32, #tpu.memory_space<vmem>>)
    %dma_wait3A_171 = tpu.memref_slice %arg4[%add3A_147] : memref<8388608xf32, #tpu.memory_space<hbm>> -> memref<16384xf32, #tpu.memory_space<hbm>>
    %dma_wait3A_172 = tpu.memref_slice %arg4[%add3A_147] : memref<8388608xf32, #tpu.memory_space<hbm>> -> memref<16384xf32, #tpu.memory_space<hbm>>
    tpu.wait_dma2 semaphore(%arg15 : memref<!tpu.dma_semaphore, #tpu.memory_space<semaphore_mem>>) src(%arg11 : memref<16384xf32, #tpu.memory_space<vmem>>) dst(%dma_wait3A_172 : memref<16384xf32, #tpu.memory_space<hbm>>)
    %parallel_loop3A_173 = arith.constant 0 : i32
    %parallel_loop3A_174 = arith.constant 16384 : i32
    %parallel_loop3A_175 = arith.constant 16 : i32
    scf.for %parallel_loop3A_255 = %parallel_loop3A_173 to %parallel_loop3A_174 step %parallel_loop3A_175  : i32 {
      %parallel_loop3A_256 = arith.index_cast %parallel_loop3A_255 : i32 to index
      %parallel_loop3A_257 = tpu.vector_load %arg9[%parallel_loop3A_256] {strides = array<i32>} : memref<16384xf32, #tpu.memory_space<vmem>>, vector<16xf32>,
      %parallel_loop3A_258 = arith.mulf %parallel_loop3A_257, %get3A_8 : vector<16xf32>
      %parallel_loop3A_259 = arith.addf %parallel_loop3A_258, %get3A_10 : vector<16xf32>
      %parallel_loop3A_260 = arith.constant 0.000000e+00 : f32
      %parallel_loop3A_261 = vector.broadcast %parallel_loop3A_260 : f32 to vector<16xf32>
      %parallel_loop3A_262 = arith.maximumf %parallel_loop3A_259, %parallel_loop3A_261 : vector<16xf32>
      %parallel_loop3A_263 = arith.constant 1.025000e+03 : f32
      %parallel_loop3A_264 = vector.broadcast %parallel_loop3A_263 : f32 to vector<16xf32>
      %parallel_loop3A_265 = arith.minimumf %parallel_loop3A_262, %parallel_loop3A_264 : vector<16xf32>
      %parallel_loop3A_266 = arith.fptosi %parallel_loop3A_265 : vector<16xf32> to vector<16xi32>
      %parallel_loop3A_267 = tpu.vector_load_idx %arg6[%parallel_loop3A_266] : memref<1040xf32, #tpu.memory_space<vmem>>[vector<16xi32>], vector<16xf32>,
      %parallel_loop3A_268 = tpu.vector_load_idx %arg7[%parallel_loop3A_266] : memref<1040xf32, #tpu.memory_space<vmem>>[vector<16xi32>], vector<16xf32>,
      %parallel_loop3A_269 = tpu.vector_load_idx %arg8[%parallel_loop3A_266] : memref<1040xf32, #tpu.memory_space<vmem>>[vector<16xi32>], vector<16xf32>,
      %parallel_loop3A_270 = arith.subf %parallel_loop3A_257, %get3A_12 : vector<16xf32>
      %parallel_loop3A_271 = math.absf %parallel_loop3A_270 : vector<16xf32>
      %parallel_loop3A_272 = arith.constant 1.000000e-01 : f32
      %parallel_loop3A_273 = vector.broadcast %parallel_loop3A_272 : f32 to vector<16xf32>
      %parallel_loop3A_274 = arith.mulf %parallel_loop3A_271, %parallel_loop3A_273 : vector<16xf32>
      %parallel_loop3A_275 = arith.addf %parallel_loop3A_274, %get3A_14 : vector<16xf32>
      %parallel_loop3A_276 = arith.mulf %parallel_loop3A_275, %parallel_loop3A_275 : vector<16xf32>
      %parallel_loop3A_277 = arith.mulf %parallel_loop3A_276, %parallel_loop3A_276 : vector<16xf32>
      %parallel_loop3A_278 = arith.mulf %parallel_loop3A_277, %parallel_loop3A_277 : vector<16xf32>
      %parallel_loop3A_279 = arith.mulf %parallel_loop3A_278, %parallel_loop3A_276 : vector<16xf32>
      %parallel_loop3A_280 = arith.constant 1.000000e+00 : f32
      %parallel_loop3A_281 = vector.broadcast %parallel_loop3A_280 : f32 to vector<16xf32>
      %parallel_loop3A_282 = arith.divf %parallel_loop3A_281, %parallel_loop3A_279 : vector<16xf32>
      %parallel_loop3A_283 = arith.mulf %parallel_loop3A_268, %parallel_loop3A_257 : vector<16xf32>
      %parallel_loop3A_284 = arith.addf %parallel_loop3A_267, %parallel_loop3A_283 : vector<16xf32>
      %parallel_loop3A_285 = arith.mulf %parallel_loop3A_269, %parallel_loop3A_282 : vector<16xf32>
      %parallel_loop3A_286 = arith.addf %parallel_loop3A_284, %parallel_loop3A_285 : vector<16xf32>
      %parallel_loop3A_287 = arith.index_cast %parallel_loop3A_255 : i32 to index
      %parallel_loop3A_288 = tpu.vector_load %arg11[%parallel_loop3A_287] {strides = array<i32>} : memref<16384xf32, #tpu.memory_space<vmem>>, vector<16xf32>,
      tpu.vector_store %arg11[%parallel_loop3A_287], %parallel_loop3A_286 {strides = array<i32>} : memref<16384xf32, #tpu.memory_space<vmem>>, vector<16xf32>,
    } {sc.loop_unroll_factor = 2 : i64, sc.parallel_access}
    %add3A_176 = arith.constant 163840 : i32
    %add3A_177 = arith.addi %mul3A_2, %add3A_176 : i32
    %dma_start3A_178 = tpu.memref_slice %arg4[%add3A_177] : memref<8388608xf32, #tpu.memory_space<hbm>> -> memref<16384xf32, #tpu.memory_space<hbm>>
    %dma_start3A_179 = tpu.memref_slice %arg4[%add3A_177] : memref<8388608xf32, #tpu.memory_space<hbm>> -> memref<16384xf32, #tpu.memory_space<hbm>>
    tpu.enqueue_dma source(%arg11 : memref<16384xf32, #tpu.memory_space<vmem>>) target(%dma_start3A_179 : memref<16384xf32, #tpu.memory_space<hbm>>) target_semaphore(%arg15 : memref<!tpu.dma_semaphore, #tpu.memory_space<semaphore_mem>>)
    %add3A_180 = arith.constant 196608 : i32
    %add3A_181 = arith.addi %mul3A_2, %add3A_180 : i32
    %dma_start3A_182 = tpu.memref_slice %arg2[%add3A_181] : memref<8388608xf32, #tpu.memory_space<hbm>> -> memref<16384xf32, #tpu.memory_space<hbm>>
    %dma_start3A_183 = tpu.memref_slice %arg2[%add3A_181] : memref<8388608xf32, #tpu.memory_space<hbm>> -> memref<16384xf32, #tpu.memory_space<hbm>>
    tpu.enqueue_dma source(%dma_start3A_183 : memref<16384xf32, #tpu.memory_space<hbm>>) target(%arg9 : memref<16384xf32, #tpu.memory_space<vmem>>) target_semaphore(%arg13 : memref<!tpu.dma_semaphore, #tpu.memory_space<semaphore_mem>>)
    %dma_wait3A_184 = tpu.memref_slice %arg2[%add3A_166] : memref<8388608xf32, #tpu.memory_space<hbm>> -> memref<16384xf32, #tpu.memory_space<hbm>>
    %dma_wait3A_185 = tpu.memref_slice %arg2[%add3A_166] : memref<8388608xf32, #tpu.memory_space<hbm>> -> memref<16384xf32, #tpu.memory_space<hbm>>
    tpu.wait_dma2 semaphore(%arg14 : memref<!tpu.dma_semaphore, #tpu.memory_space<semaphore_mem>>) src(%dma_wait3A_185 : memref<16384xf32, #tpu.memory_space<hbm>>) dst(%arg10 : memref<16384xf32, #tpu.memory_space<vmem>>)
    %dma_wait3A_186 = tpu.memref_slice %arg4[%add3A_162] : memref<8388608xf32, #tpu.memory_space<hbm>> -> memref<16384xf32, #tpu.memory_space<hbm>>
    %dma_wait3A_187 = tpu.memref_slice %arg4[%add3A_162] : memref<8388608xf32, #tpu.memory_space<hbm>> -> memref<16384xf32, #tpu.memory_space<hbm>>
    tpu.wait_dma2 semaphore(%arg16 : memref<!tpu.dma_semaphore, #tpu.memory_space<semaphore_mem>>) src(%arg12 : memref<16384xf32, #tpu.memory_space<vmem>>) dst(%dma_wait3A_187 : memref<16384xf32, #tpu.memory_space<hbm>>)
    %parallel_loop3A_188 = arith.constant 0 : i32
    %parallel_loop3A_189 = arith.constant 16384 : i32
    %parallel_loop3A_190 = arith.constant 16 : i32
    scf.for %parallel_loop3A_255 = %parallel_loop3A_188 to %parallel_loop3A_189 step %parallel_loop3A_190  : i32 {
      %parallel_loop3A_256 = arith.index_cast %parallel_loop3A_255 : i32 to index
      %parallel_loop3A_257 = tpu.vector_load %arg10[%parallel_loop3A_256] {strides = array<i32>} : memref<16384xf32, #tpu.memory_space<vmem>>, vector<16xf32>,
      %parallel_loop3A_258 = arith.mulf %parallel_loop3A_257, %get3A_8 : vector<16xf32>
      %parallel_loop3A_259 = arith.addf %parallel_loop3A_258, %get3A_10 : vector<16xf32>
      %parallel_loop3A_260 = arith.constant 0.000000e+00 : f32
      %parallel_loop3A_261 = vector.broadcast %parallel_loop3A_260 : f32 to vector<16xf32>
      %parallel_loop3A_262 = arith.maximumf %parallel_loop3A_259, %parallel_loop3A_261 : vector<16xf32>
      %parallel_loop3A_263 = arith.constant 1.025000e+03 : f32
      %parallel_loop3A_264 = vector.broadcast %parallel_loop3A_263 : f32 to vector<16xf32>
      %parallel_loop3A_265 = arith.minimumf %parallel_loop3A_262, %parallel_loop3A_264 : vector<16xf32>
      %parallel_loop3A_266 = arith.fptosi %parallel_loop3A_265 : vector<16xf32> to vector<16xi32>
      %parallel_loop3A_267 = tpu.vector_load_idx %arg6[%parallel_loop3A_266] : memref<1040xf32, #tpu.memory_space<vmem>>[vector<16xi32>], vector<16xf32>,
      %parallel_loop3A_268 = tpu.vector_load_idx %arg7[%parallel_loop3A_266] : memref<1040xf32, #tpu.memory_space<vmem>>[vector<16xi32>], vector<16xf32>,
      %parallel_loop3A_269 = tpu.vector_load_idx %arg8[%parallel_loop3A_266] : memref<1040xf32, #tpu.memory_space<vmem>>[vector<16xi32>], vector<16xf32>,
      %parallel_loop3A_270 = arith.subf %parallel_loop3A_257, %get3A_12 : vector<16xf32>
      %parallel_loop3A_271 = math.absf %parallel_loop3A_270 : vector<16xf32>
      %parallel_loop3A_272 = arith.constant 1.000000e-01 : f32
      %parallel_loop3A_273 = vector.broadcast %parallel_loop3A_272 : f32 to vector<16xf32>
      %parallel_loop3A_274 = arith.mulf %parallel_loop3A_271, %parallel_loop3A_273 : vector<16xf32>
      %parallel_loop3A_275 = arith.addf %parallel_loop3A_274, %get3A_14 : vector<16xf32>
      %parallel_loop3A_276 = arith.mulf %parallel_loop3A_275, %parallel_loop3A_275 : vector<16xf32>
      %parallel_loop3A_277 = arith.mulf %parallel_loop3A_276, %parallel_loop3A_276 : vector<16xf32>
      %parallel_loop3A_278 = arith.mulf %parallel_loop3A_277, %parallel_loop3A_277 : vector<16xf32>
      %parallel_loop3A_279 = arith.mulf %parallel_loop3A_278, %parallel_loop3A_276 : vector<16xf32>
      %parallel_loop3A_280 = arith.constant 1.000000e+00 : f32
      %parallel_loop3A_281 = vector.broadcast %parallel_loop3A_280 : f32 to vector<16xf32>
      %parallel_loop3A_282 = arith.divf %parallel_loop3A_281, %parallel_loop3A_279 : vector<16xf32>
      %parallel_loop3A_283 = arith.mulf %parallel_loop3A_268, %parallel_loop3A_257 : vector<16xf32>
      %parallel_loop3A_284 = arith.addf %parallel_loop3A_267, %parallel_loop3A_283 : vector<16xf32>
      %parallel_loop3A_285 = arith.mulf %parallel_loop3A_269, %parallel_loop3A_282 : vector<16xf32>
      %parallel_loop3A_286 = arith.addf %parallel_loop3A_284, %parallel_loop3A_285 : vector<16xf32>
      %parallel_loop3A_287 = arith.index_cast %parallel_loop3A_255 : i32 to index
      %parallel_loop3A_288 = tpu.vector_load %arg12[%parallel_loop3A_287] {strides = array<i32>} : memref<16384xf32, #tpu.memory_space<vmem>>, vector<16xf32>,
      tpu.vector_store %arg12[%parallel_loop3A_287], %parallel_loop3A_286 {strides = array<i32>} : memref<16384xf32, #tpu.memory_space<vmem>>, vector<16xf32>,
    } {sc.loop_unroll_factor = 2 : i64, sc.parallel_access}
    %add3A_191 = arith.constant 180224 : i32
    %add3A_192 = arith.addi %mul3A_2, %add3A_191 : i32
    %dma_start3A_193 = tpu.memref_slice %arg4[%add3A_192] : memref<8388608xf32, #tpu.memory_space<hbm>> -> memref<16384xf32, #tpu.memory_space<hbm>>
    %dma_start3A_194 = tpu.memref_slice %arg4[%add3A_192] : memref<8388608xf32, #tpu.memory_space<hbm>> -> memref<16384xf32, #tpu.memory_space<hbm>>
    tpu.enqueue_dma source(%arg12 : memref<16384xf32, #tpu.memory_space<vmem>>) target(%dma_start3A_194 : memref<16384xf32, #tpu.memory_space<hbm>>) target_semaphore(%arg16 : memref<!tpu.dma_semaphore, #tpu.memory_space<semaphore_mem>>)
    %add3A_195 = arith.constant 212992 : i32
    %add3A_196 = arith.addi %mul3A_2, %add3A_195 : i32
    %dma_start3A_197 = tpu.memref_slice %arg2[%add3A_196] : memref<8388608xf32, #tpu.memory_space<hbm>> -> memref<16384xf32, #tpu.memory_space<hbm>>
    %dma_start3A_198 = tpu.memref_slice %arg2[%add3A_196] : memref<8388608xf32, #tpu.memory_space<hbm>> -> memref<16384xf32, #tpu.memory_space<hbm>>
    tpu.enqueue_dma source(%dma_start3A_198 : memref<16384xf32, #tpu.memory_space<hbm>>) target(%arg10 : memref<16384xf32, #tpu.memory_space<vmem>>) target_semaphore(%arg14 : memref<!tpu.dma_semaphore, #tpu.memory_space<semaphore_mem>>)
    %dma_wait3A_199 = tpu.memref_slice %arg2[%add3A_181] : memref<8388608xf32, #tpu.memory_space<hbm>> -> memref<16384xf32, #tpu.memory_space<hbm>>
    %dma_wait3A_200 = tpu.memref_slice %arg2[%add3A_181] : memref<8388608xf32, #tpu.memory_space<hbm>> -> memref<16384xf32, #tpu.memory_space<hbm>>
    tpu.wait_dma2 semaphore(%arg13 : memref<!tpu.dma_semaphore, #tpu.memory_space<semaphore_mem>>) src(%dma_wait3A_200 : memref<16384xf32, #tpu.memory_space<hbm>>) dst(%arg9 : memref<16384xf32, #tpu.memory_space<vmem>>)
    %dma_wait3A_201 = tpu.memref_slice %arg4[%add3A_177] : memref<8388608xf32, #tpu.memory_space<hbm>> -> memref<16384xf32, #tpu.memory_space<hbm>>
    %dma_wait3A_202 = tpu.memref_slice %arg4[%add3A_177] : memref<8388608xf32, #tpu.memory_space<hbm>> -> memref<16384xf32, #tpu.memory_space<hbm>>
    tpu.wait_dma2 semaphore(%arg15 : memref<!tpu.dma_semaphore, #tpu.memory_space<semaphore_mem>>) src(%arg11 : memref<16384xf32, #tpu.memory_space<vmem>>) dst(%dma_wait3A_202 : memref<16384xf32, #tpu.memory_space<hbm>>)
    %parallel_loop3A_203 = arith.constant 0 : i32
    %parallel_loop3A_204 = arith.constant 16384 : i32
    %parallel_loop3A_205 = arith.constant 16 : i32
    scf.for %parallel_loop3A_255 = %parallel_loop3A_203 to %parallel_loop3A_204 step %parallel_loop3A_205  : i32 {
      %parallel_loop3A_256 = arith.index_cast %parallel_loop3A_255 : i32 to index
      %parallel_loop3A_257 = tpu.vector_load %arg9[%parallel_loop3A_256] {strides = array<i32>} : memref<16384xf32, #tpu.memory_space<vmem>>, vector<16xf32>,
      %parallel_loop3A_258 = arith.mulf %parallel_loop3A_257, %get3A_8 : vector<16xf32>
      %parallel_loop3A_259 = arith.addf %parallel_loop3A_258, %get3A_10 : vector<16xf32>
      %parallel_loop3A_260 = arith.constant 0.000000e+00 : f32
      %parallel_loop3A_261 = vector.broadcast %parallel_loop3A_260 : f32 to vector<16xf32>
      %parallel_loop3A_262 = arith.maximumf %parallel_loop3A_259, %parallel_loop3A_261 : vector<16xf32>
      %parallel_loop3A_263 = arith.constant 1.025000e+03 : f32
      %parallel_loop3A_264 = vector.broadcast %parallel_loop3A_263 : f32 to vector<16xf32>
      %parallel_loop3A_265 = arith.minimumf %parallel_loop3A_262, %parallel_loop3A_264 : vector<16xf32>
      %parallel_loop3A_266 = arith.fptosi %parallel_loop3A_265 : vector<16xf32> to vector<16xi32>
      %parallel_loop3A_267 = tpu.vector_load_idx %arg6[%parallel_loop3A_266] : memref<1040xf32, #tpu.memory_space<vmem>>[vector<16xi32>], vector<16xf32>,
      %parallel_loop3A_268 = tpu.vector_load_idx %arg7[%parallel_loop3A_266] : memref<1040xf32, #tpu.memory_space<vmem>>[vector<16xi32>], vector<16xf32>,
      %parallel_loop3A_269 = tpu.vector_load_idx %arg8[%parallel_loop3A_266] : memref<1040xf32, #tpu.memory_space<vmem>>[vector<16xi32>], vector<16xf32>,
      %parallel_loop3A_270 = arith.subf %parallel_loop3A_257, %get3A_12 : vector<16xf32>
      %parallel_loop3A_271 = math.absf %parallel_loop3A_270 : vector<16xf32>
      %parallel_loop3A_272 = arith.constant 1.000000e-01 : f32
      %parallel_loop3A_273 = vector.broadcast %parallel_loop3A_272 : f32 to vector<16xf32>
      %parallel_loop3A_274 = arith.mulf %parallel_loop3A_271, %parallel_loop3A_273 : vector<16xf32>
      %parallel_loop3A_275 = arith.addf %parallel_loop3A_274, %get3A_14 : vector<16xf32>
      %parallel_loop3A_276 = arith.mulf %parallel_loop3A_275, %parallel_loop3A_275 : vector<16xf32>
      %parallel_loop3A_277 = arith.mulf %parallel_loop3A_276, %parallel_loop3A_276 : vector<16xf32>
      %parallel_loop3A_278 = arith.mulf %parallel_loop3A_277, %parallel_loop3A_277 : vector<16xf32>
      %parallel_loop3A_279 = arith.mulf %parallel_loop3A_278, %parallel_loop3A_276 : vector<16xf32>
      %parallel_loop3A_280 = arith.constant 1.000000e+00 : f32
      %parallel_loop3A_281 = vector.broadcast %parallel_loop3A_280 : f32 to vector<16xf32>
      %parallel_loop3A_282 = arith.divf %parallel_loop3A_281, %parallel_loop3A_279 : vector<16xf32>
      %parallel_loop3A_283 = arith.mulf %parallel_loop3A_268, %parallel_loop3A_257 : vector<16xf32>
      %parallel_loop3A_284 = arith.addf %parallel_loop3A_267, %parallel_loop3A_283 : vector<16xf32>
      %parallel_loop3A_285 = arith.mulf %parallel_loop3A_269, %parallel_loop3A_282 : vector<16xf32>
      %parallel_loop3A_286 = arith.addf %parallel_loop3A_284, %parallel_loop3A_285 : vector<16xf32>
      %parallel_loop3A_287 = arith.index_cast %parallel_loop3A_255 : i32 to index
      %parallel_loop3A_288 = tpu.vector_load %arg11[%parallel_loop3A_287] {strides = array<i32>} : memref<16384xf32, #tpu.memory_space<vmem>>, vector<16xf32>,
      tpu.vector_store %arg11[%parallel_loop3A_287], %parallel_loop3A_286 {strides = array<i32>} : memref<16384xf32, #tpu.memory_space<vmem>>, vector<16xf32>,
    } {sc.loop_unroll_factor = 2 : i64, sc.parallel_access}
    %add3A_206 = arith.constant 196608 : i32
    %add3A_207 = arith.addi %mul3A_2, %add3A_206 : i32
    %dma_start3A_208 = tpu.memref_slice %arg4[%add3A_207] : memref<8388608xf32, #tpu.memory_space<hbm>> -> memref<16384xf32, #tpu.memory_space<hbm>>
    %dma_start3A_209 = tpu.memref_slice %arg4[%add3A_207] : memref<8388608xf32, #tpu.memory_space<hbm>> -> memref<16384xf32, #tpu.memory_space<hbm>>
    tpu.enqueue_dma source(%arg11 : memref<16384xf32, #tpu.memory_space<vmem>>) target(%dma_start3A_209 : memref<16384xf32, #tpu.memory_space<hbm>>) target_semaphore(%arg15 : memref<!tpu.dma_semaphore, #tpu.memory_space<semaphore_mem>>)
    %add3A_210 = arith.constant 229376 : i32
    %add3A_211 = arith.addi %mul3A_2, %add3A_210 : i32
    %dma_start3A_212 = tpu.memref_slice %arg2[%add3A_211] : memref<8388608xf32, #tpu.memory_space<hbm>> -> memref<16384xf32, #tpu.memory_space<hbm>>
    %dma_start3A_213 = tpu.memref_slice %arg2[%add3A_211] : memref<8388608xf32, #tpu.memory_space<hbm>> -> memref<16384xf32, #tpu.memory_space<hbm>>
    tpu.enqueue_dma source(%dma_start3A_213 : memref<16384xf32, #tpu.memory_space<hbm>>) target(%arg9 : memref<16384xf32, #tpu.memory_space<vmem>>) target_semaphore(%arg13 : memref<!tpu.dma_semaphore, #tpu.memory_space<semaphore_mem>>)
    %dma_wait3A_214 = tpu.memref_slice %arg2[%add3A_196] : memref<8388608xf32, #tpu.memory_space<hbm>> -> memref<16384xf32, #tpu.memory_space<hbm>>
    %dma_wait3A_215 = tpu.memref_slice %arg2[%add3A_196] : memref<8388608xf32, #tpu.memory_space<hbm>> -> memref<16384xf32, #tpu.memory_space<hbm>>
    tpu.wait_dma2 semaphore(%arg14 : memref<!tpu.dma_semaphore, #tpu.memory_space<semaphore_mem>>) src(%dma_wait3A_215 : memref<16384xf32, #tpu.memory_space<hbm>>) dst(%arg10 : memref<16384xf32, #tpu.memory_space<vmem>>)
    %dma_wait3A_216 = tpu.memref_slice %arg4[%add3A_192] : memref<8388608xf32, #tpu.memory_space<hbm>> -> memref<16384xf32, #tpu.memory_space<hbm>>
    %dma_wait3A_217 = tpu.memref_slice %arg4[%add3A_192] : memref<8388608xf32, #tpu.memory_space<hbm>> -> memref<16384xf32, #tpu.memory_space<hbm>>
    tpu.wait_dma2 semaphore(%arg16 : memref<!tpu.dma_semaphore, #tpu.memory_space<semaphore_mem>>) src(%arg12 : memref<16384xf32, #tpu.memory_space<vmem>>) dst(%dma_wait3A_217 : memref<16384xf32, #tpu.memory_space<hbm>>)
    %parallel_loop3A_218 = arith.constant 0 : i32
    %parallel_loop3A_219 = arith.constant 16384 : i32
    %parallel_loop3A_220 = arith.constant 16 : i32
    scf.for %parallel_loop3A_255 = %parallel_loop3A_218 to %parallel_loop3A_219 step %parallel_loop3A_220  : i32 {
      %parallel_loop3A_256 = arith.index_cast %parallel_loop3A_255 : i32 to index
      %parallel_loop3A_257 = tpu.vector_load %arg10[%parallel_loop3A_256] {strides = array<i32>} : memref<16384xf32, #tpu.memory_space<vmem>>, vector<16xf32>,
      %parallel_loop3A_258 = arith.mulf %parallel_loop3A_257, %get3A_8 : vector<16xf32>
      %parallel_loop3A_259 = arith.addf %parallel_loop3A_258, %get3A_10 : vector<16xf32>
      %parallel_loop3A_260 = arith.constant 0.000000e+00 : f32
      %parallel_loop3A_261 = vector.broadcast %parallel_loop3A_260 : f32 to vector<16xf32>
      %parallel_loop3A_262 = arith.maximumf %parallel_loop3A_259, %parallel_loop3A_261 : vector<16xf32>
      %parallel_loop3A_263 = arith.constant 1.025000e+03 : f32
      %parallel_loop3A_264 = vector.broadcast %parallel_loop3A_263 : f32 to vector<16xf32>
      %parallel_loop3A_265 = arith.minimumf %parallel_loop3A_262, %parallel_loop3A_264 : vector<16xf32>
      %parallel_loop3A_266 = arith.fptosi %parallel_loop3A_265 : vector<16xf32> to vector<16xi32>
      %parallel_loop3A_267 = tpu.vector_load_idx %arg6[%parallel_loop3A_266] : memref<1040xf32, #tpu.memory_space<vmem>>[vector<16xi32>], vector<16xf32>,
      %parallel_loop3A_268 = tpu.vector_load_idx %arg7[%parallel_loop3A_266] : memref<1040xf32, #tpu.memory_space<vmem>>[vector<16xi32>], vector<16xf32>,
      %parallel_loop3A_269 = tpu.vector_load_idx %arg8[%parallel_loop3A_266] : memref<1040xf32, #tpu.memory_space<vmem>>[vector<16xi32>], vector<16xf32>,
      %parallel_loop3A_270 = arith.subf %parallel_loop3A_257, %get3A_12 : vector<16xf32>
      %parallel_loop3A_271 = math.absf %parallel_loop3A_270 : vector<16xf32>
      %parallel_loop3A_272 = arith.constant 1.000000e-01 : f32
      %parallel_loop3A_273 = vector.broadcast %parallel_loop3A_272 : f32 to vector<16xf32>
      %parallel_loop3A_274 = arith.mulf %parallel_loop3A_271, %parallel_loop3A_273 : vector<16xf32>
      %parallel_loop3A_275 = arith.addf %parallel_loop3A_274, %get3A_14 : vector<16xf32>
      %parallel_loop3A_276 = arith.mulf %parallel_loop3A_275, %parallel_loop3A_275 : vector<16xf32>
      %parallel_loop3A_277 = arith.mulf %parallel_loop3A_276, %parallel_loop3A_276 : vector<16xf32>
      %parallel_loop3A_278 = arith.mulf %parallel_loop3A_277, %parallel_loop3A_277 : vector<16xf32>
      %parallel_loop3A_279 = arith.mulf %parallel_loop3A_278, %parallel_loop3A_276 : vector<16xf32>
      %parallel_loop3A_280 = arith.constant 1.000000e+00 : f32
      %parallel_loop3A_281 = vector.broadcast %parallel_loop3A_280 : f32 to vector<16xf32>
      %parallel_loop3A_282 = arith.divf %parallel_loop3A_281, %parallel_loop3A_279 : vector<16xf32>
      %parallel_loop3A_283 = arith.mulf %parallel_loop3A_268, %parallel_loop3A_257 : vector<16xf32>
      %parallel_loop3A_284 = arith.addf %parallel_loop3A_267, %parallel_loop3A_283 : vector<16xf32>
      %parallel_loop3A_285 = arith.mulf %parallel_loop3A_269, %parallel_loop3A_282 : vector<16xf32>
      %parallel_loop3A_286 = arith.addf %parallel_loop3A_284, %parallel_loop3A_285 : vector<16xf32>
      %parallel_loop3A_287 = arith.index_cast %parallel_loop3A_255 : i32 to index
      %parallel_loop3A_288 = tpu.vector_load %arg12[%parallel_loop3A_287] {strides = array<i32>} : memref<16384xf32, #tpu.memory_space<vmem>>, vector<16xf32>,
      tpu.vector_store %arg12[%parallel_loop3A_287], %parallel_loop3A_286 {strides = array<i32>} : memref<16384xf32, #tpu.memory_space<vmem>>, vector<16xf32>,
    } {sc.loop_unroll_factor = 2 : i64, sc.parallel_access}
    %add3A_221 = arith.constant 212992 : i32
    %add3A_222 = arith.addi %mul3A_2, %add3A_221 : i32
    %dma_start3A_223 = tpu.memref_slice %arg4[%add3A_222] : memref<8388608xf32, #tpu.memory_space<hbm>> -> memref<16384xf32, #tpu.memory_space<hbm>>
    %dma_start3A_224 = tpu.memref_slice %arg4[%add3A_222] : memref<8388608xf32, #tpu.memory_space<hbm>> -> memref<16384xf32, #tpu.memory_space<hbm>>
    tpu.enqueue_dma source(%arg12 : memref<16384xf32, #tpu.memory_space<vmem>>) target(%dma_start3A_224 : memref<16384xf32, #tpu.memory_space<hbm>>) target_semaphore(%arg16 : memref<!tpu.dma_semaphore, #tpu.memory_space<semaphore_mem>>)
    %add3A_225 = arith.constant 245760 : i32
    %add3A_226 = arith.addi %mul3A_2, %add3A_225 : i32
    %dma_start3A_227 = tpu.memref_slice %arg2[%add3A_226] : memref<8388608xf32, #tpu.memory_space<hbm>> -> memref<16384xf32, #tpu.memory_space<hbm>>
    %dma_start3A_228 = tpu.memref_slice %arg2[%add3A_226] : memref<8388608xf32, #tpu.memory_space<hbm>> -> memref<16384xf32, #tpu.memory_space<hbm>>
    tpu.enqueue_dma source(%dma_start3A_228 : memref<16384xf32, #tpu.memory_space<hbm>>) target(%arg10 : memref<16384xf32, #tpu.memory_space<vmem>>) target_semaphore(%arg14 : memref<!tpu.dma_semaphore, #tpu.memory_space<semaphore_mem>>)
    %dma_wait3A_229 = tpu.memref_slice %arg2[%add3A_211] : memref<8388608xf32, #tpu.memory_space<hbm>> -> memref<16384xf32, #tpu.memory_space<hbm>>
    %dma_wait3A_230 = tpu.memref_slice %arg2[%add3A_211] : memref<8388608xf32, #tpu.memory_space<hbm>> -> memref<16384xf32, #tpu.memory_space<hbm>>
    tpu.wait_dma2 semaphore(%arg13 : memref<!tpu.dma_semaphore, #tpu.memory_space<semaphore_mem>>) src(%dma_wait3A_230 : memref<16384xf32, #tpu.memory_space<hbm>>) dst(%arg9 : memref<16384xf32, #tpu.memory_space<vmem>>)
    %dma_wait3A_231 = tpu.memref_slice %arg4[%add3A_207] : memref<8388608xf32, #tpu.memory_space<hbm>> -> memref<16384xf32, #tpu.memory_space<hbm>>
    %dma_wait3A_232 = tpu.memref_slice %arg4[%add3A_207] : memref<8388608xf32, #tpu.memory_space<hbm>> -> memref<16384xf32, #tpu.memory_space<hbm>>
    tpu.wait_dma2 semaphore(%arg15 : memref<!tpu.dma_semaphore, #tpu.memory_space<semaphore_mem>>) src(%arg11 : memref<16384xf32, #tpu.memory_space<vmem>>) dst(%dma_wait3A_232 : memref<16384xf32, #tpu.memory_space<hbm>>)
    %parallel_loop3A_233 = arith.constant 0 : i32
    %parallel_loop3A_234 = arith.constant 16384 : i32
    %parallel_loop3A_235 = arith.constant 16 : i32
    scf.for %parallel_loop3A_255 = %parallel_loop3A_233 to %parallel_loop3A_234 step %parallel_loop3A_235  : i32 {
      %parallel_loop3A_256 = arith.index_cast %parallel_loop3A_255 : i32 to index
      %parallel_loop3A_257 = tpu.vector_load %arg9[%parallel_loop3A_256] {strides = array<i32>} : memref<16384xf32, #tpu.memory_space<vmem>>, vector<16xf32>,
      %parallel_loop3A_258 = arith.mulf %parallel_loop3A_257, %get3A_8 : vector<16xf32>
      %parallel_loop3A_259 = arith.addf %parallel_loop3A_258, %get3A_10 : vector<16xf32>
      %parallel_loop3A_260 = arith.constant 0.000000e+00 : f32
      %parallel_loop3A_261 = vector.broadcast %parallel_loop3A_260 : f32 to vector<16xf32>
      %parallel_loop3A_262 = arith.maximumf %parallel_loop3A_259, %parallel_loop3A_261 : vector<16xf32>
      %parallel_loop3A_263 = arith.constant 1.025000e+03 : f32
      %parallel_loop3A_264 = vector.broadcast %parallel_loop3A_263 : f32 to vector<16xf32>
      %parallel_loop3A_265 = arith.minimumf %parallel_loop3A_262, %parallel_loop3A_264 : vector<16xf32>
      %parallel_loop3A_266 = arith.fptosi %parallel_loop3A_265 : vector<16xf32> to vector<16xi32>
      %parallel_loop3A_267 = tpu.vector_load_idx %arg6[%parallel_loop3A_266] : memref<1040xf32, #tpu.memory_space<vmem>>[vector<16xi32>], vector<16xf32>,
      %parallel_loop3A_268 = tpu.vector_load_idx %arg7[%parallel_loop3A_266] : memref<1040xf32, #tpu.memory_space<vmem>>[vector<16xi32>], vector<16xf32>,
      %parallel_loop3A_269 = tpu.vector_load_idx %arg8[%parallel_loop3A_266] : memref<1040xf32, #tpu.memory_space<vmem>>[vector<16xi32>], vector<16xf32>,
      %parallel_loop3A_270 = arith.subf %parallel_loop3A_257, %get3A_12 : vector<16xf32>
      %parallel_loop3A_271 = math.absf %parallel_loop3A_270 : vector<16xf32>
      %parallel_loop3A_272 = arith.constant 1.000000e-01 : f32
      %parallel_loop3A_273 = vector.broadcast %parallel_loop3A_272 : f32 to vector<16xf32>
      %parallel_loop3A_274 = arith.mulf %parallel_loop3A_271, %parallel_loop3A_273 : vector<16xf32>
      %parallel_loop3A_275 = arith.addf %parallel_loop3A_274, %get3A_14 : vector<16xf32>
      %parallel_loop3A_276 = arith.mulf %parallel_loop3A_275, %parallel_loop3A_275 : vector<16xf32>
      %parallel_loop3A_277 = arith.mulf %parallel_loop3A_276, %parallel_loop3A_276 : vector<16xf32>
      %parallel_loop3A_278 = arith.mulf %parallel_loop3A_277, %parallel_loop3A_277 : vector<16xf32>
      %parallel_loop3A_279 = arith.mulf %parallel_loop3A_278, %parallel_loop3A_276 : vector<16xf32>
      %parallel_loop3A_280 = arith.constant 1.000000e+00 : f32
      %parallel_loop3A_281 = vector.broadcast %parallel_loop3A_280 : f32 to vector<16xf32>
      %parallel_loop3A_282 = arith.divf %parallel_loop3A_281, %parallel_loop3A_279 : vector<16xf32>
      %parallel_loop3A_283 = arith.mulf %parallel_loop3A_268, %parallel_loop3A_257 : vector<16xf32>
      %parallel_loop3A_284 = arith.addf %parallel_loop3A_267, %parallel_loop3A_283 : vector<16xf32>
      %parallel_loop3A_285 = arith.mulf %parallel_loop3A_269, %parallel_loop3A_282 : vector<16xf32>
      %parallel_loop3A_286 = arith.addf %parallel_loop3A_284, %parallel_loop3A_285 : vector<16xf32>
      %parallel_loop3A_287 = arith.index_cast %parallel_loop3A_255 : i32 to index
      %parallel_loop3A_288 = tpu.vector_load %arg11[%parallel_loop3A_287] {strides = array<i32>} : memref<16384xf32, #tpu.memory_space<vmem>>, vector<16xf32>,
      tpu.vector_store %arg11[%parallel_loop3A_287], %parallel_loop3A_286 {strides = array<i32>} : memref<16384xf32, #tpu.memory_space<vmem>>, vector<16xf32>,
    } {sc.loop_unroll_factor = 2 : i64, sc.parallel_access}
    %add3A_236 = arith.constant 229376 : i32
    %add3A_237 = arith.addi %mul3A_2, %add3A_236 : i32
    %dma_start3A_238 = tpu.memref_slice %arg4[%add3A_237] : memref<8388608xf32, #tpu.memory_space<hbm>> -> memref<16384xf32, #tpu.memory_space<hbm>>
    %dma_start3A_239 = tpu.memref_slice %arg4[%add3A_237] : memref<8388608xf32, #tpu.memory_space<hbm>> -> memref<16384xf32, #tpu.memory_space<hbm>>
    tpu.enqueue_dma source(%arg11 : memref<16384xf32, #tpu.memory_space<vmem>>) target(%dma_start3A_239 : memref<16384xf32, #tpu.memory_space<hbm>>) target_semaphore(%arg15 : memref<!tpu.dma_semaphore, #tpu.memory_space<semaphore_mem>>)
    %dma_wait3A_240 = tpu.memref_slice %arg2[%add3A_226] : memref<8388608xf32, #tpu.memory_space<hbm>> -> memref<16384xf32, #tpu.memory_space<hbm>>
    %dma_wait3A_241 = tpu.memref_slice %arg2[%add3A_226] : memref<8388608xf32, #tpu.memory_space<hbm>> -> memref<16384xf32, #tpu.memory_space<hbm>>
    tpu.wait_dma2 semaphore(%arg14 : memref<!tpu.dma_semaphore, #tpu.memory_space<semaphore_mem>>) src(%dma_wait3A_241 : memref<16384xf32, #tpu.memory_space<hbm>>) dst(%arg10 : memref<16384xf32, #tpu.memory_space<vmem>>)
    %dma_wait3A_242 = tpu.memref_slice %arg4[%add3A_222] : memref<8388608xf32, #tpu.memory_space<hbm>> -> memref<16384xf32, #tpu.memory_space<hbm>>
    %dma_wait3A_243 = tpu.memref_slice %arg4[%add3A_222] : memref<8388608xf32, #tpu.memory_space<hbm>> -> memref<16384xf32, #tpu.memory_space<hbm>>
    tpu.wait_dma2 semaphore(%arg16 : memref<!tpu.dma_semaphore, #tpu.memory_space<semaphore_mem>>) src(%arg12 : memref<16384xf32, #tpu.memory_space<vmem>>) dst(%dma_wait3A_243 : memref<16384xf32, #tpu.memory_space<hbm>>)
    %parallel_loop3A_244 = arith.constant 0 : i32
    %parallel_loop3A_245 = arith.constant 16384 : i32
    %parallel_loop3A_246 = arith.constant 16 : i32
    scf.for %parallel_loop3A_255 = %parallel_loop3A_244 to %parallel_loop3A_245 step %parallel_loop3A_246  : i32 {
      %parallel_loop3A_256 = arith.index_cast %parallel_loop3A_255 : i32 to index
      %parallel_loop3A_257 = tpu.vector_load %arg10[%parallel_loop3A_256] {strides = array<i32>} : memref<16384xf32, #tpu.memory_space<vmem>>, vector<16xf32>,
      %parallel_loop3A_258 = arith.mulf %parallel_loop3A_257, %get3A_8 : vector<16xf32>
      %parallel_loop3A_259 = arith.addf %parallel_loop3A_258, %get3A_10 : vector<16xf32>
      %parallel_loop3A_260 = arith.constant 0.000000e+00 : f32
      %parallel_loop3A_261 = vector.broadcast %parallel_loop3A_260 : f32 to vector<16xf32>
      %parallel_loop3A_262 = arith.maximumf %parallel_loop3A_259, %parallel_loop3A_261 : vector<16xf32>
      %parallel_loop3A_263 = arith.constant 1.025000e+03 : f32
      %parallel_loop3A_264 = vector.broadcast %parallel_loop3A_263 : f32 to vector<16xf32>
      %parallel_loop3A_265 = arith.minimumf %parallel_loop3A_262, %parallel_loop3A_264 : vector<16xf32>
      %parallel_loop3A_266 = arith.fptosi %parallel_loop3A_265 : vector<16xf32> to vector<16xi32>
      %parallel_loop3A_267 = tpu.vector_load_idx %arg6[%parallel_loop3A_266] : memref<1040xf32, #tpu.memory_space<vmem>>[vector<16xi32>], vector<16xf32>,
      %parallel_loop3A_268 = tpu.vector_load_idx %arg7[%parallel_loop3A_266] : memref<1040xf32, #tpu.memory_space<vmem>>[vector<16xi32>], vector<16xf32>,
      %parallel_loop3A_269 = tpu.vector_load_idx %arg8[%parallel_loop3A_266] : memref<1040xf32, #tpu.memory_space<vmem>>[vector<16xi32>], vector<16xf32>,
      %parallel_loop3A_270 = arith.subf %parallel_loop3A_257, %get3A_12 : vector<16xf32>
      %parallel_loop3A_271 = math.absf %parallel_loop3A_270 : vector<16xf32>
      %parallel_loop3A_272 = arith.constant 1.000000e-01 : f32
      %parallel_loop3A_273 = vector.broadcast %parallel_loop3A_272 : f32 to vector<16xf32>
      %parallel_loop3A_274 = arith.mulf %parallel_loop3A_271, %parallel_loop3A_273 : vector<16xf32>
      %parallel_loop3A_275 = arith.addf %parallel_loop3A_274, %get3A_14 : vector<16xf32>
      %parallel_loop3A_276 = arith.mulf %parallel_loop3A_275, %parallel_loop3A_275 : vector<16xf32>
      %parallel_loop3A_277 = arith.mulf %parallel_loop3A_276, %parallel_loop3A_276 : vector<16xf32>
      %parallel_loop3A_278 = arith.mulf %parallel_loop3A_277, %parallel_loop3A_277 : vector<16xf32>
      %parallel_loop3A_279 = arith.mulf %parallel_loop3A_278, %parallel_loop3A_276 : vector<16xf32>
      %parallel_loop3A_280 = arith.constant 1.000000e+00 : f32
      %parallel_loop3A_281 = vector.broadcast %parallel_loop3A_280 : f32 to vector<16xf32>
      %parallel_loop3A_282 = arith.divf %parallel_loop3A_281, %parallel_loop3A_279 : vector<16xf32>
      %parallel_loop3A_283 = arith.mulf %parallel_loop3A_268, %parallel_loop3A_257 : vector<16xf32>
      %parallel_loop3A_284 = arith.addf %parallel_loop3A_267, %parallel_loop3A_283 : vector<16xf32>
      %parallel_loop3A_285 = arith.mulf %parallel_loop3A_269, %parallel_loop3A_282 : vector<16xf32>
      %parallel_loop3A_286 = arith.addf %parallel_loop3A_284, %parallel_loop3A_285 : vector<16xf32>
      %parallel_loop3A_287 = arith.index_cast %parallel_loop3A_255 : i32 to index
      %parallel_loop3A_288 = tpu.vector_load %arg12[%parallel_loop3A_287] {strides = array<i32>} : memref<16384xf32, #tpu.memory_space<vmem>>, vector<16xf32>,
      tpu.vector_store %arg12[%parallel_loop3A_287], %parallel_loop3A_286 {strides = array<i32>} : memref<16384xf32, #tpu.memory_space<vmem>>, vector<16xf32>,
    } {sc.loop_unroll_factor = 2 : i64, sc.parallel_access}
    %add3A_247 = arith.constant 245760 : i32
    %add3A_248 = arith.addi %mul3A_2, %add3A_247 : i32
    %dma_start3A_249 = tpu.memref_slice %arg4[%add3A_248] : memref<8388608xf32, #tpu.memory_space<hbm>> -> memref<16384xf32, #tpu.memory_space<hbm>>
    %dma_start3A_250 = tpu.memref_slice %arg4[%add3A_248] : memref<8388608xf32, #tpu.memory_space<hbm>> -> memref<16384xf32, #tpu.memory_space<hbm>>
    tpu.enqueue_dma source(%arg12 : memref<16384xf32, #tpu.memory_space<vmem>>) target(%dma_start3A_250 : memref<16384xf32, #tpu.memory_space<hbm>>) target_semaphore(%arg16 : memref<!tpu.dma_semaphore, #tpu.memory_space<semaphore_mem>>)
    %dma_wait3A_251 = tpu.memref_slice %arg4[%add3A_237] : memref<8388608xf32, #tpu.memory_space<hbm>> -> memref<16384xf32, #tpu.memory_space<hbm>>
    %dma_wait3A_252 = tpu.memref_slice %arg4[%add3A_237] : memref<8388608xf32, #tpu.memory_space<hbm>> -> memref<16384xf32, #tpu.memory_space<hbm>>
    tpu.wait_dma2 semaphore(%arg15 : memref<!tpu.dma_semaphore, #tpu.memory_space<semaphore_mem>>) src(%arg11 : memref<16384xf32, #tpu.memory_space<vmem>>) dst(%dma_wait3A_252 : memref<16384xf32, #tpu.memory_space<hbm>>)
    %dma_wait3A_253 = tpu.memref_slice %arg4[%add3A_248] : memref<8388608xf32, #tpu.memory_space<hbm>> -> memref<16384xf32, #tpu.memory_space<hbm>>
    %dma_wait3A_254 = tpu.memref_slice %arg4[%add3A_248] : memref<8388608xf32, #tpu.memory_space<hbm>> -> memref<16384xf32, #tpu.memory_space<hbm>>
    tpu.wait_dma2 semaphore(%arg16 : memref<!tpu.dma_semaphore, #tpu.memory_space<semaphore_mem>>) src(%arg12 : memref<16384xf32, #tpu.memory_space<vmem>>) dst(%dma_wait3A_254 : memref<16384xf32, #tpu.memory_space<hbm>>)
    return
  }
}

</mosaic_0001>

<sc_bundles>
// kernel: _marginal_sc.3.cloned.1.call-start
scs
__scs_entry_jumppad:
0x0: {  	(pc) =	sbr.rel $0x88, $3  }
0x1: {  	(tag) =	ssettag $0x0;
	lr =	simm.s32 $0x1  }
0x2: {  	[smem:$0x3F9F] =	sst lr;
	_ =	strace $0xD0000000  }
0x3: {  	_ = 	snop  }
0x4: {  	_ = 	snop  }
0x5: {  	_ = 	snop  }
0x6: {  	_ = 	snop  }
0x7: {  	_ = 	snop  }
__scs_overlays_trampoline_lowered:
0x8: {  	[smem:$0x3FAE] =	sst s0  }
0x9: {  	[smem:$0x3FAF] =	sst s1  }
0xa: {  	[smem:$0x3FB0] =	sst s2  }
0xb: {  	[smem:$0x3FB1] =	sst s3  }
0xc: {  	[smem:$0x3FB2] =	sst s4  }
0xd: {  	[smem:$0x3FB3] =	sst s5  }
0xe: {  	[smem:$0x3FB4] =	sst s6  }
0xf: {  	[smem:$0x3FB5] =	sst s7  }
0x10: {  	[smem:$0x3FB6] =	sst s8  }
0x11: {  	[smem:$0x3FB7] =	sst s9;
	s0 =	simm.s32 @!p0 $0x0  }
0x12: {  	s1 =	sld [smem:$0x3F9D];
	s0 =	simm.s32 @p0 $0x1  }
0x13: {  	[smem:$0x3FB8] =	sst s0;
	s0 =	simm.s32 @!p1 $0x0  }
0x14: {  	s2 =	sld [smem:$0x3F9C];
	s0 =	simm.s32 @p1 $0x1  }
0x15: {  	[smem:$0x3FB9] =	sst s0;
	s0 =	simm.s32 @!p2 $0x0  }
0x16: {  	s3 =	sld [smem:$0x3FDB];
	s0 =	simm.s32 @p2 $0x1  }
0x17: {  	s4 =	simm.s32 $0x1BF5;
	[smem:$0x3FBB] =	sst s0  }
0x18: {  	s0 =	sld [smem:$0x3F9E];
	_ =	swait.ge [sflag:s4], $0x0  }
0x19: {  	s7 =	sld [smem:$0x3F9F]  }
0x1a: {  	s8 =	sadd.s32 $0xFFFFE003, lr  }
0x1b: {  	s9 =	sadd.s32 $0xFFFFFEF7, lr;
	s5 =	simm.s32 $0xFFFFFFFF;
	p2 =	slt.u32 s8, $0xFFFFF086  }
0x1c: {  	p1 =	slt.u32 s9, $0xF7A;
	s5 =	simm.s32 @!p2 $0x0  }
0x1d: {  	s5 =	simm.s32 @p1 $0x1;
	p0 =	seq.s32 s7, s2  }
0x1e: {  	s7 =	smul.u32 @!p0 $0xF7A, s2;
	p2 =	seq.s32 @!p0 s5, $0x0  }
0x1f: {  	s9 =	smul.u32 $0xF7A, s1;
	s8 =	simm.s32 @!p0 $0x1BF5;
	p2 =	por !p2, p0  }
0x20: {  	[sflag:s8] =	ssyncset.s32 @!p0 $0xFFFFF086;
	s6 =	sadd.s32 @!p0 s3, s7;
	s7 =	simm.s32 @!p0 $0x108  }
0x21: {  	s3 =	sadd.s32 s3, s9;
	s6 =	sadd.s32 @!p0 $0x88, s6;
	s7 =	simm.s32 @p2 $0x1082  }
0x22: {  	[simem:s7], [sflag:s8] =	dma.local @!p0 [hbm:s6], $0xF7A  }
0x23: {  	s9 =	sor.u32 $0xD0000000, s2;
	s6 =	simm.s32 $0x108;
	_ =	swait.ge @!p0 [sflag:s8], $0x0  }
0x24: {  	s3 =	sadd.s32 $0x88, s3;
	s6 =	simm.s32 @!p1 $0x1082;
	[sflag:s4] =	ssyncset.s32 $0xFFFFF086  }
0x25: {  	[simem:s6], [sflag:s4] =	dma.local [hbm:s3], $0xF7A  }
0x26: {  	[smem:$0x3F9F] =	sst s1;
	(tag) =	ssettag s2;
	_ =	strace s9  }
0x27: {  	s1 =	sld [smem:$0x3FAF]  }
0x28: {  	s2 =	sld [smem:$0x3FB0]  }
0x29: {  	s4 =	sld [smem:$0x3FB2]  }
0x2a: {  	p0 =	seq.s32 s5, $0x0;
	s5 =	sld [smem:$0x3FB3]  }
0x2b: {  	s6 =	sld [smem:$0x3FB4]  }
0x2c: {  	s7 =	sld [smem:$0x3FB5]  }
0x2d: {  	s3 =	simm.s32 $0x108;
	s8 =	sld [smem:$0x3FB6]  }
0x2e: {  	s3 =	simm.s32 @!p0 $0x1082;
	s9 =	sld [smem:$0x3FB7]  }
0x2f: {  	lr =	sadd.s32 s0, s3;
	s0 =	sld [smem:$0x3FAE]  }
0x30: {  	s3 =	sld [smem:$0x3FB1]  }
0x31: {  	[smem:$0x3FBA] =	sst s10  }
0x32: {  	s10 =	sld [smem:$0x3FB8];
	_ =	sdelay $0x3  }
0x33: {  	p0 =	seq.s32 s10, $0x1;
	s10 =	sld [smem:$0x3FBA];
	_ =	sdelay $0x3  }
0x34: {  	[smem:$0x3FBA] =	sst s10  }
0x35: {  	s10 =	sld [smem:$0x3FB9];
	_ =	sdelay $0x3  }
0x36: {  	p1 =	seq.s32 s10, $0x1;
	s10 =	sld [smem:$0x3FBA];
	_ =	sdelay $0x3  }
0x37: {  	[smem:$0x3FBA] =	sst s10  }
0x38: {  	s10 =	sld [smem:$0x3FBB]  }
0x39: {  	_ = 	snop;
	(pc) =	sbr.ind lr, $3  }
0x3a: {  	_ = 	snop  }
0x3b: {  	_ = 	snop  }
0x3c: {  	p2 =	seq.s32 s10, $0x1;
	s10 =	sld [smem:$0x3FBA]  }
0x3d: {  	_ =	shalt  }
0x3e: {  	_ =	shalt  }
0x3f: {  	_ =	shalt  }
0x40: {  	_ =	shalt  }
0x41: {  	_ =	shalt  }
0x42: {  	_ =	shalt  }
0x43: {  	_ =	shalt  }
0x44: {  	_ =	shalt  }
0x45: {  	_ =	shalt  }
0x46: {  	_ =	shalt  }
0x47: {  	_ =	shalt  }
0x48: {  	_ =	shalt  }
0x49: {  	_ =	shalt  }
0x4a: {  	_ =	shalt  }
0x4b: {  	_ =	shalt  }
0x4c: {  	_ =	shalt  }
0x4d: {  	_ =	shalt  }
0x4e: {  	_ =	shalt  }
0x4f: {  	_ =	shalt  }
0x50: {  	_ =	shalt  }
0x51: {  	_ =	shalt  }
0x52: {  	_ =	shalt  }
0x53: {  	_ =	shalt  }
0x54: {  	_ =	shalt  }
0x55: {  	_ =	shalt  }
0x56: {  	_ =	shalt  }
0x57: {  	_ =	shalt  }
0x58: {  	_ =	shalt  }
0x59: {  	_ =	shalt  }
0x5a: {  	_ =	shalt  }
0x5b: {  	_ =	shalt  }
0x5c: {  	_ =	shalt  }
0x5d: {  	_ =	shalt  }
0x5e: {  	_ =	shalt  }
0x5f: {  	_ =	shalt  }
0x60: {  	_ =	shalt  }
0x61: {  	_ =	shalt  }
0x62: {  	_ =	shalt  }
0x63: {  	_ =	shalt  }
0x64: {  	_ =	shalt  }
0x65: {  	_ =	shalt  }
0x66: {  	_ =	shalt  }
0x67: {  	_ =	shalt  }
0x68: {  	_ =	shalt  }
0x69: {  	_ =	shalt  }
0x6a: {  	_ =	shalt  }
0x6b: {  	_ =	shalt  }
0x6c: {  	_ =	shalt  }
0x6d: {  	_ =	shalt  }
0x6e: {  	_ =	shalt  }
0x6f: {  	_ =	shalt  }
0x70: {  	_ =	shalt  }
0x71: {  	_ =	shalt  }
0x72: {  	_ =	shalt  }
0x73: {  	_ =	shalt  }
0x74: {  	_ =	shalt  }
0x75: {  	_ =	shalt  }
0x76: {  	_ =	shalt  }
0x77: {  	_ =	shalt  }
0x78: {  	_ =	shalt  }
0x79: {  	_ =	shalt  }
0x7a: {  	_ =	shalt  }
0x7b: {  	_ =	shalt  }
0x7c: {  	_ =	shalt  }
0x7d: {  	_ =	shalt  }
0x7e: {  	_ =	shalt  }
0x7f: {  	_ =	shalt  }
0x80: {  	_ =	shalt  }
0x81: {  	_ =	shalt  }
0x82: {  	_ =	shalt  }
0x83: {  	_ =	shalt  }
0x84: {  	_ =	shalt  }
0x85: {  	_ =	shalt  }
0x86: {  	_ =	shalt  }
0x87: {  	_ =	shalt  }
.Lfunc_end0:
.L_simem_size_0:
called_computation_lowered:
.L_overlay_start_0:
0x88: {  	s2 =	sld [smem:$0x3FD9]  }
0x89: {  	s3 =	sld [smem:$0x3FFE];
	_ =	sdelay $0x1  }
0x8a: {  	s1 =	srdreg.scid  }
0x8b: {  	s0 =	sand.u32 $0x1, s1  }
0x8c: {  	s18 =	sshll.u32 s0, $0xA;
	s2 =	sadd.s32 s3, s2  }
0x8d: {  	s2 =	sadd.s32 s2, s18  }
0x8e: {  	[smem:$0x3FC6] =	sst s2  }
0x8f: {  	_ = 	snop  }
0x90: {  	s2 =	sld [smem:$0x3FC9]  }
0x91: {  	s19 =	sld [smem:$0x3FC8]  }
0x92: {  	s4 =	sld [smem:$0x3FD0];
	(tm) =	ssettm $0x1  }
0x93: {  	s5 =	sld [smem:$0x3FFB];
	_ =	sdelay $0x3  }
0x94: {  	_ =	strace s5  }
0x95: {  	s5 =	sld [smem:$0x3FFC];
	_ =	sdelay $0x3  }
0x96: {  	_ =	strace s5  }
0x97: {  	s5 =	sld [smem:$0x3FFD];
	_ =	sdelay $0x3  }
0x98: {  	_ =	strace s5  }
0x99: {  	_ =	strace $0x8FFFFFFF  }
0x9a: {  	s20 =	sld [smem:$0x3FDB];
	_ =	sdelay $0x1  }
0x9b: {  	s6 =	simm.s32 $_scs_section_size  }
0x9c: {  	s7 =	simm.s32 $_size__tile_overlayer_lowered;
	s8 =	simm.s32 $_tile_overlayer_lowered  }
0x9d: {  	s23 =	simm.s32 $0x1BFF;
	s22 =	sshll.u32 s8, $0x1;
	s5 =	sadd.s32 s6, s20  }
0x9e: {  	s9 =	simm.s32 $0x0;
	s21 =	sshll.u32 s7, $0x1;
	s7 =	sadd.s32 s22, s5  }
0x9f: {  	[timem:s9], [sflag:s23] =	dma.local [hbm:s7], s21  }
0xa0: {  	_ =	swait.ge [sflag:s23], s21  }
0xa1: {  	s6 =	ssub.s32 $0x0, s21;
	[sflag:s23] =	ssyncset.done $0x0  }
0xa2: {  	[sflag:s23] =	ssyncadd.s32 s6;
	_ =	sdelay $0x1  }
0xa3: {  	s24 =	simm.s32 $0x1B8B  }
0xa4: {  	_ =	swait.ge [sflag:s24], $0x1  }
0xa5: {  	[sflag:s24] =	ssyncset.done $0x0  }
0xa6: {  	s25 =	simm.s32 $0x1B8E;
	[sflag:s24] =	ssyncadd.s32 $0xFFFFFFFF  }
0xa7: {  	s26 =	simm.s32 $execute0_lowered;
	[smem:$0x3FD2] =	sst s25  }
0xa8: {  	s6 =	sshll.u32 s26, $0x1;
	_ =	strace $0x80000046;
	[dreg:$0x1] =	wrdreg $0xFFFFFFFF  }
0xa9: {  	s28 =	simm.s32 $_size_execute0_lowered;
	s5 =	sadd.s32 s5, s6;
	[dreg:$0x0] =	wrdreg $0x0  }
0xaa: {  	s6 =	sshll.u32 s28, $0x1;
	[dreg:$0x2] =	wrdreg s5  }
0xab: {  	[dreg:$0x3] =	wrdreg s6  }
0xac: {  	[dreg:$0x4] =	wrdreg $0xC0  }
0xad: {  	_ =	task [dreg:s9], $0x5FFFF  }
0xae: {  	[dreg:$0x1] =	wrdreg $0xFFFFFFFF  }
0xaf: {  	[dreg:$0x0] =	wrdreg $0x60  }
0xb0: {  	[dreg:$0x2] =	wrdreg s2  }
0xb1: {  	[dreg:$0x3] =	wrdreg s19  }
0xb2: {  	[dreg:$0x4] =	wrdreg s4  }
0xb3: {  	[dreg:$0x5] =	wrdreg $0x9  }
0xb4: {  	_ =	task.clear_ibuf [dreg:s9], $0x6FFFF;
	_ =	strace $0x90000046  }
0xb5: {  	s29 =	simm.s32 $0x9;
	_ =	strace $0x80000048  }
0xb6: {  	_ =	swait.ge [sflag:s29], $0x1  }
0xb7: {  	[sflag:s29] =	ssyncadd.s32 $0xFFFFFFFF  }
0xb8: {  	_ =	strace $0x90000048  }
0xb9: {  	_ =	sfence  }
0xba: {  	s30 =	sld [smem:$0x0];
	_ =	sdelay $0x2  }
0xbb: {  	s31 =	sshll.u32 s1, $0xD;
	s1 =	sshrl.u32 s1, $0x2  }
0xbc: {  	s3 =	sand.u32 $0x4000, s31;
	s1 =	sadd.s32 s1, s30  }
0xbd: {  	s0 =	sor.u32 s3, s0;
	s1 =	sshll.u32 s1, $0x11  }
0xbe: {  	s0 =	sor.u32 s1, s0  }
0xbf: {  	s0 =	sadd.s32 $0x8F2B, s0  }
0xc0: {  	[sflag:s0] =	ssyncadd.remote.s32 $0x1  }
0xc1: {  	_ =	sfence.sel $0xFFFF  }
0xc2: {  	[dreg:$0x0] =	wrdreg $0xFFFFFFFF;
	(pc) =	sbr.abs _section_cstart, $3  }
0xc3: {  	[dreg:$0x1] =	wrdreg $0xFFFFFFFF  }
0xc4: {  	_ =	task.clear_ibuf [dreg:s9], $0x2FFFF;
	_ =	strace $0x9FFFFFFF  }
0xc5: {  	(tm) =	ssettm $0x7FFFFFFF  }
tec
execute0_lowered:
.L_overlay_start_1:
0x0: {  	(tag) =	ssettag $0x1  }
0x1: {  	s0 =	rddreg [dreg:$0x0]  }
0x2: {  	s1 =	srdreg.scid;
	s3 =	rddreg [dreg:$0x2]  }
0x3: {  	s4 =	stileid.u32;
	s2 =	sand.u32 $0x1, s1;
	s1 =	simm.s32 $0x0  }
0x4: {  	s4 =	sshll.u32 s4, $0x10;
	s5 =	sshll.u32 s2, $0xF;
	s2 =	ssub.s32 $0x2, s2  }
0x5: {  	[smem:$0x7FF] =	sst s1;
	s5 =	sor.u32 s5, s4;
	s17 =	sshrl.u32 s2, $0x1  }
0x6: {  	s6 =	sor.u32 $0x800, s5;
	s7 =	sor.u32 $0x1000, s5;
	s4 =	ssub.s32 s2, s17  }
0x7: {  	s21 =	sor.u32 $0x1800, s5;
	s22 =	sor.u32 $0x2000, s5;
	s24 =	sor.u32 $0x2800, s5  }
0x8: {  	s25 =	sor.u32 $0x3000, s5;
	s9 =	sor.u32 $0x3800, s5;
	s18 =	sadd.s32 s0, s6  }
0x9: {  	s10 =	sor.u32 $0x4000, s5;
	s19 =	sadd.s32 s0, s7;
	[dreg:$0x4] =	wrdreg s18  }
0xa: {  	s13 =	sor.u32 $0x4800, s5;
	s20 =	sadd.s32 s3, s6;
	[dreg:$0x5] =	wrdreg s19  }
0xb: {  	s14 =	sor.u32 $0x5000, s5;
	s8 =	sadd.s32 s0, s21;
	[dreg:$0x6] =	wrdreg s20  }
0xc: {  	s29 =	sadd.s32 s0, s5;
	s7 =	sadd.s32 s3, s7;
	[dreg:$0x7] =	wrdreg s8  }
0xd: {  	s30 =	sadd.s32 s3, s5;
	s23 =	sadd.s32 s0, s22;
	[dreg:$0x8] =	wrdreg s7  }
0xe: {  	s2 =	sadd.s32 s3, s21;
	s26 =	sadd.s32 s0, s24;
	[dreg:$0x9] =	wrdreg s23  }
0xf: {  	s6 =	sadd.s32 s3, s22;
	s11 =	sadd.s32 s0, s9;
	[dreg:$0xa] =	wrdreg s2  }
0x10: {  	s12 =	sadd.s32 s0, s10;
	s15 =	sadd.s32 s0, s13;
	[dreg:$0xb] =	wrdreg s26  }
0x11: {  	s16 =	sadd.s32 s0, s14;
	s17 =	sadd.s32 s3, s14;
	[dreg:$0xc] =	wrdreg s6  }
0x12: {  	v0 =	vimm.s32 $0x40E;
	vm0 =	vcmask $0x300;
	s21 =	sor.u32 $0x6800, s5;
	s22 =	sor.u32 $0x7000, s5;
	[dreg:$0xf] =	wrdreg s11  }
0x13: {  	vm14 =	vcmask $0x704;
	v0 =	vsel vm0, $0x401, v0;
	s4 =	smax.u32 s4, $0x1;
	s14 =	simm.s32 $0xD200;
	[dreg:$0x11] =	wrdreg s12  }
0x14: {  	vm15 =	vcmask $0xB08;
	v0 =	vsel vm14, $0x400, v0;
	s8 =	sadd.s32 s0, s25;
	s2 =	sadd.s32 s3, s24;
	[dreg:$0x13] =	wrdreg s15  }
0x15: {  	vm4 =	vcmask $0xF0C;
	v0 =	vsel vm15, $0x403, v0;
	s7 =	sadd.s32 s3, s25;
	s6 =	sadd.s32 s3, s10;
	[dreg:$0x15] =	wrdreg s16  }
0x16: {  	vm5 =	vcmask $0x1310;
	v0 =	vsel vm4, $0x402, v0;
	[dreg:$0x17] =	wrdreg s17;
	s18 =	sor.u32 $0x5800, s5;
	s20 =	sor.u32 $0x6000, s5  }
0x17: {  	vm6 =	vcmask $0x1714;
	v0 =	vsel vm5, $0x405, v0;
	s26 =	sadd.s32 s0, s21;
	s28 =	sadd.s32 s3, s21;
	s5 =	sor.u32 $0x7800, s5  }
0x18: {  	vm7 =	vcmask $0x1B18;
	v0 =	vsel vm6, $0x404, v0;
	s31 =	sadd.s32 s0, s22;
	s10 =	simm.s32 $0x900;
	[dreg:$0xd] =	wrdreg s8  }
0x19: {  	vm8 =	vcmask $0x1F1C;
	s11 =	simm.s32 $0xD80;
	s12 =	simm.s32 $0x9200;
	[dreg:$0xe] =	wrdreg s2;
	v0 =	vsel vm7, $0x407, v0  }
0x1a: {  	vm9 =	vcmask $0x2320;
	s15 =	simm.s32 $0x3;
	s16 =	simm.s32 $0x4;
	[dreg:$0x10] =	wrdreg s7;
	v0 =	vsel vm8, $0x406, v0  }
0x1b: {  	vm10 =	vcmask $0x2724;
	s17 =	simm.s32 $0x0;
	s2 =	sadd.s32 s3, s9;
	[dreg:$0x14] =	wrdreg s6;
	v0 =	vsel vm9, $0x409, v0  }
0x1c: {  	vm11 =	vcmask $0x2B28;
	s19 =	sadd.s32 s0, s18;
	s23 =	sadd.s32 s3, s18;
	s24 =	sadd.s32 s0, s20;
	v0 =	vsel vm10, $0x408, v0  }
0x1d: {  	vm12 =	vcmask $0x2F2C;
	s25 =	sadd.s32 s3, s20;
	s0 =	sadd.s32 s0, s5;
	s6 =	simm.s32 $0x5200;
	v0 =	vsel vm11, $0x40B, v0  }
0x1e: {  	vm13 =	vcmask $0x3330;
	s7 =	simm.s32 $0x5;
	s8 =	simm.s32 $0x1;
	[dreg:$0x12] =	wrdreg s2;
	v0 =	vsel vm12, $0x40A, v0  }
0x1f: {  	vm14 =	vcmask $0x3734;
	s9 =	simm.s32 $0x480;
	s2 =	sadd.s32 s3, s13;
	[dreg:$0x18] =	wrdreg s19;
	v1 =	vsel vm13, $0x40D, v0  }
0x20: {  	vm15 =	vcmask $0x3B38;
	s13 =	simm.s32 $0x2;
	[dreg:$0x16] =	wrdreg s2;
	s2 =	sadd.s32 s3, s22;
	v0 =	vlaneseq.u32;
	v2 =	vsel vm14, $0x40C, v1  }
0x21: {  	v3 =	vimm.f32 $0.0e+00;
	s3 =	sadd.s32 s3, s5;
	s5 =	simm.s32 $0x1200;
	_ =	strace $0x80000047;
	v1 =	vadd.s32 $0xFFFFFFFF, v0;
	v2 =	vsel vm15, $0x40F, v2  }
.LBB2_1:
0x22: {  	[tilespmem:s5], [sflag:$0x1] =	stream.linear.gather [hbm4b:s29+s1], $0x4000, $0x38;
	[tilespmem:$0x11200] =	vst v63  }
0x23: {  	v4 =	vadd.s32 s1, v1;
	s18 =	rddreg [dreg:$0x4]  }
0x24: {  	vm0 =	vgt.s32 v4, $0x0;
	[tilespmem:s6], [sflag:$0x2] =	stream.linear.gather [hbm4b:s18+s1], $0x4000, $0x38;
	[tilespmem:$0x11200] =	vst v63  }
0x25: {  	v5 =	vor.u32 s1, v0;
	s22 =	rddreg [dreg:$0x1];
	v4 =	vnsel vm0, $0x0, v4  }
0x26: {  	vm0 =	vlt.s32 v5, $0x400;
	v4 =	vmin.u32 v4, $0x400;
	[tilespmem:s1], [sflag:$0x5] =	stream.linear.gather [hbm4b:s22+s1], $0x480, $0x38;
	[tilespmem:$0x11200] =	vst v63  }
0x27: {  	v5 =	vnsel vm0, $0x400, v5;
	_ =	swait.ge [sflag:s7], $0x480  }
0x28: {  	[sflag:s7] =	ssyncset.done $0x0  }
0x29: {  	[sflag:s7] =	ssyncadd.s32 $0xFFFFFB80  }
0x2a: {  	v9 =	vld [tilespmem:$0x470]  }
0x2b: {  	v6 =	vld.idx.msk [tilespmem:v4+s1+$0x0], $0xffff  }
0x2c: {  	v5 =	vld.idx.msk [tilespmem:v5+s1+$0x0], $0xffff  }
0x2d: {  	v8 =	vld [tilespmem:$0x450]  }
0x2e: {  	v10 =	vld [tilespmem:$0x460]  }
0x2f: {  	v4 =	vcvt.s32.f32 v4;
	_ =	sdelay $0x1  }
0x30: {  	v4 =	vmul.f32 v4, v9;
	v5 =	vsub.f32 v5, v6;
	_ =	sdelay $0x1  }
0x31: {  	v4 =	vadd.f32 v4, v10;
	v11 =	vmul.f32 v5, v8  }
0x32: {  	s19 =	simm.s32 $0x10  }
0x33: {  	v7 =	vadd.s32 s19, v1;
	v5 =	vmul.f32 v11, v4  }
0x34: {  	v12 =	vmov s1;
	vm0 =	vgt.s32 v7, $0x0  }
0x35: {  	v13 =	vor.u32 s19, v0;
	v7 =	vnsel vm0, $0x0, v7;
	v14 =	vsub.f32 v6, v5  }
0x36: {  	vm1 =	veq.s32 v12, v2;
	vm0 =	veq.s32 v12, v0;
	v12 =	vmin.u32 v7, $0x400;
	v7 =	vld [tilespmem:$0x440]  }
0x37: {  	vm2 =	vlt.s32 v13, $0x400;
	v4 =	vld [tilespmem:$0x410];
	v14 =	vsel vm1, $0x3F800000, v14  }
0x38: {  	v13 =	vnsel vm2, $0x400, v13;
	v5 =	vld [tilespmem:$0x420];
	v14 =	vsel vm0, $0x0, v14  }
0x39: {  	v6 =	vld [tilespmem:$0x430];
	[tilespmem:s9+$0x0] =	vst v14;
	v14 =	vsel vm1, $0xBD4CCCCD, v3  }
0x3a: {  	[tilespmem:s10+$0x0] =	vst v11;
	v11 =	vsel vm0, $0x3D4CCCCD, v14  }
0x3b: {  	[tilespmem:s11+$0x0] =	vst v11  }
0x3c: {  	v14 =	vld.idx.msk [tilespmem:v12+s1+$0x0], $0xffff  }
0x3d: {  	v11 =	vld.idx.msk [tilespmem:v13+s1+$0x0], $0xffff;
	_ =	sdelay $0x2  }
0x3e: {  	v12 =	vcvt.s32.f32 v12;
	_ =	sdelay $0x1  }
0x3f: {  	v12 =	vmul.f32 v12, v9;
	v11 =	vsub.f32 v11, v14;
	_ =	sdelay $0x1  }
0x40: {  	v12 =	vadd.f32 v12, v10;
	v11 =	vmul.f32 v11, v8;
	_ =	sdelay $0x1  }
0x41: {  	s18 =	simm.s32 $0x20;
	v12 =	vmul.f32 v11, v12  }
0x42: {  	v16 =	vmov s19;
	v15 =	vadd.s32 s18, v1  }
0x43: {  	vm0 =	vgt.s32 v15, $0x0;
	v13 =	vor.u32 s18, v0;
	v14 =	vsub.f32 v14, v12  }
0x44: {  	s21 =	simm.s32 $0x30;
	vm1 =	veq.s32 v16, v2;
	vm2 =	vlt.s32 v13, $0x400;
	v12 =	vnsel vm0, $0x0, v15  }
0x45: {  	s20 =	simm.s32 $0x900;
	s19 =	simm.s32 $0xD80;
	s22 =	simm.s32 $0x480;
	vm0 =	veq.s32 v16, v0;
	v12 =	vmin.u32 v12, $0x400;
	v14 =	vsel vm1, $0x3F800000, v14  }
.LBB2_2:
0x46: {  	p0 =	sne.s32 s21, $0x400;
	v13 =	vnsel vm2, $0x400, v13;
	v14 =	vsel vm0, $0x0, v14;
	s22 =	sadd.s32 $0x10, s22  }
0x47: {  	s20 =	sadd.s32 $0x10, s20;
	[tilespmem:s22+$0x0] =	vst v14;
	v14 =	vsel vm1, $0xBD4CCCCD, v3  }
0x48: {  	s19 =	sadd.s32 $0x10, s19;
	[tilespmem:s20+$0x0] =	vst v11;
	v11 =	vsel vm0, $0x3D4CCCCD, v14  }
0x49: {  	[tilespmem:s19+$0x0] =	vst v11  }
0x4a: {  	v14 =	vld.idx.msk [tilespmem:v12+s1+$0x0], $0xffff  }
0x4b: {  	v11 =	vld.idx.msk [tilespmem:v13+s1+$0x0], $0xffff;
	_ =	sdelay $0x3  }
0x4c: {  	v12 =	vcvt.s32.f32 v12;
	_ =	sdelay $0x1  }
0x4d: {  	v12 =	vmul.f32 v12, v9;
	v11 =	vsub.f32 v11, v14;
	_ =	sdelay $0x1  }
0x4e: {  	v12 =	vadd.f32 v12, v10;
	v11 =	vmul.f32 v11, v8;
	_ =	sdelay $0x1  }
.Ltmp0:
0x4f: {  	v12 =	vmul.f32 v11, v12;
	(pc) =	sbr.rel @p0 .LBB2_2-.Ltmp0, $4  }
0x50: {  	v15 =	vadd.s32 s21, v1;
	v16 =	vmov s18;
	s18 =	smov.u32 s21  }
0x51: {  	vm0 =	vgt.s32 v15, $0x0;
	v13 =	vor.u32 s21, v0;
	v14 =	vsub.f32 v14, v12  }
0x52: {  	vm1 =	veq.s32 v16, v2;
	v12 =	vnsel vm0, $0x0, v15;
	vm0 =	veq.s32 v16, v0  }
0x53: {  	s21 =	sadd.s32 $0x10, s21;
	vm2 =	vlt.s32 v13, $0x400;
	v12 =	vmin.u32 v12, $0x400;
	v14 =	vsel vm1, $0x3F800000, v14  }
0x54: {  	v13 =	vnsel vm2, $0x400, v13;
	v14 =	vsel vm0, $0x0, v14;
	s21 =	sadd.s32 $0x10, s22  }
0x55: {  	s20 =	sadd.s32 $0x10, s20;
	[tilespmem:s21+$0x0] =	vst v14;
	v14 =	vsel vm1, $0xBD4CCCCD, v3  }
0x56: {  	s19 =	sadd.s32 $0x10, s19;
	[tilespmem:s20+$0x0] =	vst v11;
	v11 =	vsel vm0, $0x3D4CCCCD, v14  }
0x57: {  	[tilespmem:s19+$0x0] =	vst v11  }
0x58: {  	v11 =	vld.idx.msk [tilespmem:v12+s1+$0x0], $0xffff  }
0x59: {  	v13 =	vld.idx.msk [tilespmem:v13+s1+$0x0], $0xffff;
	_ =	sdelay $0x2  }
0x5a: {  	v12 =	vcvt.s32.f32 v12;
	_ =	sdelay $0x1  }
0x5b: {  	v9 =	vmul.f32 v12, v9;
	v12 =	vsub.f32 v13, v11;
	_ =	sdelay $0x1  }
0x5c: {  	v9 =	vadd.f32 v9, v10;
	v8 =	vmul.f32 v12, v8;
	_ =	sdelay $0x1  }
0x5d: {  	v9 =	vmul.f32 v8, v9;
	_ =	sdelay $0x1  }
0x5e: {  	v10 =	vmov s18;
	v9 =	vsub.f32 v11, v9  }
0x5f: {  	vm14 =	veq.s32 v10, v2  }
0x60: {  	vm15 =	veq.s32 v10, v0;
	v9 =	vsel vm14, $0x3F800000, v9  }
0x61: {  	s21 =	sadd.s32 $0x10, s21;
	v9 =	vsel vm15, $0x0, v9  }
0x62: {  	s22 =	sadd.s32 $0x10, s20;
	[tilespmem:s21+$0x0] =	vst v9;
	v9 =	vsel vm14, $0xBD4CCCCD, v3  }
0x63: {  	s19 =	sadd.s32 $0x10, s19;
	[tilespmem:s22+$0x0] =	vst v8;
	v8 =	vsel vm15, $0x3D4CCCCD, v9  }
0x64: {  	[tilespmem:s19+$0x0] =	vst v8  }
0x65: {  	_ =	swait.ge [sflag:s8], $0x4000  }
0x66: {  	[sflag:s8] =	ssyncset.done $0x0  }
0x67: {  	s20 =	simm.s32 $0x1210;
	[sflag:s8] =	ssyncadd.s32 $0xFFFFC000  }
0x68: {  	v14 =	vld [tilespmem:s20+$0xFFFFFFF0];
	_ =	sdelay $0x2  }
0x69: {  	v15 =	vld [tilespmem:s20+$0x0];
	_ =	sdelay $0x1  }
0x6a: {  	v8 =	vsub.f32 v14, v6;
	_ =	sdelay $0x1  }
0x6b: {  	v9 =	vmul.f32 v14, v4;
	v8 =	vand.u32 $0x7FFFFFFF, v8  }
0x6c: {  	v10 =	vsub.f32 v15, v6;
	v11 =	vmul.f32 v15, v4;
	v8 =	vmul.f32 $1.000000010e-01, v8  }
0x6d: {  	v9 =	vadd.f32 v9, v5  }
0x6e: {  	s21 =	simm.s32 $0x1230;
	v10 =	vand.u32 $0x7FFFFFFF, v10;
	v11 =	vadd.f32 v11, v5;
	v12 =	vadd.f32 v8, v7  }
0x6f: {  	v10 =	vmul.f32 $1.000000010e-01, v10;
	v13 =	vmax.f32 v9, $0.0e+00;
	v8 =	vld [tilespmem:s21+$0xFFFFFFF0]  }
0x70: {  	v11 =	vmax.f32 v11, $0.0e+00;
	v9 =	vld [tilespmem:s21+$0x0];
	v13 =	vmin.f32 v13, $1.025000000e+03;
	v12 =	vmul.f32 v12, v12  }
0x71: {  	v11 =	vmin.f32 v11, $1.025000000e+03;
	v10 =	vadd.f32 v10, v7;
	v13 =	vtrunc.f32 v13  }
0x72: {  	v11 =	vtrunc.f32 v11;
	v16 =	vmul.f32 v12, v12  }
0x73: {  	v10 =	vmul.f32 v10, v10;
	v18 =	vcvt.f32.s32 v11  }
0x74: {  	v19 =	vcvt.f32.s32 v13;
	v17 =	vsub.f32 v8, v6;
	v16 =	vmul.f32 v16, v16  }
0x75: {  	v13 =	vmul.f32 v9, v4;
	v20 =	vmul.f32 v8, v4  }
0x76: {  	v11 =	vmul.f32 v16, v12;
	v12 =	vand.u32 $0x7FFFFFFF, v17;
	v16 =	vsub.f32 v9, v6  }
0x77: {  	v17 =	vmul.f32 v10, v10;
	v12 =	vmul.f32 $1.000000010e-01, v12  }
0x78: {  	(erf) = vrcp.f32 v11;
	v11 =	vadd.f32 v13, v5;
	v13 =	vand.u32 $0x7FFFFFFF, v16  }
0x79: {  	v16 =	vmul.f32 v17, v17;
	v17 =	vadd.f32 v20, v5;
	v12 =	vadd.f32 v12, v7  }
0x7a: {  	v13 =	vmul.f32 $1.000000010e-01, v13  }
0x7b: {  	s22 =	simm.s32 $0x1250;
	v20 =	vld.idx.msk [tilespmem:v18+s10+$0x0], $0xffff;
	v21 =	vmax.f32 v11, $0.0e+00;
	v17 =	vmax.f32 v17, $0.0e+00;
	v12 =	vmul.f32 v12, v12  }
0x7c: {  	v16 =	vmul.f32 v16, v10;
	v11 =	vld [tilespmem:s22+$0xFFFFFFF0];
	v21 =	vmin.f32 v21, $1.025000000e+03;
	v17 =	vmin.f32 v17, $1.025000000e+03  }
0x7d: {  	v10 =	vld [tilespmem:s22+$0x0];
	v13 =	vadd.f32 v13, v7;
	v17 =	vtrunc.f32 v17;
	v22 =	vmul.f32 v12, v12  }
0x7e: {  	v21 =	vtrunc.f32 v21;
	(erf) = vrcp.f32 v16  }
0x7f: {  	v23 =	vld.idx.msk [tilespmem:v18+s9+$0x0], $0xffff;
	v25 =	vmul.f32 v13, v13;
	v22 =	vmul.f32 v22, v22  }
0x80: {  	v24 =	vld.idx.msk [tilespmem:v19+s10+$0x0], $0xffff;
	v13 =	vcvt.f32.s32 v17;
	v15 =	vmul.f32 v20, v15  }
0x81: {  	v16 =	vld.idx.msk [tilespmem:v19+s11+$0x0], $0xffff;
	v17 =	vsub.f32 v11, v6;
	v26 =	vmul.f32 v25, v25;
	v22 =	vmul.f32 v22, v12  }
0x82: {  	v19 =	vld.idx.msk [tilespmem:v19+s9+$0x0], $0xffff;
	v20 =	vmul.f32 v10, v4;
	v12 =	vcvt.f32.s32 v21  }
0x83: {  	v21 =	vsub.f32 v10, v6;
	v17 =	vand.u32 $0x7FFFFFFF, v17;
	(erf) = vrcp.f32 v22  }
0x84: {  	v15 =	vadd.f32 v15, v23;
	v23 =	vmul.f32 v11, v4;
	v22 =	vmul.f32 $1.000000010e-01, v17  }
0x85: {  	v27 =	vadd.f32 v20, v5;
	v20 =	vmul.f32 v24, v14;
	v21 =	vand.u32 $0x7FFFFFFF, v21;
	v17 =	vld.idx.msk [tilespmem:v18+s11+$0x0], $0xffff  }
0x86: {  	v24 =	vpop (erf);
	v28 =	vadd.f32 v22, v7;
	v22 =	vmul.f32 $1.000000010e-01, v21;
	v21 =	vmul.f32 v26, v26  }
0x87: {  	s18 =	simm.s32 $0x9210;
	v23 =	vadd.f32 v23, v5;
	v14 =	vld.idx.msk [tilespmem:v13+s10+$0x0], $0xffff;
	v18 =	vadd.f32 v20, v19;
	v19 =	vmul.f32 v24, v16  }
0x88: {  	s19 =	simm.s32 $0x9210;
	s20 =	simm.s32 $0x40;
	s21 =	simm.s32 $0x1270;
	v24 =	vmax.f32 v27, $0.0e+00;
	v16 =	vld.idx.msk [tilespmem:v12+s10+$0x0], $0xffff;
	v20 =	vmul.f32 v28, v28;
	v21 =	vmul.f32 v21, v25  }
.LBB2_4:
0x89: {  	v25 =	vld [tilespmem:s21+$0xFFFFFFF0];
	s20 =	sadd.s32 $0x20, s20;
	v23 =	vmax.f32 v23, $0.0e+00;
	v24 =	vmin.f32 v24, $1.025000000e+03;
	v22 =	vadd.f32 v22, v7;
	s18 =	sadd.s32 $0x20, s18;
	v26 =	vpop (erf)  }
0x8a: {  	v27 =	vld [tilespmem:s21+$0x0];
	p0 =	slt.u32 s20, $0x3FE0;
	v23 =	vmin.f32 v23, $1.025000000e+03;
	v28 =	vmul.f32 v20, v20;
	v17 =	vmul.f32 v26, v17  }
0x8b: {  	v18 =	vadd.f32 v19, v18;
	v24 =	vtrunc.f32 v24;
	v23 =	vtrunc.f32 v23;
	v26 =	vld.idx.msk [tilespmem:v12+s9+$0x0], $0xffff  }
0x8c: {  	v19 =	vmul.f32 v28, v28;
	v28 =	vmul.f32 v22, v22;
	v29 =	vpop (erf);
	v15 =	vadd.f32 v17, v15  }
0x8d: {  	v23 =	vcvt.f32.s32 v23;
	v30 =	vld.idx.msk [tilespmem:v13+s11+$0x0], $0xffff;
	(erf) = vrcp.f32 v21;
	[tilespmem:s19+$0xFFFFFFF0] =	vst v18  }
0x8e: {  	v17 =	vsub.f32 v25, v6;
	v18 =	vmul.f32 v19, v20;
	v19 =	vcvt.f32.s32 v24;
	v20 =	vld.idx.msk [tilespmem:v13+s9+$0x0], $0xffff;
	[tilespmem:s19+$0x0] =	vst v15;
	s19 =	smov.u32 s18  }
0x8f: {  	v16 =	vmul.f32 v16, v9;
	v9 =	vmovc v10;
	v21 =	vmul.f32 v28, v28;
	v15 =	vsub.f32 v27, v6  }
0x90: {  	v13 =	vmovc v23;
	v24 =	vmul.f32 v27, v4;
	v10 =	vmovc v27;
	v22 =	vand.u32 $0x7FFFFFFF, v17;
	(erf) = vrcp.f32 v18;
	v17 =	vld.idx.msk [tilespmem:v12+s11+$0x0], $0xffff  }
.Ltmp1:
0x91: {  	v12 =	vmovc v19;
	v18 =	vmul.f32 $1.000000010e-01, v22;
	v22 =	vand.u32 $0x7FFFFFFF, v15;
	v15 =	vadd.f32 v16, v26;
	(pc) =	sbr.rel @p0 .LBB2_4-.Ltmp1, $4  }
0x92: {  	v16 =	vmul.f32 v25, v4;
	v24 =	vadd.f32 v24, v5;
	v26 =	vmul.f32 v14, v8;
	v8 =	vmovc v11  }
0x93: {  	v21 =	vmul.f32 v21, v21;
	v11 =	vmovc v25;
	v22 =	vmul.f32 $1.000000010e-01, v22;
	v27 =	vadd.f32 v18, v7;
	v14 =	vld.idx.msk [tilespmem:v23+s10+$0x0], $0xffff  }
0x94: {  	v23 =	vadd.f32 v16, v5;
	v18 =	vadd.f32 v26, v20;
	v16 =	vld.idx.msk [tilespmem:v19+s10+$0x0], $0xffff;
	v19 =	vmul.f32 v29, v30  }
0x95: {  	s21 =	sadd.s32 $0x20, s21;
	v21 =	vmul.f32 v21, v28;
	v24 =	vmax.f32 v24, $0.0e+00;
	v20 =	vmul.f32 v27, v27  }
0x96: {  	v22 =	vadd.f32 v22, v7  }
0x97: {  	v23 =	vmax.f32 v23, $0.0e+00;
	v24 =	vmin.f32 v24, $1.025000000e+03  }
0x98: {  	v23 =	vmin.f32 v23, $1.025000000e+03;
	v25 =	vmul.f32 v20, v20;
	v22 =	vmul.f32 v22, v22  }
0x99: {  	v24 =	vtrunc.f32 v24;
	v23 =	vtrunc.f32 v23  }
0x9a: {  	v24 =	vcvt.f32.s32 v24;
	v26 =	vmul.f32 v22, v22  }
0x9b: {  	v23 =	vcvt.f32.s32 v23;
	v25 =	vmul.f32 v25, v25  }
0x9c: {  	v27 =	vld.idx.msk [tilespmem:v12+s9+$0x0], $0xffff;
	v26 =	vmul.f32 v26, v26  }
0x9d: {  	v28 =	vld.idx.msk [tilespmem:v13+s11+$0x0], $0xffff;
	v20 =	vmul.f32 v25, v20  }
0x9e: {  	v13 =	vld.idx.msk [tilespmem:v13+s9+$0x0], $0xffff;
	(erf) = vrcp.f32 v21;
	v21 =	vmul.f32 v26, v22  }
0x9f: {  	v12 =	vld.idx.msk [tilespmem:v12+s11+$0x0], $0xffff;
	(erf) = vrcp.f32 v20  }
0xa0: {  	v22 =	vld.idx.msk [tilespmem:v24+s9+$0x0], $0xffff;
	(erf) = vrcp.f32 v21  }
0xa1: {  	v20 =	vld.idx.msk [tilespmem:v23+s10+$0x0], $0xffff  }
0xa2: {  	v26 =	vld.idx.msk [tilespmem:v23+s11+$0x0], $0xffff  }
0xa3: {  	v21 =	vld.idx.msk [tilespmem:v24+s10+$0x0], $0xffff  }
0xa4: {  	v8 =	vmul.f32 v14, v8;
	v23 =	vld.idx.msk [tilespmem:v23+s9+$0x0], $0xffff  }
0xa5: {  	v9 =	vmul.f32 v16, v9;
	v25 =	vpop (erf);
	v14 =	vld.idx.msk [tilespmem:v24+s11+$0x0], $0xffff  }
0xa6: {  	v18 =	vadd.f32 v19, v18;
	v8 =	vadd.f32 v8, v13;
	v17 =	vmul.f32 v25, v17;
	v24 =	vpop (erf)  }
0xa7: {  	v9 =	vadd.f32 v9, v27;
	v13 =	vmul.f32 v24, v28;
	v16 =	vpop (erf);
	v11 =	vmul.f32 v20, v11  }
0xa8: {  	v15 =	vadd.f32 v17, v15;
	v12 =	vmul.f32 v16, v12;
	v10 =	vmul.f32 v21, v10;
	v16 =	vpop (erf)  }
0xa9: {  	[tilespmem:s19+$0xFFFFFFF0] =	vst v18;
	v8 =	vadd.f32 v13, v8;
	v11 =	vadd.f32 v11, v23;
	v13 =	vmul.f32 v16, v26;
	v16 =	vpop (erf)  }
0xaa: {  	s18 =	sadd.s32 $0x20, s18;
	[tilespmem:s19+$0x0] =	vst v15;
	v9 =	vadd.f32 v12, v9;
	v10 =	vadd.f32 v10, v22;
	v12 =	vmul.f32 v16, v14  }
0xab: {  	[tilespmem:s18+$0xFFFFFFF0] =	vst v8;
	v8 =	vadd.f32 v13, v11  }
0xac: {  	s22 =	sadd.s32 $0x20, s18;
	[tilespmem:s18+$0x0] =	vst v9;
	v9 =	vadd.f32 v12, v10  }
0xad: {  	[tilespmem:s22+$0xFFFFFFF0] =	vst v8  }
0xae: {  	[tilespmem:s22+$0x0] =	vst v9  }
0xaf: {  	[hbm4b:s30+s1] =	stream.linear.scatter [tilespmem:s12], [sflag:$0x3], $0x4000, $0x38;
	[tilespmem:$0x11200] =	vst v63  }
0xb0: {  	s18 =	rddreg [dreg:$0x5]  }
0xb1: {  	[tilespmem:s5], [sflag:$0x1] =	stream.linear.gather [hbm4b:s18+s1], $0x4000, $0x38;
	[tilespmem:$0x11200] =	vst v63  }
0xb2: {  	_ =	swait.ge [sflag:s13], $0x4000  }
0xb3: {  	[sflag:s13] =	ssyncset.done $0x0  }
0xb4: {  	s20 =	simm.s32 $0x5210;
	[sflag:s13] =	ssyncadd.s32 $0xFFFFC000  }
0xb5: {  	v14 =	vld [tilespmem:s20+$0xFFFFFFF0];
	_ =	sdelay $0x2  }
0xb6: {  	v15 =	vld [tilespmem:s20+$0x0];
	_ =	sdelay $0x1  }
0xb7: {  	v8 =	vsub.f32 v14, v6;
	_ =	sdelay $0x1  }
0xb8: {  	v9 =	vmul.f32 v14, v4;
	v8 =	vand.u32 $0x7FFFFFFF, v8  }
0xb9: {  	v10 =	vsub.f32 v15, v6;
	v11 =	vmul.f32 v15, v4;
	v8 =	vmul.f32 $1.000000010e-01, v8  }
0xba: {  	v9 =	vadd.f32 v9, v5  }
0xbb: {  	s21 =	simm.s32 $0x5230;
	v10 =	vand.u32 $0x7FFFFFFF, v10;
	v11 =	vadd.f32 v11, v5;
	v12 =	vadd.f32 v8, v7  }
0xbc: {  	v10 =	vmul.f32 $1.000000010e-01, v10;
	v13 =	vmax.f32 v9, $0.0e+00;
	v8 =	vld [tilespmem:s21+$0xFFFFFFF0]  }
0xbd: {  	v11 =	vmax.f32 v11, $0.0e+00;
	v9 =	vld [tilespmem:s21+$0x0];
	v13 =	vmin.f32 v13, $1.025000000e+03;
	v12 =	vmul.f32 v12, v12  }
0xbe: {  	v11 =	vmin.f32 v11, $1.025000000e+03;
	v10 =	vadd.f32 v10, v7;
	v13 =	vtrunc.f32 v13  }
0xbf: {  	v11 =	vtrunc.f32 v11;
	v16 =	vmul.f32 v12, v12  }
0xc0: {  	v10 =	vmul.f32 v10, v10;
	v18 =	vcvt.f32.s32 v11  }
0xc1: {  	v19 =	vcvt.f32.s32 v13;
	v17 =	vsub.f32 v8, v6;
	v16 =	vmul.f32 v16, v16  }
0xc2: {  	v13 =	vmul.f32 v9, v4;
	v20 =	vmul.f32 v8, v4  }
0xc3: {  	v11 =	vmul.f32 v16, v12;
	v12 =	vand.u32 $0x7FFFFFFF, v17;
	v16 =	vsub.f32 v9, v6  }
0xc4: {  	v17 =	vmul.f32 v10, v10;
	v12 =	vmul.f32 $1.000000010e-01, v12  }
0xc5: {  	(erf) = vrcp.f32 v11;
	v11 =	vadd.f32 v13, v5;
	v13 =	vand.u32 $0x7FFFFFFF, v16  }
0xc6: {  	v16 =	vmul.f32 v17, v17;
	v17 =	vadd.f32 v20, v5;
	v12 =	vadd.f32 v12, v7  }
0xc7: {  	v13 =	vmul.f32 $1.000000010e-01, v13  }
0xc8: {  	s22 =	simm.s32 $0x5250;
	v20 =	vld.idx.msk [tilespmem:v18+s10+$0x0], $0xffff;
	v21 =	vmax.f32 v11, $0.0e+00;
	v17 =	vmax.f32 v17, $0.0e+00;
	v12 =	vmul.f32 v12, v12  }
0xc9: {  	v16 =	vmul.f32 v16, v10;
	v11 =	vld [tilespmem:s22+$0xFFFFFFF0];
	v21 =	vmin.f32 v21, $1.025000000e+03;
	v17 =	vmin.f32 v17, $1.025000000e+03  }
0xca: {  	v10 =	vld [tilespmem:s22+$0x0];
	v13 =	vadd.f32 v13, v7;
	v17 =	vtrunc.f32 v17;
	v22 =	vmul.f32 v12, v12  }
0xcb: {  	v21 =	vtrunc.f32 v21;
	(erf) = vrcp.f32 v16  }
0xcc: {  	v23 =	vld.idx.msk [tilespmem:v18+s9+$0x0], $0xffff;
	v25 =	vmul.f32 v13, v13;
	v22 =	vmul.f32 v22, v22  }
0xcd: {  	v24 =	vld.idx.msk [tilespmem:v19+s10+$0x0], $0xffff;
	v13 =	vcvt.f32.s32 v17;
	v15 =	vmul.f32 v20, v15  }
0xce: {  	v16 =	vld.idx.msk [tilespmem:v19+s11+$0x0], $0xffff;
	v17 =	vsub.f32 v11, v6;
	v26 =	vmul.f32 v25, v25;
	v22 =	vmul.f32 v22, v12  }
0xcf: {  	v19 =	vld.idx.msk [tilespmem:v19+s9+$0x0], $0xffff;
	v20 =	vmul.f32 v10, v4;
	v12 =	vcvt.f32.s32 v21  }
0xd0: {  	v21 =	vsub.f32 v10, v6;
	v17 =	vand.u32 $0x7FFFFFFF, v17;
	(erf) = vrcp.f32 v22  }
0xd1: {  	v15 =	vadd.f32 v15, v23;
	v23 =	vmul.f32 v11, v4;
	v22 =	vmul.f32 $1.000000010e-01, v17  }
0xd2: {  	v27 =	vadd.f32 v20, v5;
	v20 =	vmul.f32 v24, v14;
	v21 =	vand.u32 $0x7FFFFFFF, v21;
	v17 =	vld.idx.msk [tilespmem:v18+s11+$0x0], $0xffff  }
0xd3: {  	v24 =	vpop (erf);
	v63 =	vadd.f32 v22, v7;
	v22 =	vmul.f32 $1.000000010e-01, v21;
	v21 =	vmul.f32 v26, v26  }
0xd4: {  	s19 =	simm.s32 $0xD210;
	v23 =	vadd.f32 v23, v5;
	v14 =	vld.idx.msk [tilespmem:v13+s10+$0x0], $0xffff;
	v18 =	vadd.f32 v20, v19;
	v19 =	vmul.f32 v24, v16  }
0xd5: {  	s18 =	simm.s32 $0xD210;
	s20 =	simm.s32 $0x40;
	s21 =	simm.s32 $0x5270;
	v24 =	vmax.f32 v27, $0.0e+00;
	v16 =	vld.idx.msk [tilespmem:v12+s10+$0x0], $0xffff;
	v20 =	vmul.f32 v63, v63;
	v21 =	vmul.f32 v21, v25  }
.LBB2_6:
0xd6: {  	v25 =	vld [tilespmem:s21+$0xFFFFFFF0];
	s20 =	sadd.s32 $0x20, s20;
	v23 =	vmax.f32 v23, $0.0e+00;
	v24 =	vmin.f32 v24, $1.025000000e+03;
	v22 =	vadd.f32 v22, v7;
	s18 =	sadd.s32 $0x20, s18;
	v26 =	vpop (erf)  }
0xd7: {  	v27 =	vld [tilespmem:s21+$0x0];
	p0 =	slt.u32 s20, $0x3FE0;
	v23 =	vmin.f32 v23, $1.025000000e+03;
	v28 =	vmul.f32 v20, v20;
	v17 =	vmul.f32 v26, v17  }
0xd8: {  	v18 =	vadd.f32 v19, v18;
	v24 =	vtrunc.f32 v24;
	v23 =	vtrunc.f32 v23;
	v26 =	vld.idx.msk [tilespmem:v12+s9+$0x0], $0xffff  }
0xd9: {  	v19 =	vmul.f32 v28, v28;
	v28 =	vmul.f32 v22, v22;
	v29 =	vpop (erf);
	v15 =	vadd.f32 v17, v15  }
0xda: {  	v23 =	vcvt.f32.s32 v23;
	v30 =	vld.idx.msk [tilespmem:v13+s11+$0x0], $0xffff;
	(erf) = vrcp.f32 v21;
	[tilespmem:s19+$0xFFFFFFF0] =	vst v18  }
0xdb: {  	v17 =	vsub.f32 v25, v6;
	v18 =	vmul.f32 v19, v20;
	v19 =	vcvt.f32.s32 v24;
	v20 =	vld.idx.msk [tilespmem:v13+s9+$0x0], $0xffff;
	[tilespmem:s19+$0x0] =	vst v15;
	s19 =	smov.u32 s18  }
0xdc: {  	v16 =	vmul.f32 v16, v9;
	v9 =	vmovc v10;
	v21 =	vmul.f32 v28, v28;
	v15 =	vsub.f32 v27, v6  }
0xdd: {  	v13 =	vmovc v23;
	v24 =	vmul.f32 v27, v4;
	v10 =	vmovc v27;
	v22 =	vand.u32 $0x7FFFFFFF, v17;
	(erf) = vrcp.f32 v18;
	v17 =	vld.idx.msk [tilespmem:v12+s11+$0x0], $0xffff  }
.Ltmp2:
0xde: {  	v12 =	vmovc v19;
	v18 =	vmul.f32 $1.000000010e-01, v22;
	v22 =	vand.u32 $0x7FFFFFFF, v15;
	v15 =	vadd.f32 v16, v26;
	(pc) =	sbr.rel @p0 .LBB2_6-.Ltmp2, $4  }
0xdf: {  	v16 =	vmul.f32 v25, v4;
	v24 =	vadd.f32 v24, v5;
	v26 =	vmul.f32 v14, v8;
	v8 =	vmovc v11  }
0xe0: {  	v21 =	vmul.f32 v21, v21;
	v11 =	vmovc v25;
	v22 =	vmul.f32 $1.000000010e-01, v22;
	v27 =	vadd.f32 v18, v7;
	v14 =	vld.idx.msk [tilespmem:v23+s10+$0x0], $0xffff  }
0xe1: {  	v23 =	vadd.f32 v16, v5;
	v18 =	vadd.f32 v26, v20;
	v16 =	vld.idx.msk [tilespmem:v19+s10+$0x0], $0xffff;
	v19 =	vmul.f32 v29, v30  }
0xe2: {  	s21 =	sadd.s32 $0x20, s21;
	v21 =	vmul.f32 v21, v28;
	v24 =	vmax.f32 v24, $0.0e+00;
	v20 =	vmul.f32 v27, v27  }
0xe3: {  	v22 =	vadd.f32 v22, v7  }
0xe4: {  	v23 =	vmax.f32 v23, $0.0e+00;
	v24 =	vmin.f32 v24, $1.025000000e+03  }
0xe5: {  	v23 =	vmin.f32 v23, $1.025000000e+03;
	v25 =	vmul.f32 v20, v20;
	v22 =	vmul.f32 v22, v22  }
0xe6: {  	v24 =	vtrunc.f32 v24;
	v23 =	vtrunc.f32 v23  }
0xe7: {  	v24 =	vcvt.f32.s32 v24;
	v26 =	vmul.f32 v22, v22  }
0xe8: {  	v23 =	vcvt.f32.s32 v23;
	v25 =	vmul.f32 v25, v25  }
0xe9: {  	v27 =	vld.idx.msk [tilespmem:v12+s9+$0x0], $0xffff;
	v26 =	vmul.f32 v26, v26  }
0xea: {  	v28 =	vld.idx.msk [tilespmem:v13+s11+$0x0], $0xffff;
	v20 =	vmul.f32 v25, v20  }
0xeb: {  	v13 =	vld.idx.msk [tilespmem:v13+s9+$0x0], $0xffff;
	(erf) = vrcp.f32 v21;
	v21 =	vmul.f32 v26, v22  }
0xec: {  	v12 =	vld.idx.msk [tilespmem:v12+s11+$0x0], $0xffff;
	(erf) = vrcp.f32 v20  }
0xed: {  	v22 =	vld.idx.msk [tilespmem:v24+s9+$0x0], $0xffff;
	(erf) = vrcp.f32 v21  }
0xee: {  	v20 =	vld.idx.msk [tilespmem:v23+s10+$0x0], $0xffff  }
0xef: {  	v26 =	vld.idx.msk [tilespmem:v23+s11+$0x0], $0xffff  }
0xf0: {  	v21 =	vld.idx.msk [tilespmem:v24+s10+$0x0], $0xffff  }
0xf1: {  	v8 =	vmul.f32 v14, v8;
	v23 =	vld.idx.msk [tilespmem:v23+s9+$0x0], $0xffff  }
0xf2: {  	v9 =	vmul.f32 v16, v9;
	v25 =	vpop (erf);
	v14 =	vld.idx.msk [tilespmem:v24+s11+$0x0], $0xffff  }
0xf3: {  	v18 =	vadd.f32 v19, v18;
	v8 =	vadd.f32 v8, v13;
	v17 =	vmul.f32 v25, v17;
	v24 =	vpop (erf)  }
0xf4: {  	v9 =	vadd.f32 v9, v27;
	v13 =	vmul.f32 v24, v28;
	v16 =	vpop (erf);
	v11 =	vmul.f32 v20, v11  }
0xf5: {  	v15 =	vadd.f32 v17, v15;
	v12 =	vmul.f32 v16, v12;
	v10 =	vmul.f32 v21, v10;
	v16 =	vpop (erf)  }
0xf6: {  	[tilespmem:s19+$0xFFFFFFF0] =	vst v18;
	v8 =	vadd.f32 v13, v8;
	v11 =	vadd.f32 v11, v23;
	v13 =	vmul.f32 v16, v26;
	v16 =	vpop (erf)  }
0xf7: {  	s18 =	sadd.s32 $0x20, s18;
	[tilespmem:s19+$0x0] =	vst v15;
	v9 =	vadd.f32 v12, v9;
	v10 =	vadd.f32 v10, v22;
	v12 =	vmul.f32 v16, v14  }
0xf8: {  	[tilespmem:s18+$0xFFFFFFF0] =	vst v8;
	v8 =	vadd.f32 v13, v11  }
0xf9: {  	s22 =	sadd.s32 $0x20, s18;
	[tilespmem:s18+$0x0] =	vst v9;
	v9 =	vadd.f32 v12, v10  }
0xfa: {  	[tilespmem:s22+$0xFFFFFFF0] =	vst v8  }
0xfb: {  	[tilespmem:s22+$0x0] =	vst v9  }
0xfc: {  	s18 =	rddreg [dreg:$0x6]  }
0xfd: {  	[hbm4b:s18+s1] =	stream.linear.scatter [tilespmem:s14], [sflag:$0x4], $0x4000, $0x38;
	[tilespmem:$0x11200] =	vst v63  }
0xfe: {  	s19 =	rddreg [dreg:$0x7]  }
0xff: {  	[tilespmem:s6], [sflag:$0x2] =	stream.linear.gather [hbm4b:s19+s1], $0x4000, $0x38;
	[tilespmem:$0x11200] =	vst v63  }
0x100: {  	_ =	swait.ge [sflag:s8], $0x4000  }
0x101: {  	[sflag:s8] =	ssyncset.done $0x0  }
0x102: {  	[sflag:s8] =	ssyncadd.s32 $0xFFFFC000  }
0x103: {  	_ =	swait.ge [sflag:s15], $0x4000  }
0x104: {  	[sflag:s15] =	ssyncset.done $0x0  }
0x105: {  	s20 =	simm.s32 $0x1210;
	[sflag:s15] =	ssyncadd.s32 $0xFFFFC000  }
0x106: {  	v14 =	vld [tilespmem:s20+$0xFFFFFFF0];
	_ =	sdelay $0x2  }
0x107: {  	v15 =	vld [tilespmem:s20+$0x0];
	_ =	sdelay $0x1  }
0x108: {  	v8 =	vsub.f32 v14, v6;
	_ =	sdelay $0x1  }
0x109: {  	v9 =	vmul.f32 v14, v4;
	v8 =	vand.u32 $0x7FFFFFFF, v8  }
0x10a: {  	v10 =	vsub.f32 v15, v6;
	v11 =	vmul.f32 v15, v4;
	v8 =	vmul.f32 $1.000000010e-01, v8  }
0x10b: {  	v9 =	vadd.f32 v9, v5  }
0x10c: {  	s21 =	simm.s32 $0x1230;
	v10 =	vand.u32 $0x7FFFFFFF, v10;
	v11 =	vadd.f32 v11, v5;
	v12 =	vadd.f32 v8, v7  }
0x10d: {  	v10 =	vmul.f32 $1.000000010e-01, v10;
	v13 =	vmax.f32 v9, $0.0e+00;
	v8 =	vld [tilespmem:s21+$0xFFFFFFF0]  }
0x10e: {  	v11 =	vmax.f32 v11, $0.0e+00;
	v9 =	vld [tilespmem:s21+$0x0];
	v13 =	vmin.f32 v13, $1.025000000e+03;
	v12 =	vmul.f32 v12, v12  }
0x10f: {  	v11 =	vmin.f32 v11, $1.025000000e+03;
	v10 =	vadd.f32 v10, v7;
	v13 =	vtrunc.f32 v13  }
0x110: {  	v11 =	vtrunc.f32 v11;
	v16 =	vmul.f32 v12, v12  }
0x111: {  	v10 =	vmul.f32 v10, v10;
	v18 =	vcvt.f32.s32 v11  }
0x112: {  	v19 =	vcvt.f32.s32 v13;
	v17 =	vsub.f32 v8, v6;
	v16 =	vmul.f32 v16, v16  }
0x113: {  	v13 =	vmul.f32 v9, v4;
	v20 =	vmul.f32 v8, v4  }
0x114: {  	v11 =	vmul.f32 v16, v12;
	v12 =	vand.u32 $0x7FFFFFFF, v17;
	v16 =	vsub.f32 v9, v6  }
0x115: {  	v17 =	vmul.f32 v10, v10;
	v12 =	vmul.f32 $1.000000010e-01, v12  }
0x116: {  	(erf) = vrcp.f32 v11;
	v11 =	vadd.f32 v13, v5;
	v13 =	vand.u32 $0x7FFFFFFF, v16  }
0x117: {  	v16 =	vmul.f32 v17, v17;
	v17 =	vadd.f32 v20, v5;
	v12 =	vadd.f32 v12, v7  }
0x118: {  	v13 =	vmul.f32 $1.000000010e-01, v13  }
0x119: {  	s22 =	simm.s32 $0x1250;
	v20 =	vld.idx.msk [tilespmem:v18+s10+$0x0], $0xffff;
	v21 =	vmax.f32 v11, $0.0e+00;
	v17 =	vmax.f32 v17, $0.0e+00;
	v12 =	vmul.f32 v12, v12  }
0x11a: {  	v16 =	vmul.f32 v16, v10;
	v11 =	vld [tilespmem:s22+$0xFFFFFFF0];
	v21 =	vmin.f32 v21, $1.025000000e+03;
	v17 =	vmin.f32 v17, $1.025000000e+03  }
0x11b: {  	v10 =	vld [tilespmem:s22+$0x0];
	v13 =	vadd.f32 v13, v7;
	v17 =	vtrunc.f32 v17;
	v22 =	vmul.f32 v12, v12  }
0x11c: {  	v21 =	vtrunc.f32 v21;
	(erf) = vrcp.f32 v16  }
0x11d: {  	v23 =	vld.idx.msk [tilespmem:v18+s9+$0x0], $0xffff;
	v25 =	vmul.f32 v13, v13;
	v22 =	vmul.f32 v22, v22  }
0x11e: {  	v24 =	vld.idx.msk [tilespmem:v19+s10+$0x0], $0xffff;
	v13 =	vcvt.f32.s32 v17;
	v15 =	vmul.f32 v20, v15  }
0x11f: {  	v16 =	vld.idx.msk [tilespmem:v19+s11+$0x0], $0xffff;
	v17 =	vsub.f32 v11, v6;
	v26 =	vmul.f32 v25, v25;
	v22 =	vmul.f32 v22, v12  }
0x120: {  	v19 =	vld.idx.msk [tilespmem:v19+s9+$0x0], $0xffff;
	v20 =	vmul.f32 v10, v4;
	v12 =	vcvt.f32.s32 v21  }
0x121: {  	v21 =	vsub.f32 v10, v6;
	v17 =	vand.u32 $0x7FFFFFFF, v17;
	(erf) = vrcp.f32 v22  }
0x122: {  	v15 =	vadd.f32 v15, v23;
	v23 =	vmul.f32 v11, v4;
	v22 =	vmul.f32 $1.000000010e-01, v17  }
0x123: {  	v27 =	vadd.f32 v20, v5;
	v20 =	vmul.f32 v24, v14;
	v21 =	vand.u32 $0x7FFFFFFF, v21;
	v17 =	vld.idx.msk [tilespmem:v18+s11+$0x0], $0xffff  }
0x124: {  	v24 =	vpop (erf);
	v63 =	vadd.f32 v22, v7;
	v22 =	vmul.f32 $1.000000010e-01, v21;
	v21 =	vmul.f32 v26, v26  }
0x125: {  	s18 =	simm.s32 $0x9210;
	v23 =	vadd.f32 v23, v5;
	v14 =	vld.idx.msk [tilespmem:v13+s10+$0x0], $0xffff;
	v18 =	vadd.f32 v20, v19;
	v19 =	vmul.f32 v24, v16  }
0x126: {  	s19 =	simm.s32 $0x9210;
	s20 =	simm.s32 $0x40;
	s21 =	simm.s32 $0x1270;
	v24 =	vmax.f32 v27, $0.0e+00;
	v16 =	vld.idx.msk [tilespmem:v12+s10+$0x0], $0xffff;
	v20 =	vmul.f32 v63, v63;
	v21 =	vmul.f32 v21, v25  }
.LBB2_8:
0x127: {  	v25 =	vld [tilespmem:s21+$0xFFFFFFF0];
	s20 =	sadd.s32 $0x20, s20;
	v23 =	vmax.f32 v23, $0.0e+00;
	v24 =	vmin.f32 v24, $1.025000000e+03;
	v22 =	vadd.f32 v22, v7;
	s18 =	sadd.s32 $0x20, s18;
	v26 =	vpop (erf)  }
0x128: {  	v27 =	vld [tilespmem:s21+$0x0];
	p0 =	slt.u32 s20, $0x3FE0;
	v23 =	vmin.f32 v23, $1.025000000e+03;
	v28 =	vmul.f32 v20, v20;
	v17 =	vmul.f32 v26, v17  }
0x129: {  	v18 =	vadd.f32 v19, v18;
	v24 =	vtrunc.f32 v24;
	v23 =	vtrunc.f32 v23;
	v26 =	vld.idx.msk [tilespmem:v12+s9+$0x0], $0xffff  }
0x12a: {  	v19 =	vmul.f32 v28, v28;
	v28 =	vmul.f32 v22, v22;
	v29 =	vpop (erf);
	v15 =	vadd.f32 v17, v15  }
0x12b: {  	v23 =	vcvt.f32.s32 v23;
	v30 =	vld.idx.msk [tilespmem:v13+s11+$0x0], $0xffff;
	(erf) = vrcp.f32 v21;
	[tilespmem:s19+$0xFFFFFFF0] =	vst v18  }
0x12c: {  	v17 =	vsub.f32 v25, v6;
	v18 =	vmul.f32 v19, v20;
	v19 =	vcvt.f32.s32 v24;
	v20 =	vld.idx.msk [tilespmem:v13+s9+$0x0], $0xffff;
	[tilespmem:s19+$0x0] =	vst v15;
	s19 =	smov.u32 s18  }
0x12d: {  	v16 =	vmul.f32 v16, v9;
	v9 =	vmovc v10;
	v21 =	vmul.f32 v28, v28;
	v15 =	vsub.f32 v27, v6  }
0x12e: {  	v13 =	vmovc v23;
	v24 =	vmul.f32 v27, v4;
	v10 =	vmovc v27;
	v22 =	vand.u32 $0x7FFFFFFF, v17;
	(erf) = vrcp.f32 v18;
	v17 =	vld.idx.msk [tilespmem:v12+s11+$0x0], $0xffff  }
.Ltmp3:
0x12f: {  	v12 =	vmovc v19;
	v18 =	vmul.f32 $1.000000010e-01, v22;
	v22 =	vand.u32 $0x7FFFFFFF, v15;
	v15 =	vadd.f32 v16, v26;
	(pc) =	sbr.rel @p0 .LBB2_8-.Ltmp3, $4  }
0x130: {  	v16 =	vmul.f32 v25, v4;
	v24 =	vadd.f32 v24, v5;
	v26 =	vmul.f32 v14, v8;
	v8 =	vmovc v11  }
0x131: {  	v21 =	vmul.f32 v21, v21;
	v11 =	vmovc v25;
	v22 =	vmul.f32 $1.000000010e-01, v22;
	v27 =	vadd.f32 v18, v7;
	v14 =	vld.idx.msk [tilespmem:v23+s10+$0x0], $0xffff  }
0x132: {  	v23 =	vadd.f32 v16, v5;
	v18 =	vadd.f32 v26, v20;
	v16 =	vld.idx.msk [tilespmem:v19+s10+$0x0], $0xffff;
	v19 =	vmul.f32 v29, v30  }
0x133: {  	s21 =	sadd.s32 $0x20, s21;
	v21 =	vmul.f32 v21, v28;
	v24 =	vmax.f32 v24, $0.0e+00;
	v20 =	vmul.f32 v27, v27  }
0x134: {  	v22 =	vadd.f32 v22, v7  }
0x135: {  	v23 =	vmax.f32 v23, $0.0e+00;
	v24 =	vmin.f32 v24, $1.025000000e+03  }
0x136: {  	v23 =	vmin.f32 v23, $1.025000000e+03;
	v25 =	vmul.f32 v20, v20;
	v22 =	vmul.f32 v22, v22  }
0x137: {  	v24 =	vtrunc.f32 v24;
	v23 =	vtrunc.f32 v23  }
0x138: {  	v24 =	vcvt.f32.s32 v24;
	v26 =	vmul.f32 v22, v22  }
0x139: {  	v23 =	vcvt.f32.s32 v23;
	v25 =	vmul.f32 v25, v25  }
0x13a: {  	v27 =	vld.idx.msk [tilespmem:v12+s9+$0x0], $0xffff;
	v26 =	vmul.f32 v26, v26  }
0x13b: {  	v28 =	vld.idx.msk [tilespmem:v13+s11+$0x0], $0xffff;
	v20 =	vmul.f32 v25, v20  }
0x13c: {  	v13 =	vld.idx.msk [tilespmem:v13+s9+$0x0], $0xffff;
	(erf) = vrcp.f32 v21;
	v21 =	vmul.f32 v26, v22  }
0x13d: {  	v12 =	vld.idx.msk [tilespmem:v12+s11+$0x0], $0xffff;
	(erf) = vrcp.f32 v20  }
0x13e: {  	v22 =	vld.idx.msk [tilespmem:v24+s9+$0x0], $0xffff;
	(erf) = vrcp.f32 v21  }
0x13f: {  	v20 =	vld.idx.msk [tilespmem:v23+s10+$0x0], $0xffff  }
0x140: {  	v26 =	vld.idx.msk [tilespmem:v23+s11+$0x0], $0xffff  }
0x141: {  	v21 =	vld.idx.msk [tilespmem:v24+s10+$0x0], $0xffff  }
0x142: {  	v8 =	vmul.f32 v14, v8;
	v23 =	vld.idx.msk [tilespmem:v23+s9+$0x0], $0xffff  }
0x143: {  	v9 =	vmul.f32 v16, v9;
	v25 =	vpop (erf);
	v14 =	vld.idx.msk [tilespmem:v24+s11+$0x0], $0xffff  }
0x144: {  	v18 =	vadd.f32 v19, v18;
	v8 =	vadd.f32 v8, v13;
	v17 =	vmul.f32 v25, v17;
	v24 =	vpop (erf)  }
0x145: {  	v9 =	vadd.f32 v9, v27;
	v13 =	vmul.f32 v24, v28;
	v16 =	vpop (erf);
	v11 =	vmul.f32 v20, v11  }
0x146: {  	v15 =	vadd.f32 v17, v15;
	v12 =	vmul.f32 v16, v12;
	v10 =	vmul.f32 v21, v10;
	v16 =	vpop (erf)  }
0x147: {  	[tilespmem:s19+$0xFFFFFFF0] =	vst v18;
	v8 =	vadd.f32 v13, v8;
	v11 =	vadd.f32 v11, v23;
	v13 =	vmul.f32 v16, v26;
	v16 =	vpop (erf)  }
0x148: {  	s18 =	sadd.s32 $0x20, s18;
	[tilespmem:s19+$0x0] =	vst v15;
	v9 =	vadd.f32 v12, v9;
	v10 =	vadd.f32 v10, v22;
	v12 =	vmul.f32 v16, v14  }
0x149: {  	[tilespmem:s18+$0xFFFFFFF0] =	vst v8;
	v8 =	vadd.f32 v13, v11  }
0x14a: {  	s22 =	sadd.s32 $0x20, s18;
	[tilespmem:s18+$0x0] =	vst v9;
	v9 =	vadd.f32 v12, v10  }
0x14b: {  	[tilespmem:s22+$0xFFFFFFF0] =	vst v8  }
0x14c: {  	[tilespmem:s22+$0x0] =	vst v9  }
0x14d: {  	s18 =	rddreg [dreg:$0x8]  }
0x14e: {  	[hbm4b:s18+s1] =	stream.linear.scatter [tilespmem:s12], [sflag:$0x3], $0x4000, $0x38;
	[tilespmem:$0x11200] =	vst v63  }
0x14f: {  	s19 =	rddreg [dreg:$0x9]  }
0x150: {  	[tilespmem:s5], [sflag:$0x1] =	stream.linear.gather [hbm4b:s19+s1], $0x4000, $0x38;
	[tilespmem:$0x11200] =	vst v63  }
0x151: {  	_ =	swait.ge [sflag:s13], $0x4000  }
0x152: {  	[sflag:s13] =	ssyncset.done $0x0  }
0x153: {  	[sflag:s13] =	ssyncadd.s32 $0xFFFFC000  }
0x154: {  	_ =	swait.ge [sflag:s16], $0x4000  }
0x155: {  	[sflag:s16] =	ssyncset.done $0x0  }
0x156: {  	s20 =	simm.s32 $0x5210;
	[sflag:s16] =	ssyncadd.s32 $0xFFFFC000  }
0x157: {  	v14 =	vld [tilespmem:s20+$0xFFFFFFF0];
	_ =	sdelay $0x2  }
0x158: {  	v15 =	vld [tilespmem:s20+$0x0];
	_ =	sdelay $0x1  }
0x159: {  	v8 =	vsub.f32 v14, v6;
	_ =	sdelay $0x1  }
0x15a: {  	v9 =	vmul.f32 v14, v4;
	v8 =	vand.u32 $0x7FFFFFFF, v8  }
0x15b: {  	v10 =	vsub.f32 v15, v6;
	v11 =	vmul.f32 v15, v4;
	v8 =	vmul.f32 $1.000000010e-01, v8  }
0x15c: {  	v9 =	vadd.f32 v9, v5  }
0x15d: {  	s21 =	simm.s32 $0x5230;
	v10 =	vand.u32 $0x7FFFFFFF, v10;
	v11 =	vadd.f32 v11, v5;
	v12 =	vadd.f32 v8, v7  }
0x15e: {  	v10 =	vmul.f32 $1.000000010e-01, v10;
	v13 =	vmax.f32 v9, $0.0e+00;
	v8 =	vld [tilespmem:s21+$0xFFFFFFF0]  }
0x15f: {  	v11 =	vmax.f32 v11, $0.0e+00;
	v9 =	vld [tilespmem:s21+$0x0];
	v13 =	vmin.f32 v13, $1.025000000e+03;
	v12 =	vmul.f32 v12, v12  }
0x160: {  	v11 =	vmin.f32 v11, $1.025000000e+03;
	v10 =	vadd.f32 v10, v7;
	v13 =	vtrunc.f32 v13  }
0x161: {  	v11 =	vtrunc.f32 v11;
	v16 =	vmul.f32 v12, v12  }
0x162: {  	v10 =	vmul.f32 v10, v10;
	v18 =	vcvt.f32.s32 v11  }
0x163: {  	v19 =	vcvt.f32.s32 v13;
	v17 =	vsub.f32 v8, v6;
	v16 =	vmul.f32 v16, v16  }
0x164: {  	v13 =	vmul.f32 v9, v4;
	v20 =	vmul.f32 v8, v4  }
0x165: {  	v11 =	vmul.f32 v16, v12;
	v12 =	vand.u32 $0x7FFFFFFF, v17;
	v16 =	vsub.f32 v9, v6  }
0x166: {  	v17 =	vmul.f32 v10, v10;
	v12 =	vmul.f32 $1.000000010e-01, v12  }
0x167: {  	(erf) = vrcp.f32 v11;
	v11 =	vadd.f32 v13, v5;
	v13 =	vand.u32 $0x7FFFFFFF, v16  }
0x168: {  	v16 =	vmul.f32 v17, v17;
	v17 =	vadd.f32 v20, v5;
	v12 =	vadd.f32 v12, v7  }
0x169: {  	v13 =	vmul.f32 $1.000000010e-01, v13  }
0x16a: {  	s22 =	simm.s32 $0x5250;
	v20 =	vld.idx.msk [tilespmem:v18+s10+$0x0], $0xffff;
	v21 =	vmax.f32 v11, $0.0e+00;
	v17 =	vmax.f32 v17, $0.0e+00;
	v12 =	vmul.f32 v12, v12  }
0x16b: {  	v16 =	vmul.f32 v16, v10;
	v11 =	vld [tilespmem:s22+$0xFFFFFFF0];
	v21 =	vmin.f32 v21, $1.025000000e+03;
	v17 =	vmin.f32 v17, $1.025000000e+03  }
0x16c: {  	v10 =	vld [tilespmem:s22+$0x0];
	v13 =	vadd.f32 v13, v7;
	v17 =	vtrunc.f32 v17;
	v22 =	vmul.f32 v12, v12  }
0x16d: {  	v21 =	vtrunc.f32 v21;
	(erf) = vrcp.f32 v16  }
0x16e: {  	v23 =	vld.idx.msk [tilespmem:v18+s9+$0x0], $0xffff;
	v25 =	vmul.f32 v13, v13;
	v22 =	vmul.f32 v22, v22  }
0x16f: {  	v24 =	vld.idx.msk [tilespmem:v19+s10+$0x0], $0xffff;
	v13 =	vcvt.f32.s32 v17;
	v15 =	vmul.f32 v20, v15  }
0x170: {  	v16 =	vld.idx.msk [tilespmem:v19+s11+$0x0], $0xffff;
	v17 =	vsub.f32 v11, v6;
	v26 =	vmul.f32 v25, v25;
	v22 =	vmul.f32 v22, v12  }
0x171: {  	v19 =	vld.idx.msk [tilespmem:v19+s9+$0x0], $0xffff;
	v20 =	vmul.f32 v10, v4;
	v12 =	vcvt.f32.s32 v21  }
0x172: {  	v21 =	vsub.f32 v10, v6;
	v17 =	vand.u32 $0x7FFFFFFF, v17;
	(erf) = vrcp.f32 v22  }
0x173: {  	v15 =	vadd.f32 v15, v23;
	v23 =	vmul.f32 v11, v4;
	v22 =	vmul.f32 $1.000000010e-01, v17  }
0x174: {  	v27 =	vadd.f32 v20, v5;
	v20 =	vmul.f32 v24, v14;
	v21 =	vand.u32 $0x7FFFFFFF, v21;
	v17 =	vld.idx.msk [tilespmem:v18+s11+$0x0], $0xffff  }
0x175: {  	v24 =	vpop (erf);
	v63 =	vadd.f32 v22, v7;
	v22 =	vmul.f32 $1.000000010e-01, v21;
	v21 =	vmul.f32 v26, v26  }
0x176: {  	s18 =	simm.s32 $0xD210;
	v23 =	vadd.f32 v23, v5;
	v14 =	vld.idx.msk [tilespmem:v13+s10+$0x0], $0xffff;
	v18 =	vadd.f32 v20, v19;
	v19 =	vmul.f32 v24, v16  }
0x177: {  	s19 =	simm.s32 $0xD210;
	s20 =	simm.s32 $0x40;
	s21 =	simm.s32 $0x5270;
	v24 =	vmax.f32 v27, $0.0e+00;
	v16 =	vld.idx.msk [tilespmem:v12+s10+$0x0], $0xffff;
	v20 =	vmul.f32 v63, v63;
	v21 =	vmul.f32 v21, v25  }
.LBB2_10:
0x178: {  	v25 =	vld [tilespmem:s21+$0xFFFFFFF0];
	s20 =	sadd.s32 $0x20, s20;
	v23 =	vmax.f32 v23, $0.0e+00;
	v24 =	vmin.f32 v24, $1.025000000e+03;
	v22 =	vadd.f32 v22, v7;
	s18 =	sadd.s32 $0x20, s18;
	v26 =	vpop (erf)  }
0x179: {  	v27 =	vld [tilespmem:s21+$0x0];
	p0 =	slt.u32 s20, $0x3FE0;
	v23 =	vmin.f32 v23, $1.025000000e+03;
	v28 =	vmul.f32 v20, v20;
	v17 =	vmul.f32 v26, v17  }
0x17a: {  	v18 =	vadd.f32 v19, v18;
	v24 =	vtrunc.f32 v24;
	v23 =	vtrunc.f32 v23;
	v26 =	vld.idx.msk [tilespmem:v12+s9+$0x0], $0xffff  }
0x17b: {  	v19 =	vmul.f32 v28, v28;
	v28 =	vmul.f32 v22, v22;
	v29 =	vpop (erf);
	v15 =	vadd.f32 v17, v15  }
0x17c: {  	v23 =	vcvt.f32.s32 v23;
	v30 =	vld.idx.msk [tilespmem:v13+s11+$0x0], $0xffff;
	(erf) = vrcp.f32 v21;
	[tilespmem:s19+$0xFFFFFFF0] =	vst v18  }
0x17d: {  	v17 =	vsub.f32 v25, v6;
	v18 =	vmul.f32 v19, v20;
	v19 =	vcvt.f32.s32 v24;
	v20 =	vld.idx.msk [tilespmem:v13+s9+$0x0], $0xffff;
	[tilespmem:s19+$0x0] =	vst v15;
	s19 =	smov.u32 s18  }
0x17e: {  	v16 =	vmul.f32 v16, v9;
	v9 =	vmovc v10;
	v21 =	vmul.f32 v28, v28;
	v15 =	vsub.f32 v27, v6  }
0x17f: {  	v13 =	vmovc v23;
	v24 =	vmul.f32 v27, v4;
	v10 =	vmovc v27;
	v22 =	vand.u32 $0x7FFFFFFF, v17;
	(erf) = vrcp.f32 v18;
	v17 =	vld.idx.msk [tilespmem:v12+s11+$0x0], $0xffff  }
.Ltmp4:
0x180: {  	v12 =	vmovc v19;
	v18 =	vmul.f32 $1.000000010e-01, v22;
	v22 =	vand.u32 $0x7FFFFFFF, v15;
	v15 =	vadd.f32 v16, v26;
	(pc) =	sbr.rel @p0 .LBB2_10-.Ltmp4, $4  }
0x181: {  	v16 =	vmul.f32 v25, v4;
	v24 =	vadd.f32 v24, v5;
	v26 =	vmul.f32 v14, v8;
	v8 =	vmovc v11  }
0x182: {  	v21 =	vmul.f32 v21, v21;
	v11 =	vmovc v25;
	v22 =	vmul.f32 $1.000000010e-01, v22;
	v27 =	vadd.f32 v18, v7;
	v14 =	vld.idx.msk [tilespmem:v23+s10+$0x0], $0xffff  }
0x183: {  	v23 =	vadd.f32 v16, v5;
	v18 =	vadd.f32 v26, v20;
	v16 =	vld.idx.msk [tilespmem:v19+s10+$0x0], $0xffff;
	v19 =	vmul.f32 v29, v30  }
0x184: {  	s21 =	sadd.s32 $0x20, s21;
	v21 =	vmul.f32 v21, v28;
	v24 =	vmax.f32 v24, $0.0e+00;
	v20 =	vmul.f32 v27, v27  }
0x185: {  	v22 =	vadd.f32 v22, v7  }
0x186: {  	v23 =	vmax.f32 v23, $0.0e+00;
	v24 =	vmin.f32 v24, $1.025000000e+03  }
0x187: {  	v23 =	vmin.f32 v23, $1.025000000e+03;
	v25 =	vmul.f32 v20, v20;
	v22 =	vmul.f32 v22, v22  }
0x188: {  	v24 =	vtrunc.f32 v24;
	v23 =	vtrunc.f32 v23  }
0x189: {  	v24 =	vcvt.f32.s32 v24;
	v26 =	vmul.f32 v22, v22  }
0x18a: {  	v23 =	vcvt.f32.s32 v23;
	v25 =	vmul.f32 v25, v25  }
0x18b: {  	v27 =	vld.idx.msk [tilespmem:v12+s9+$0x0], $0xffff;
	v26 =	vmul.f32 v26, v26  }
0x18c: {  	v28 =	vld.idx.msk [tilespmem:v13+s11+$0x0], $0xffff;
	v20 =	vmul.f32 v25, v20  }
0x18d: {  	v13 =	vld.idx.msk [tilespmem:v13+s9+$0x0], $0xffff;
	(erf) = vrcp.f32 v21;
	v21 =	vmul.f32 v26, v22  }
0x18e: {  	v12 =	vld.idx.msk [tilespmem:v12+s11+$0x0], $0xffff;
	(erf) = vrcp.f32 v20  }
0x18f: {  	v22 =	vld.idx.msk [tilespmem:v24+s9+$0x0], $0xffff;
	(erf) = vrcp.f32 v21  }
0x190: {  	v20 =	vld.idx.msk [tilespmem:v23+s10+$0x0], $0xffff  }
0x191: {  	v26 =	vld.idx.msk [tilespmem:v23+s11+$0x0], $0xffff  }
0x192: {  	v21 =	vld.idx.msk [tilespmem:v24+s10+$0x0], $0xffff  }
0x193: {  	v8 =	vmul.f32 v14, v8;
	v23 =	vld.idx.msk [tilespmem:v23+s9+$0x0], $0xffff  }
0x194: {  	v9 =	vmul.f32 v16, v9;
	v25 =	vpop (erf);
	v14 =	vld.idx.msk [tilespmem:v24+s11+$0x0], $0xffff  }
0x195: {  	v18 =	vadd.f32 v19, v18;
	v8 =	vadd.f32 v8, v13;
	v17 =	vmul.f32 v25, v17;
	v24 =	vpop (erf)  }
0x196: {  	v9 =	vadd.f32 v9, v27;
	v13 =	vmul.f32 v24, v28;
	v16 =	vpop (erf);
	v11 =	vmul.f32 v20, v11  }
0x197: {  	v15 =	vadd.f32 v17, v15;
	v12 =	vmul.f32 v16, v12;
	v10 =	vmul.f32 v21, v10;
	v16 =	vpop (erf)  }
0x198: {  	[tilespmem:s19+$0xFFFFFFF0] =	vst v18;
	v8 =	vadd.f32 v13, v8;
	v11 =	vadd.f32 v11, v23;
	v13 =	vmul.f32 v16, v26;
	v16 =	vpop (erf)  }
0x199: {  	s18 =	sadd.s32 $0x20, s18;
	[tilespmem:s19+$0x0] =	vst v15;
	v9 =	vadd.f32 v12, v9;
	v10 =	vadd.f32 v10, v22;
	v12 =	vmul.f32 v16, v14  }
0x19a: {  	[tilespmem:s18+$0xFFFFFFF0] =	vst v8;
	v8 =	vadd.f32 v13, v11  }
0x19b: {  	s22 =	sadd.s32 $0x20, s18;
	[tilespmem:s18+$0x0] =	vst v9;
	v9 =	vadd.f32 v12, v10  }
0x19c: {  	[tilespmem:s22+$0xFFFFFFF0] =	vst v8  }
0x19d: {  	[tilespmem:s22+$0x0] =	vst v9  }
0x19e: {  	s18 =	rddreg [dreg:$0xa]  }
0x19f: {  	[hbm4b:s18+s1] =	stream.linear.scatter [tilespmem:s14], [sflag:$0x4], $0x4000, $0x38;
	[tilespmem:$0x11200] =	vst v63  }
0x1a0: {  	s19 =	rddreg [dreg:$0xb]  }
0x1a1: {  	[tilespmem:s6], [sflag:$0x2] =	stream.linear.gather [hbm4b:s19+s1], $0x4000, $0x38;
	[tilespmem:$0x11200] =	vst v63  }
0x1a2: {  	_ =	swait.ge [sflag:s8], $0x4000  }
0x1a3: {  	[sflag:s8] =	ssyncset.done $0x0  }
0x1a4: {  	[sflag:s8] =	ssyncadd.s32 $0xFFFFC000  }
0x1a5: {  	_ =	swait.ge [sflag:s15], $0x4000  }
0x1a6: {  	[sflag:s15] =	ssyncset.done $0x0  }
0x1a7: {  	s20 =	simm.s32 $0x1210;
	[sflag:s15] =	ssyncadd.s32 $0xFFFFC000  }
0x1a8: {  	v14 =	vld [tilespmem:s20+$0xFFFFFFF0];
	_ =	sdelay $0x2  }
0x1a9: {  	v15 =	vld [tilespmem:s20+$0x0];
	_ =	sdelay $0x1  }
0x1aa: {  	v8 =	vsub.f32 v14, v6;
	_ =	sdelay $0x1  }
0x1ab: {  	v9 =	vmul.f32 v14, v4;
	v8 =	vand.u32 $0x7FFFFFFF, v8  }
0x1ac: {  	v10 =	vsub.f32 v15, v6;
	v11 =	vmul.f32 v15, v4;
	v8 =	vmul.f32 $1.000000010e-01, v8  }
0x1ad: {  	v9 =	vadd.f32 v9, v5  }
0x1ae: {  	s21 =	simm.s32 $0x1230;
	v10 =	vand.u32 $0x7FFFFFFF, v10;
	v11 =	vadd.f32 v11, v5;
	v12 =	vadd.f32 v8, v7  }
0x1af: {  	v10 =	vmul.f32 $1.000000010e-01, v10;
	v13 =	vmax.f32 v9, $0.0e+00;
	v8 =	vld [tilespmem:s21+$0xFFFFFFF0]  }
0x1b0: {  	v11 =	vmax.f32 v11, $0.0e+00;
	v9 =	vld [tilespmem:s21+$0x0];
	v13 =	vmin.f32 v13, $1.025000000e+03;
	v12 =	vmul.f32 v12, v12  }
0x1b1: {  	v11 =	vmin.f32 v11, $1.025000000e+03;
	v10 =	vadd.f32 v10, v7;
	v13 =	vtrunc.f32 v13  }
0x1b2: {  	v11 =	vtrunc.f32 v11;
	v16 =	vmul.f32 v12, v12  }
0x1b3: {  	v10 =	vmul.f32 v10, v10;
	v18 =	vcvt.f32.s32 v11  }
0x1b4: {  	v19 =	vcvt.f32.s32 v13;
	v17 =	vsub.f32 v8, v6;
	v16 =	vmul.f32 v16, v16  }
0x1b5: {  	v13 =	vmul.f32 v9, v4;
	v20 =	vmul.f32 v8, v4  }
0x1b6: {  	v11 =	vmul.f32 v16, v12;
	v12 =	vand.u32 $0x7FFFFFFF, v17;
	v16 =	vsub.f32 v9, v6  }
0x1b7: {  	v17 =	vmul.f32 v10, v10;
	v12 =	vmul.f32 $1.000000010e-01, v12  }
0x1b8: {  	(erf) = vrcp.f32 v11;
	v11 =	vadd.f32 v13, v5;
	v13 =	vand.u32 $0x7FFFFFFF, v16  }
0x1b9: {  	v16 =	vmul.f32 v17, v17;
	v17 =	vadd.f32 v20, v5;
	v12 =	vadd.f32 v12, v7  }
0x1ba: {  	v13 =	vmul.f32 $1.000000010e-01, v13  }
0x1bb: {  	s22 =	simm.s32 $0x1250;
	v20 =	vld.idx.msk [tilespmem:v18+s10+$0x0], $0xffff;
	v21 =	vmax.f32 v11, $0.0e+00;
	v17 =	vmax.f32 v17, $0.0e+00;
	v12 =	vmul.f32 v12, v12  }
0x1bc: {  	v16 =	vmul.f32 v16, v10;
	v11 =	vld [tilespmem:s22+$0xFFFFFFF0];
	v21 =	vmin.f32 v21, $1.025000000e+03;
	v17 =	vmin.f32 v17, $1.025000000e+03  }
0x1bd: {  	v10 =	vld [tilespmem:s22+$0x0];
	v13 =	vadd.f32 v13, v7;
	v17 =	vtrunc.f32 v17;
	v22 =	vmul.f32 v12, v12  }
0x1be: {  	v21 =	vtrunc.f32 v21;
	(erf) = vrcp.f32 v16  }
0x1bf: {  	v23 =	vld.idx.msk [tilespmem:v18+s9+$0x0], $0xffff;
	v25 =	vmul.f32 v13, v13;
	v22 =	vmul.f32 v22, v22  }
0x1c0: {  	v24 =	vld.idx.msk [tilespmem:v19+s10+$0x0], $0xffff;
	v13 =	vcvt.f32.s32 v17;
	v15 =	vmul.f32 v20, v15  }
0x1c1: {  	v16 =	vld.idx.msk [tilespmem:v19+s11+$0x0], $0xffff;
	v17 =	vsub.f32 v11, v6;
	v26 =	vmul.f32 v25, v25;
	v22 =	vmul.f32 v22, v12  }
0x1c2: {  	v19 =	vld.idx.msk [tilespmem:v19+s9+$0x0], $0xffff;
	v20 =	vmul.f32 v10, v4;
	v12 =	vcvt.f32.s32 v21  }
0x1c3: {  	v21 =	vsub.f32 v10, v6;
	v17 =	vand.u32 $0x7FFFFFFF, v17;
	(erf) = vrcp.f32 v22  }
0x1c4: {  	v15 =	vadd.f32 v15, v23;
	v23 =	vmul.f32 v11, v4;
	v22 =	vmul.f32 $1.000000010e-01, v17  }
0x1c5: {  	v27 =	vadd.f32 v20, v5;
	v20 =	vmul.f32 v24, v14;
	v21 =	vand.u32 $0x7FFFFFFF, v21;
	v17 =	vld.idx.msk [tilespmem:v18+s11+$0x0], $0xffff  }
0x1c6: {  	v24 =	vpop (erf);
	v63 =	vadd.f32 v22, v7;
	v22 =	vmul.f32 $1.000000010e-01, v21;
	v21 =	vmul.f32 v26, v26  }
0x1c7: {  	s18 =	simm.s32 $0x9210;
	v23 =	vadd.f32 v23, v5;
	v14 =	vld.idx.msk [tilespmem:v13+s10+$0x0], $0xffff;
	v18 =	vadd.f32 v20, v19;
	v19 =	vmul.f32 v24, v16  }
0x1c8: {  	s19 =	simm.s32 $0x9210;
	s20 =	simm.s32 $0x40;
	s21 =	simm.s32 $0x1270;
	v24 =	vmax.f32 v27, $0.0e+00;
	v16 =	vld.idx.msk [tilespmem:v12+s10+$0x0], $0xffff;
	v20 =	vmul.f32 v63, v63;
	v21 =	vmul.f32 v21, v25  }
.LBB2_12:
0x1c9: {  	v25 =	vld [tilespmem:s21+$0xFFFFFFF0];
	s20 =	sadd.s32 $0x20, s20;
	v23 =	vmax.f32 v23, $0.0e+00;
	v24 =	vmin.f32 v24, $1.025000000e+03;
	v22 =	vadd.f32 v22, v7;
	s18 =	sadd.s32 $0x20, s18;
	v26 =	vpop (erf)  }
0x1ca: {  	v27 =	vld [tilespmem:s21+$0x0];
	p0 =	slt.u32 s20, $0x3FE0;
	v23 =	vmin.f32 v23, $1.025000000e+03;
	v28 =	vmul.f32 v20, v20;
	v17 =	vmul.f32 v26, v17  }
0x1cb: {  	v18 =	vadd.f32 v19, v18;
	v24 =	vtrunc.f32 v24;
	v23 =	vtrunc.f32 v23;
	v26 =	vld.idx.msk [tilespmem:v12+s9+$0x0], $0xffff  }
0x1cc: {  	v19 =	vmul.f32 v28, v28;
	v28 =	vmul.f32 v22, v22;
	v29 =	vpop (erf);
	v15 =	vadd.f32 v17, v15  }
0x1cd: {  	v23 =	vcvt.f32.s32 v23;
	v30 =	vld.idx.msk [tilespmem:v13+s11+$0x0], $0xffff;
	(erf) = vrcp.f32 v21;
	[tilespmem:s19+$0xFFFFFFF0] =	vst v18  }
0x1ce: {  	v17 =	vsub.f32 v25, v6;
	v18 =	vmul.f32 v19, v20;
	v19 =	vcvt.f32.s32 v24;
	v20 =	vld.idx.msk [tilespmem:v13+s9+$0x0], $0xffff;
	[tilespmem:s19+$0x0] =	vst v15;
	s19 =	smov.u32 s18  }
0x1cf: {  	v16 =	vmul.f32 v16, v9;
	v9 =	vmovc v10;
	v21 =	vmul.f32 v28, v28;
	v15 =	vsub.f32 v27, v6  }
0x1d0: {  	v13 =	vmovc v23;
	v24 =	vmul.f32 v27, v4;
	v10 =	vmovc v27;
	v22 =	vand.u32 $0x7FFFFFFF, v17;
	(erf) = vrcp.f32 v18;
	v17 =	vld.idx.msk [tilespmem:v12+s11+$0x0], $0xffff  }
.Ltmp5:
0x1d1: {  	v12 =	vmovc v19;
	v18 =	vmul.f32 $1.000000010e-01, v22;
	v22 =	vand.u32 $0x7FFFFFFF, v15;
	v15 =	vadd.f32 v16, v26;
	(pc) =	sbr.rel @p0 .LBB2_12-.Ltmp5, $4  }
0x1d2: {  	v16 =	vmul.f32 v25, v4;
	v24 =	vadd.f32 v24, v5;
	v26 =	vmul.f32 v14, v8;
	v8 =	vmovc v11  }
0x1d3: {  	v21 =	vmul.f32 v21, v21;
	v11 =	vmovc v25;
	v22 =	vmul.f32 $1.000000010e-01, v22;
	v27 =	vadd.f32 v18, v7;
	v14 =	vld.idx.msk [tilespmem:v23+s10+$0x0], $0xffff  }
0x1d4: {  	v23 =	vadd.f32 v16, v5;
	v18 =	vadd.f32 v26, v20;
	v16 =	vld.idx.msk [tilespmem:v19+s10+$0x0], $0xffff;
	v19 =	vmul.f32 v29, v30  }
0x1d5: {  	s21 =	sadd.s32 $0x20, s21;
	v21 =	vmul.f32 v21, v28;
	v24 =	vmax.f32 v24, $0.0e+00;
	v20 =	vmul.f32 v27, v27  }
0x1d6: {  	v22 =	vadd.f32 v22, v7  }
0x1d7: {  	v23 =	vmax.f32 v23, $0.0e+00;
	v24 =	vmin.f32 v24, $1.025000000e+03  }
0x1d8: {  	v23 =	vmin.f32 v23, $1.025000000e+03;
	v25 =	vmul.f32 v20, v20;
	v22 =	vmul.f32 v22, v22  }
0x1d9: {  	v24 =	vtrunc.f32 v24;
	v23 =	vtrunc.f32 v23  }
0x1da: {  	v24 =	vcvt.f32.s32 v24;
	v26 =	vmul.f32 v22, v22  }
0x1db: {  	v23 =	vcvt.f32.s32 v23;
	v25 =	vmul.f32 v25, v25  }
0x1dc: {  	v27 =	vld.idx.msk [tilespmem:v12+s9+$0x0], $0xffff;
	v26 =	vmul.f32 v26, v26  }
0x1dd: {  	v28 =	vld.idx.msk [tilespmem:v13+s11+$0x0], $0xffff;
	v20 =	vmul.f32 v25, v20  }
0x1de: {  	v13 =	vld.idx.msk [tilespmem:v13+s9+$0x0], $0xffff;
	(erf) = vrcp.f32 v21;
	v21 =	vmul.f32 v26, v22  }
0x1df: {  	v12 =	vld.idx.msk [tilespmem:v12+s11+$0x0], $0xffff;
	(erf) = vrcp.f32 v20  }
0x1e0: {  	v22 =	vld.idx.msk [tilespmem:v24+s9+$0x0], $0xffff;
	(erf) = vrcp.f32 v21  }
0x1e1: {  	v20 =	vld.idx.msk [tilespmem:v23+s10+$0x0], $0xffff  }
0x1e2: {  	v26 =	vld.idx.msk [tilespmem:v23+s11+$0x0], $0xffff  }
0x1e3: {  	v21 =	vld.idx.msk [tilespmem:v24+s10+$0x0], $0xffff  }
0x1e4: {  	v8 =	vmul.f32 v14, v8;
	v23 =	vld.idx.msk [tilespmem:v23+s9+$0x0], $0xffff  }
0x1e5: {  	v9 =	vmul.f32 v16, v9;
	v25 =	vpop (erf);
	v14 =	vld.idx.msk [tilespmem:v24+s11+$0x0], $0xffff  }
0x1e6: {  	v18 =	vadd.f32 v19, v18;
	v8 =	vadd.f32 v8, v13;
	v17 =	vmul.f32 v25, v17;
	v24 =	vpop (erf)  }
0x1e7: {  	v9 =	vadd.f32 v9, v27;
	v13 =	vmul.f32 v24, v28;
	v16 =	vpop (erf);
	v11 =	vmul.f32 v20, v11  }
0x1e8: {  	v15 =	vadd.f32 v17, v15;
	v12 =	vmul.f32 v16, v12;
	v10 =	vmul.f32 v21, v10;
	v16 =	vpop (erf)  }
0x1e9: {  	[tilespmem:s19+$0xFFFFFFF0] =	vst v18;
	v8 =	vadd.f32 v13, v8;
	v11 =	vadd.f32 v11, v23;
	v13 =	vmul.f32 v16, v26;
	v16 =	vpop (erf)  }
0x1ea: {  	s18 =	sadd.s32 $0x20, s18;
	[tilespmem:s19+$0x0] =	vst v15;
	v9 =	vadd.f32 v12, v9;
	v10 =	vadd.f32 v10, v22;
	v12 =	vmul.f32 v16, v14  }
0x1eb: {  	[tilespmem:s18+$0xFFFFFFF0] =	vst v8;
	v8 =	vadd.f32 v13, v11  }
0x1ec: {  	s22 =	sadd.s32 $0x20, s18;
	[tilespmem:s18+$0x0] =	vst v9;
	v9 =	vadd.f32 v12, v10  }
0x1ed: {  	[tilespmem:s22+$0xFFFFFFF0] =	vst v8  }
0x1ee: {  	[tilespmem:s22+$0x0] =	vst v9  }
0x1ef: {  	s18 =	rddreg [dreg:$0xc]  }
0x1f0: {  	[hbm4b:s18+s1] =	stream.linear.scatter [tilespmem:s12], [sflag:$0x3], $0x4000, $0x38;
	[tilespmem:$0x11200] =	vst v63  }
0x1f1: {  	s19 =	rddreg [dreg:$0xd]  }
0x1f2: {  	[tilespmem:s5], [sflag:$0x1] =	stream.linear.gather [hbm4b:s19+s1], $0x4000, $0x38;
	[tilespmem:$0x11200] =	vst v63  }
0x1f3: {  	_ =	swait.ge [sflag:s13], $0x4000  }
0x1f4: {  	[sflag:s13] =	ssyncset.done $0x0  }
0x1f5: {  	[sflag:s13] =	ssyncadd.s32 $0xFFFFC000  }
0x1f6: {  	_ =	swait.ge [sflag:s16], $0x4000  }
0x1f7: {  	[sflag:s16] =	ssyncset.done $0x0  }
0x1f8: {  	s20 =	simm.s32 $0x5210;
	[sflag:s16] =	ssyncadd.s32 $0xFFFFC000  }
0x1f9: {  	v14 =	vld [tilespmem:s20+$0xFFFFFFF0];
	_ =	sdelay $0x2  }
0x1fa: {  	v15 =	vld [tilespmem:s20+$0x0];
	_ =	sdelay $0x1  }
0x1fb: {  	v8 =	vsub.f32 v14, v6;
	_ =	sdelay $0x1  }
0x1fc: {  	v9 =	vmul.f32 v14, v4;
	v8 =	vand.u32 $0x7FFFFFFF, v8  }
0x1fd: {  	v10 =	vsub.f32 v15, v6;
	v11 =	vmul.f32 v15, v4;
	v8 =	vmul.f32 $1.000000010e-01, v8  }
0x1fe: {  	v9 =	vadd.f32 v9, v5  }
0x1ff: {  	s21 =	simm.s32 $0x5230;
	v10 =	vand.u32 $0x7FFFFFFF, v10;
	v11 =	vadd.f32 v11, v5;
	v12 =	vadd.f32 v8, v7  }
0x200: {  	v10 =	vmul.f32 $1.000000010e-01, v10;
	v13 =	vmax.f32 v9, $0.0e+00;
	v8 =	vld [tilespmem:s21+$0xFFFFFFF0]  }
0x201: {  	v11 =	vmax.f32 v11, $0.0e+00;
	v9 =	vld [tilespmem:s21+$0x0];
	v13 =	vmin.f32 v13, $1.025000000e+03;
	v12 =	vmul.f32 v12, v12  }
0x202: {  	v11 =	vmin.f32 v11, $1.025000000e+03;
	v10 =	vadd.f32 v10, v7;
	v13 =	vtrunc.f32 v13  }
0x203: {  	v11 =	vtrunc.f32 v11;
	v16 =	vmul.f32 v12, v12  }
0x204: {  	v10 =	vmul.f32 v10, v10;
	v18 =	vcvt.f32.s32 v11  }
0x205: {  	v19 =	vcvt.f32.s32 v13;
	v17 =	vsub.f32 v8, v6;
	v16 =	vmul.f32 v16, v16  }
0x206: {  	v13 =	vmul.f32 v9, v4;
	v20 =	vmul.f32 v8, v4  }
0x207: {  	v11 =	vmul.f32 v16, v12;
	v12 =	vand.u32 $0x7FFFFFFF, v17;
	v16 =	vsub.f32 v9, v6  }
0x208: {  	v17 =	vmul.f32 v10, v10;
	v12 =	vmul.f32 $1.000000010e-01, v12  }
0x209: {  	(erf) = vrcp.f32 v11;
	v11 =	vadd.f32 v13, v5;
	v13 =	vand.u32 $0x7FFFFFFF, v16  }
0x20a: {  	v16 =	vmul.f32 v17, v17;
	v17 =	vadd.f32 v20, v5;
	v12 =	vadd.f32 v12, v7  }
0x20b: {  	v13 =	vmul.f32 $1.000000010e-01, v13  }
0x20c: {  	s22 =	simm.s32 $0x5250;
	v20 =	vld.idx.msk [tilespmem:v18+s10+$0x0], $0xffff;
	v21 =	vmax.f32 v11, $0.0e+00;
	v17 =	vmax.f32 v17, $0.0e+00;
	v12 =	vmul.f32 v12, v12  }
0x20d: {  	v16 =	vmul.f32 v16, v10;
	v11 =	vld [tilespmem:s22+$0xFFFFFFF0];
	v21 =	vmin.f32 v21, $1.025000000e+03;
	v17 =	vmin.f32 v17, $1.025000000e+03  }
0x20e: {  	v10 =	vld [tilespmem:s22+$0x0];
	v13 =	vadd.f32 v13, v7;
	v17 =	vtrunc.f32 v17;
	v22 =	vmul.f32 v12, v12  }
0x20f: {  	v21 =	vtrunc.f32 v21;
	(erf) = vrcp.f32 v16  }
0x210: {  	v23 =	vld.idx.msk [tilespmem:v18+s9+$0x0], $0xffff;
	v25 =	vmul.f32 v13, v13;
	v22 =	vmul.f32 v22, v22  }
0x211: {  	v24 =	vld.idx.msk [tilespmem:v19+s10+$0x0], $0xffff;
	v13 =	vcvt.f32.s32 v17;
	v15 =	vmul.f32 v20, v15  }
0x212: {  	v16 =	vld.idx.msk [tilespmem:v19+s11+$0x0], $0xffff;
	v17 =	vsub.f32 v11, v6;
	v26 =	vmul.f32 v25, v25;
	v22 =	vmul.f32 v22, v12  }
0x213: {  	v19 =	vld.idx.msk [tilespmem:v19+s9+$0x0], $0xffff;
	v20 =	vmul.f32 v10, v4;
	v12 =	vcvt.f32.s32 v21  }
0x214: {  	v21 =	vsub.f32 v10, v6;
	v17 =	vand.u32 $0x7FFFFFFF, v17;
	(erf) = vrcp.f32 v22  }
0x215: {  	v15 =	vadd.f32 v15, v23;
	v23 =	vmul.f32 v11, v4;
	v22 =	vmul.f32 $1.000000010e-01, v17  }
0x216: {  	v27 =	vadd.f32 v20, v5;
	v20 =	vmul.f32 v24, v14;
	v21 =	vand.u32 $0x7FFFFFFF, v21;
	v17 =	vld.idx.msk [tilespmem:v18+s11+$0x0], $0xffff  }
0x217: {  	v24 =	vpop (erf);
	v63 =	vadd.f32 v22, v7;
	v22 =	vmul.f32 $1.000000010e-01, v21;
	v21 =	vmul.f32 v26, v26  }
0x218: {  	s18 =	simm.s32 $0xD210;
	v23 =	vadd.f32 v23, v5;
	v14 =	vld.idx.msk [tilespmem:v13+s10+$0x0], $0xffff;
	v18 =	vadd.f32 v20, v19;
	v19 =	vmul.f32 v24, v16  }
0x219: {  	s19 =	simm.s32 $0xD210;
	s20 =	simm.s32 $0x40;
	s21 =	simm.s32 $0x5270;
	v24 =	vmax.f32 v27, $0.0e+00;
	v16 =	vld.idx.msk [tilespmem:v12+s10+$0x0], $0xffff;
	v20 =	vmul.f32 v63, v63;
	v21 =	vmul.f32 v21, v25  }
.LBB2_14:
0x21a: {  	v25 =	vld [tilespmem:s21+$0xFFFFFFF0];
	s20 =	sadd.s32 $0x20, s20;
	v23 =	vmax.f32 v23, $0.0e+00;
	v24 =	vmin.f32 v24, $1.025000000e+03;
	v22 =	vadd.f32 v22, v7;
	s18 =	sadd.s32 $0x20, s18;
	v26 =	vpop (erf)  }
0x21b: {  	v27 =	vld [tilespmem:s21+$0x0];
	p0 =	slt.u32 s20, $0x3FE0;
	v23 =	vmin.f32 v23, $1.025000000e+03;
	v28 =	vmul.f32 v20, v20;
	v17 =	vmul.f32 v26, v17  }
0x21c: {  	v18 =	vadd.f32 v19, v18;
	v24 =	vtrunc.f32 v24;
	v23 =	vtrunc.f32 v23;
	v26 =	vld.idx.msk [tilespmem:v12+s9+$0x0], $0xffff  }
0x21d: {  	v19 =	vmul.f32 v28, v28;
	v28 =	vmul.f32 v22, v22;
	v29 =	vpop (erf);
	v15 =	vadd.f32 v17, v15  }
0x21e: {  	v23 =	vcvt.f32.s32 v23;
	v30 =	vld.idx.msk [tilespmem:v13+s11+$0x0], $0xffff;
	(erf) = vrcp.f32 v21;
	[tilespmem:s19+$0xFFFFFFF0] =	vst v18  }
0x21f: {  	v17 =	vsub.f32 v25, v6;
	v18 =	vmul.f32 v19, v20;
	v19 =	vcvt.f32.s32 v24;
	v20 =	vld.idx.msk [tilespmem:v13+s9+$0x0], $0xffff;
	[tilespmem:s19+$0x0] =	vst v15;
	s19 =	smov.u32 s18  }
0x220: {  	v16 =	vmul.f32 v16, v9;
	v9 =	vmovc v10;
	v21 =	vmul.f32 v28, v28;
	v15 =	vsub.f32 v27, v6  }
0x221: {  	v13 =	vmovc v23;
	v24 =	vmul.f32 v27, v4;
	v10 =	vmovc v27;
	v22 =	vand.u32 $0x7FFFFFFF, v17;
	(erf) = vrcp.f32 v18;
	v17 =	vld.idx.msk [tilespmem:v12+s11+$0x0], $0xffff  }
.Ltmp6:
0x222: {  	v12 =	vmovc v19;
	v18 =	vmul.f32 $1.000000010e-01, v22;
	v22 =	vand.u32 $0x7FFFFFFF, v15;
	v15 =	vadd.f32 v16, v26;
	(pc) =	sbr.rel @p0 .LBB2_14-.Ltmp6, $4  }
0x223: {  	v16 =	vmul.f32 v25, v4;
	v24 =	vadd.f32 v24, v5;
	v26 =	vmul.f32 v14, v8;
	v8 =	vmovc v11  }
0x224: {  	v21 =	vmul.f32 v21, v21;
	v11 =	vmovc v25;
	v22 =	vmul.f32 $1.000000010e-01, v22;
	v27 =	vadd.f32 v18, v7;
	v14 =	vld.idx.msk [tilespmem:v23+s10+$0x0], $0xffff  }
0x225: {  	v23 =	vadd.f32 v16, v5;
	v18 =	vadd.f32 v26, v20;
	v16 =	vld.idx.msk [tilespmem:v19+s10+$0x0], $0xffff;
	v19 =	vmul.f32 v29, v30  }
0x226: {  	s21 =	sadd.s32 $0x20, s21;
	v21 =	vmul.f32 v21, v28;
	v24 =	vmax.f32 v24, $0.0e+00;
	v20 =	vmul.f32 v27, v27  }
0x227: {  	v22 =	vadd.f32 v22, v7  }
0x228: {  	v23 =	vmax.f32 v23, $0.0e+00;
	v24 =	vmin.f32 v24, $1.025000000e+03  }
0x229: {  	v23 =	vmin.f32 v23, $1.025000000e+03;
	v25 =	vmul.f32 v20, v20;
	v22 =	vmul.f32 v22, v22  }
0x22a: {  	v24 =	vtrunc.f32 v24;
	v23 =	vtrunc.f32 v23  }
0x22b: {  	v24 =	vcvt.f32.s32 v24;
	v26 =	vmul.f32 v22, v22  }
0x22c: {  	v23 =	vcvt.f32.s32 v23;
	v25 =	vmul.f32 v25, v25  }
0x22d: {  	v27 =	vld.idx.msk [tilespmem:v12+s9+$0x0], $0xffff;
	v26 =	vmul.f32 v26, v26  }
0x22e: {  	v28 =	vld.idx.msk [tilespmem:v13+s11+$0x0], $0xffff;
	v20 =	vmul.f32 v25, v20  }
0x22f: {  	v13 =	vld.idx.msk [tilespmem:v13+s9+$0x0], $0xffff;
	(erf) = vrcp.f32 v21;
	v21 =	vmul.f32 v26, v22  }
0x230: {  	v12 =	vld.idx.msk [tilespmem:v12+s11+$0x0], $0xffff;
	(erf) = vrcp.f32 v20  }
0x231: {  	v22 =	vld.idx.msk [tilespmem:v24+s9+$0x0], $0xffff;
	(erf) = vrcp.f32 v21  }
0x232: {  	v20 =	vld.idx.msk [tilespmem:v23+s10+$0x0], $0xffff  }
0x233: {  	v26 =	vld.idx.msk [tilespmem:v23+s11+$0x0], $0xffff  }
0x234: {  	v21 =	vld.idx.msk [tilespmem:v24+s10+$0x0], $0xffff  }
0x235: {  	v8 =	vmul.f32 v14, v8;
	v23 =	vld.idx.msk [tilespmem:v23+s9+$0x0], $0xffff  }
0x236: {  	v9 =	vmul.f32 v16, v9;
	v25 =	vpop (erf);
	v14 =	vld.idx.msk [tilespmem:v24+s11+$0x0], $0xffff  }
0x237: {  	v18 =	vadd.f32 v19, v18;
	v8 =	vadd.f32 v8, v13;
	v17 =	vmul.f32 v25, v17;
	v24 =	vpop (erf)  }
0x238: {  	v9 =	vadd.f32 v9, v27;
	v13 =	vmul.f32 v24, v28;
	v16 =	vpop (erf);
	v11 =	vmul.f32 v20, v11  }
0x239: {  	v15 =	vadd.f32 v17, v15;
	v12 =	vmul.f32 v16, v12;
	v10 =	vmul.f32 v21, v10;
	v16 =	vpop (erf)  }
0x23a: {  	[tilespmem:s19+$0xFFFFFFF0] =	vst v18;
	v8 =	vadd.f32 v13, v8;
	v11 =	vadd.f32 v11, v23;
	v13 =	vmul.f32 v16, v26;
	v16 =	vpop (erf)  }
0x23b: {  	s18 =	sadd.s32 $0x20, s18;
	[tilespmem:s19+$0x0] =	vst v15;
	v9 =	vadd.f32 v12, v9;
	v10 =	vadd.f32 v10, v22;
	v12 =	vmul.f32 v16, v14  }
0x23c: {  	[tilespmem:s18+$0xFFFFFFF0] =	vst v8;
	v8 =	vadd.f32 v13, v11  }
0x23d: {  	s22 =	sadd.s32 $0x20, s18;
	[tilespmem:s18+$0x0] =	vst v9;
	v9 =	vadd.f32 v12, v10  }
0x23e: {  	[tilespmem:s22+$0xFFFFFFF0] =	vst v8  }
0x23f: {  	[tilespmem:s22+$0x0] =	vst v9  }
0x240: {  	s18 =	rddreg [dreg:$0xe]  }
0x241: {  	[hbm4b:s18+s1] =	stream.linear.scatter [tilespmem:s14], [sflag:$0x4], $0x4000, $0x38;
	[tilespmem:$0x11200] =	vst v63  }
0x242: {  	s19 =	rddreg [dreg:$0xf]  }
0x243: {  	[tilespmem:s6], [sflag:$0x2] =	stream.linear.gather [hbm4b:s19+s1], $0x4000, $0x38;
	[tilespmem:$0x11200] =	vst v63  }
0x244: {  	_ =	swait.ge [sflag:s8], $0x4000  }
0x245: {  	[sflag:s8] =	ssyncset.done $0x0  }
0x246: {  	[sflag:s8] =	ssyncadd.s32 $0xFFFFC000  }
0x247: {  	_ =	swait.ge [sflag:s15], $0x4000  }
0x248: {  	[sflag:s15] =	ssyncset.done $0x0  }
0x249: {  	s20 =	simm.s32 $0x1210;
	[sflag:s15] =	ssyncadd.s32 $0xFFFFC000  }
0x24a: {  	v14 =	vld [tilespmem:s20+$0xFFFFFFF0];
	_ =	sdelay $0x2  }
0x24b: {  	v15 =	vld [tilespmem:s20+$0x0];
	_ =	sdelay $0x1  }
0x24c: {  	v8 =	vsub.f32 v14, v6;
	_ =	sdelay $0x1  }
0x24d: {  	v9 =	vmul.f32 v14, v4;
	v8 =	vand.u32 $0x7FFFFFFF, v8  }
0x24e: {  	v10 =	vsub.f32 v15, v6;
	v11 =	vmul.f32 v15, v4;
	v8 =	vmul.f32 $1.000000010e-01, v8  }
0x24f: {  	v9 =	vadd.f32 v9, v5  }
0x250: {  	s21 =	simm.s32 $0x1230;
	v10 =	vand.u32 $0x7FFFFFFF, v10;
	v11 =	vadd.f32 v11, v5;
	v12 =	vadd.f32 v8, v7  }
0x251: {  	v10 =	vmul.f32 $1.000000010e-01, v10;
	v13 =	vmax.f32 v9, $0.0e+00;
	v8 =	vld [tilespmem:s21+$0xFFFFFFF0]  }
0x252: {  	v11 =	vmax.f32 v11, $0.0e+00;
	v9 =	vld [tilespmem:s21+$0x0];
	v13 =	vmin.f32 v13, $1.025000000e+03;
	v12 =	vmul.f32 v12, v12  }
0x253: {  	v11 =	vmin.f32 v11, $1.025000000e+03;
	v10 =	vadd.f32 v10, v7;
	v13 =	vtrunc.f32 v13  }
0x254: {  	v11 =	vtrunc.f32 v11;
	v16 =	vmul.f32 v12, v12  }
0x255: {  	v10 =	vmul.f32 v10, v10;
	v18 =	vcvt.f32.s32 v11  }
0x256: {  	v19 =	vcvt.f32.s32 v13;
	v17 =	vsub.f32 v8, v6;
	v16 =	vmul.f32 v16, v16  }
0x257: {  	v13 =	vmul.f32 v9, v4;
	v20 =	vmul.f32 v8, v4  }
0x258: {  	v11 =	vmul.f32 v16, v12;
	v12 =	vand.u32 $0x7FFFFFFF, v17;
	v16 =	vsub.f32 v9, v6  }
0x259: {  	v17 =	vmul.f32 v10, v10;
	v12 =	vmul.f32 $1.000000010e-01, v12  }
0x25a: {  	(erf) = vrcp.f32 v11;
	v11 =	vadd.f32 v13, v5;
	v13 =	vand.u32 $0x7FFFFFFF, v16  }
0x25b: {  	v16 =	vmul.f32 v17, v17;
	v17 =	vadd.f32 v20, v5;
	v12 =	vadd.f32 v12, v7  }
0x25c: {  	v13 =	vmul.f32 $1.000000010e-01, v13  }
0x25d: {  	s22 =	simm.s32 $0x1250;
	v20 =	vld.idx.msk [tilespmem:v18+s10+$0x0], $0xffff;
	v21 =	vmax.f32 v11, $0.0e+00;
	v17 =	vmax.f32 v17, $0.0e+00;
	v12 =	vmul.f32 v12, v12  }
0x25e: {  	v16 =	vmul.f32 v16, v10;
	v11 =	vld [tilespmem:s22+$0xFFFFFFF0];
	v21 =	vmin.f32 v21, $1.025000000e+03;
	v17 =	vmin.f32 v17, $1.025000000e+03  }
0x25f: {  	v10 =	vld [tilespmem:s22+$0x0];
	v13 =	vadd.f32 v13, v7;
	v17 =	vtrunc.f32 v17;
	v22 =	vmul.f32 v12, v12  }
0x260: {  	v21 =	vtrunc.f32 v21;
	(erf) = vrcp.f32 v16  }
0x261: {  	v23 =	vld.idx.msk [tilespmem:v18+s9+$0x0], $0xffff;
	v25 =	vmul.f32 v13, v13;
	v22 =	vmul.f32 v22, v22  }
0x262: {  	v24 =	vld.idx.msk [tilespmem:v19+s10+$0x0], $0xffff;
	v13 =	vcvt.f32.s32 v17;
	v15 =	vmul.f32 v20, v15  }
0x263: {  	v16 =	vld.idx.msk [tilespmem:v19+s11+$0x0], $0xffff;
	v17 =	vsub.f32 v11, v6;
	v26 =	vmul.f32 v25, v25;
	v22 =	vmul.f32 v22, v12  }
0x264: {  	v19 =	vld.idx.msk [tilespmem:v19+s9+$0x0], $0xffff;
	v20 =	vmul.f32 v10, v4;
	v12 =	vcvt.f32.s32 v21  }
0x265: {  	v21 =	vsub.f32 v10, v6;
	v17 =	vand.u32 $0x7FFFFFFF, v17;
	(erf) = vrcp.f32 v22  }
0x266: {  	v15 =	vadd.f32 v15, v23;
	v23 =	vmul.f32 v11, v4;
	v22 =	vmul.f32 $1.000000010e-01, v17  }
0x267: {  	v27 =	vadd.f32 v20, v5;
	v20 =	vmul.f32 v24, v14;
	v21 =	vand.u32 $0x7FFFFFFF, v21;
	v17 =	vld.idx.msk [tilespmem:v18+s11+$0x0], $0xffff  }
0x268: {  	v24 =	vpop (erf);
	v63 =	vadd.f32 v22, v7;
	v22 =	vmul.f32 $1.000000010e-01, v21;
	v21 =	vmul.f32 v26, v26  }
0x269: {  	s18 =	simm.s32 $0x9210;
	v23 =	vadd.f32 v23, v5;
	v14 =	vld.idx.msk [tilespmem:v13+s10+$0x0], $0xffff;
	v18 =	vadd.f32 v20, v19;
	v19 =	vmul.f32 v24, v16  }
0x26a: {  	s19 =	simm.s32 $0x9210;
	s20 =	simm.s32 $0x40;
	s21 =	simm.s32 $0x1270;
	v24 =	vmax.f32 v27, $0.0e+00;
	v16 =	vld.idx.msk [tilespmem:v12+s10+$0x0], $0xffff;
	v20 =	vmul.f32 v63, v63;
	v21 =	vmul.f32 v21, v25  }
.LBB2_16:
0x26b: {  	v25 =	vld [tilespmem:s21+$0xFFFFFFF0];
	s20 =	sadd.s32 $0x20, s20;
	v23 =	vmax.f32 v23, $0.0e+00;
	v24 =	vmin.f32 v24, $1.025000000e+03;
	v22 =	vadd.f32 v22, v7;
	s18 =	sadd.s32 $0x20, s18;
	v26 =	vpop (erf)  }
0x26c: {  	v27 =	vld [tilespmem:s21+$0x0];
	p0 =	slt.u32 s20, $0x3FE0;
	v23 =	vmin.f32 v23, $1.025000000e+03;
	v28 =	vmul.f32 v20, v20;
	v17 =	vmul.f32 v26, v17  }
0x26d: {  	v18 =	vadd.f32 v19, v18;
	v24 =	vtrunc.f32 v24;
	v23 =	vtrunc.f32 v23;
	v26 =	vld.idx.msk [tilespmem:v12+s9+$0x0], $0xffff  }
0x26e: {  	v19 =	vmul.f32 v28, v28;
	v28 =	vmul.f32 v22, v22;
	v29 =	vpop (erf);
	v15 =	vadd.f32 v17, v15  }
0x26f: {  	v23 =	vcvt.f32.s32 v23;
	v30 =	vld.idx.msk [tilespmem:v13+s11+$0x0], $0xffff;
	(erf) = vrcp.f32 v21;
	[tilespmem:s19+$0xFFFFFFF0] =	vst v18  }
0x270: {  	v17 =	vsub.f32 v25, v6;
	v18 =	vmul.f32 v19, v20;
	v19 =	vcvt.f32.s32 v24;
	v20 =	vld.idx.msk [tilespmem:v13+s9+$0x0], $0xffff;
	[tilespmem:s19+$0x0] =	vst v15;
	s19 =	smov.u32 s18  }
0x271: {  	v16 =	vmul.f32 v16, v9;
	v9 =	vmovc v10;
	v21 =	vmul.f32 v28, v28;
	v15 =	vsub.f32 v27, v6  }
0x272: {  	v13 =	vmovc v23;
	v24 =	vmul.f32 v27, v4;
	v10 =	vmovc v27;
	v22 =	vand.u32 $0x7FFFFFFF, v17;
	(erf) = vrcp.f32 v18;
	v17 =	vld.idx.msk [tilespmem:v12+s11+$0x0], $0xffff  }
.Ltmp7:
0x273: {  	v12 =	vmovc v19;
	v18 =	vmul.f32 $1.000000010e-01, v22;
	v22 =	vand.u32 $0x7FFFFFFF, v15;
	v15 =	vadd.f32 v16, v26;
	(pc) =	sbr.rel @p0 .LBB2_16-.Ltmp7, $4  }
0x274: {  	v16 =	vmul.f32 v25, v4;
	v24 =	vadd.f32 v24, v5;
	v26 =	vmul.f32 v14, v8;
	v8 =	vmovc v11  }
0x275: {  	v21 =	vmul.f32 v21, v21;
	v11 =	vmovc v25;
	v22 =	vmul.f32 $1.000000010e-01, v22;
	v27 =	vadd.f32 v18, v7;
	v14 =	vld.idx.msk [tilespmem:v23+s10+$0x0], $0xffff  }
0x276: {  	v23 =	vadd.f32 v16, v5;
	v18 =	vadd.f32 v26, v20;
	v16 =	vld.idx.msk [tilespmem:v19+s10+$0x0], $0xffff;
	v19 =	vmul.f32 v29, v30  }
0x277: {  	s21 =	sadd.s32 $0x20, s21;
	v21 =	vmul.f32 v21, v28;
	v24 =	vmax.f32 v24, $0.0e+00;
	v20 =	vmul.f32 v27, v27  }
0x278: {  	v22 =	vadd.f32 v22, v7  }
0x279: {  	v23 =	vmax.f32 v23, $0.0e+00;
	v24 =	vmin.f32 v24, $1.025000000e+03  }
0x27a: {  	v23 =	vmin.f32 v23, $1.025000000e+03;
	v25 =	vmul.f32 v20, v20;
	v22 =	vmul.f32 v22, v22  }
0x27b: {  	v24 =	vtrunc.f32 v24;
	v23 =	vtrunc.f32 v23  }
0x27c: {  	v24 =	vcvt.f32.s32 v24;
	v26 =	vmul.f32 v22, v22  }
0x27d: {  	v23 =	vcvt.f32.s32 v23;
	v25 =	vmul.f32 v25, v25  }
0x27e: {  	v27 =	vld.idx.msk [tilespmem:v12+s9+$0x0], $0xffff;
	v26 =	vmul.f32 v26, v26  }
0x27f: {  	v28 =	vld.idx.msk [tilespmem:v13+s11+$0x0], $0xffff;
	v20 =	vmul.f32 v25, v20  }
0x280: {  	v13 =	vld.idx.msk [tilespmem:v13+s9+$0x0], $0xffff;
	(erf) = vrcp.f32 v21;
	v21 =	vmul.f32 v26, v22  }
0x281: {  	v12 =	vld.idx.msk [tilespmem:v12+s11+$0x0], $0xffff;
	(erf) = vrcp.f32 v20  }
0x282: {  	v22 =	vld.idx.msk [tilespmem:v24+s9+$0x0], $0xffff;
	(erf) = vrcp.f32 v21  }
0x283: {  	v20 =	vld.idx.msk [tilespmem:v23+s10+$0x0], $0xffff  }
0x284: {  	v26 =	vld.idx.msk [tilespmem:v23+s11+$0x0], $0xffff  }
0x285: {  	v21 =	vld.idx.msk [tilespmem:v24+s10+$0x0], $0xffff  }
0x286: {  	v8 =	vmul.f32 v14, v8;
	v23 =	vld.idx.msk [tilespmem:v23+s9+$0x0], $0xffff  }
0x287: {  	v9 =	vmul.f32 v16, v9;
	v25 =	vpop (erf);
	v14 =	vld.idx.msk [tilespmem:v24+s11+$0x0], $0xffff  }
0x288: {  	v18 =	vadd.f32 v19, v18;
	v8 =	vadd.f32 v8, v13;
	v17 =	vmul.f32 v25, v17;
	v24 =	vpop (erf)  }
0x289: {  	v9 =	vadd.f32 v9, v27;
	v13 =	vmul.f32 v24, v28;
	v16 =	vpop (erf);
	v11 =	vmul.f32 v20, v11  }
0x28a: {  	v15 =	vadd.f32 v17, v15;
	v12 =	vmul.f32 v16, v12;
	v10 =	vmul.f32 v21, v10;
	v16 =	vpop (erf)  }
0x28b: {  	[tilespmem:s19+$0xFFFFFFF0] =	vst v18;
	v8 =	vadd.f32 v13, v8;
	v11 =	vadd.f32 v11, v23;
	v13 =	vmul.f32 v16, v26;
	v16 =	vpop (erf)  }
0x28c: {  	s18 =	sadd.s32 $0x20, s18;
	[tilespmem:s19+$0x0] =	vst v15;
	v9 =	vadd.f32 v12, v9;
	v10 =	vadd.f32 v10, v22;
	v12 =	vmul.f32 v16, v14  }
0x28d: {  	[tilespmem:s18+$0xFFFFFFF0] =	vst v8;
	v8 =	vadd.f32 v13, v11  }
0x28e: {  	s22 =	sadd.s32 $0x20, s18;
	[tilespmem:s18+$0x0] =	vst v9;
	v9 =	vadd.f32 v12, v10  }
0x28f: {  	[tilespmem:s22+$0xFFFFFFF0] =	vst v8  }
0x290: {  	[tilespmem:s22+$0x0] =	vst v9  }
0x291: {  	s18 =	rddreg [dreg:$0x10]  }
0x292: {  	[hbm4b:s18+s1] =	stream.linear.scatter [tilespmem:s12], [sflag:$0x3], $0x4000, $0x38;
	[tilespmem:$0x11200] =	vst v63  }
0x293: {  	s19 =	rddreg [dreg:$0x11]  }
0x294: {  	[tilespmem:s5], [sflag:$0x1] =	stream.linear.gather [hbm4b:s19+s1], $0x4000, $0x38;
	[tilespmem:$0x11200] =	vst v63  }
0x295: {  	_ =	swait.ge [sflag:s13], $0x4000  }
0x296: {  	[sflag:s13] =	ssyncset.done $0x0  }
0x297: {  	[sflag:s13] =	ssyncadd.s32 $0xFFFFC000  }
0x298: {  	_ =	swait.ge [sflag:s16], $0x4000  }
0x299: {  	[sflag:s16] =	ssyncset.done $0x0  }
0x29a: {  	s20 =	simm.s32 $0x5210;
	[sflag:s16] =	ssyncadd.s32 $0xFFFFC000  }
0x29b: {  	v14 =	vld [tilespmem:s20+$0xFFFFFFF0];
	_ =	sdelay $0x2  }
0x29c: {  	v15 =	vld [tilespmem:s20+$0x0];
	_ =	sdelay $0x1  }
0x29d: {  	v8 =	vsub.f32 v14, v6;
	_ =	sdelay $0x1  }
0x29e: {  	v9 =	vmul.f32 v14, v4;
	v8 =	vand.u32 $0x7FFFFFFF, v8  }
0x29f: {  	v10 =	vsub.f32 v15, v6;
	v11 =	vmul.f32 v15, v4;
	v8 =	vmul.f32 $1.000000010e-01, v8  }
0x2a0: {  	v9 =	vadd.f32 v9, v5  }
0x2a1: {  	s21 =	simm.s32 $0x5230;
	v10 =	vand.u32 $0x7FFFFFFF, v10;
	v11 =	vadd.f32 v11, v5;
	v12 =	vadd.f32 v8, v7  }
0x2a2: {  	v10 =	vmul.f32 $1.000000010e-01, v10;
	v13 =	vmax.f32 v9, $0.0e+00;
	v8 =	vld [tilespmem:s21+$0xFFFFFFF0]  }
0x2a3: {  	v11 =	vmax.f32 v11, $0.0e+00;
	v9 =	vld [tilespmem:s21+$0x0];
	v13 =	vmin.f32 v13, $1.025000000e+03;
	v12 =	vmul.f32 v12, v12  }
0x2a4: {  	v11 =	vmin.f32 v11, $1.025000000e+03;
	v10 =	vadd.f32 v10, v7;
	v13 =	vtrunc.f32 v13  }
0x2a5: {  	v11 =	vtrunc.f32 v11;
	v16 =	vmul.f32 v12, v12  }
0x2a6: {  	v10 =	vmul.f32 v10, v10;
	v18 =	vcvt.f32.s32 v11  }
0x2a7: {  	v19 =	vcvt.f32.s32 v13;
	v17 =	vsub.f32 v8, v6;
	v16 =	vmul.f32 v16, v16  }
0x2a8: {  	v13 =	vmul.f32 v9, v4;
	v20 =	vmul.f32 v8, v4  }
0x2a9: {  	v11 =	vmul.f32 v16, v12;
	v12 =	vand.u32 $0x7FFFFFFF, v17;
	v16 =	vsub.f32 v9, v6  }
0x2aa: {  	v17 =	vmul.f32 v10, v10;
	v12 =	vmul.f32 $1.000000010e-01, v12  }
0x2ab: {  	(erf) = vrcp.f32 v11;
	v11 =	vadd.f32 v13, v5;
	v13 =	vand.u32 $0x7FFFFFFF, v16  }
0x2ac: {  	v16 =	vmul.f32 v17, v17;
	v17 =	vadd.f32 v20, v5;
	v12 =	vadd.f32 v12, v7  }
0x2ad: {  	v13 =	vmul.f32 $1.000000010e-01, v13  }
0x2ae: {  	s22 =	simm.s32 $0x5250;
	v20 =	vld.idx.msk [tilespmem:v18+s10+$0x0], $0xffff;
	v21 =	vmax.f32 v11, $0.0e+00;
	v17 =	vmax.f32 v17, $0.0e+00;
	v12 =	vmul.f32 v12, v12  }
0x2af: {  	v16 =	vmul.f32 v16, v10;
	v11 =	vld [tilespmem:s22+$0xFFFFFFF0];
	v21 =	vmin.f32 v21, $1.025000000e+03;
	v17 =	vmin.f32 v17, $1.025000000e+03  }
0x2b0: {  	v10 =	vld [tilespmem:s22+$0x0];
	v13 =	vadd.f32 v13, v7;
	v17 =	vtrunc.f32 v17;
	v22 =	vmul.f32 v12, v12  }
0x2b1: {  	v21 =	vtrunc.f32 v21;
	(erf) = vrcp.f32 v16  }
0x2b2: {  	v23 =	vld.idx.msk [tilespmem:v18+s9+$0x0], $0xffff;
	v25 =	vmul.f32 v13, v13;
	v22 =	vmul.f32 v22, v22  }
0x2b3: {  	v24 =	vld.idx.msk [tilespmem:v19+s10+$0x0], $0xffff;
	v13 =	vcvt.f32.s32 v17;
	v15 =	vmul.f32 v20, v15  }
0x2b4: {  	v16 =	vld.idx.msk [tilespmem:v19+s11+$0x0], $0xffff;
	v17 =	vsub.f32 v11, v6;
	v26 =	vmul.f32 v25, v25;
	v22 =	vmul.f32 v22, v12  }
0x2b5: {  	v19 =	vld.idx.msk [tilespmem:v19+s9+$0x0], $0xffff;
	v20 =	vmul.f32 v10, v4;
	v12 =	vcvt.f32.s32 v21  }
0x2b6: {  	v21 =	vsub.f32 v10, v6;
	v17 =	vand.u32 $0x7FFFFFFF, v17;
	(erf) = vrcp.f32 v22  }
0x2b7: {  	v15 =	vadd.f32 v15, v23;
	v23 =	vmul.f32 v11, v4;
	v22 =	vmul.f32 $1.000000010e-01, v17  }
0x2b8: {  	v27 =	vadd.f32 v20, v5;
	v20 =	vmul.f32 v24, v14;
	v21 =	vand.u32 $0x7FFFFFFF, v21;
	v17 =	vld.idx.msk [tilespmem:v18+s11+$0x0], $0xffff  }
0x2b9: {  	v24 =	vpop (erf);
	v63 =	vadd.f32 v22, v7;
	v22 =	vmul.f32 $1.000000010e-01, v21;
	v21 =	vmul.f32 v26, v26  }
0x2ba: {  	s18 =	simm.s32 $0xD210;
	v23 =	vadd.f32 v23, v5;
	v14 =	vld.idx.msk [tilespmem:v13+s10+$0x0], $0xffff;
	v18 =	vadd.f32 v20, v19;
	v19 =	vmul.f32 v24, v16  }
0x2bb: {  	s19 =	simm.s32 $0xD210;
	s20 =	simm.s32 $0x40;
	s21 =	simm.s32 $0x5270;
	v24 =	vmax.f32 v27, $0.0e+00;
	v16 =	vld.idx.msk [tilespmem:v12+s10+$0x0], $0xffff;
	v20 =	vmul.f32 v63, v63;
	v21 =	vmul.f32 v21, v25  }
.LBB2_18:
0x2bc: {  	v25 =	vld [tilespmem:s21+$0xFFFFFFF0];
	s20 =	sadd.s32 $0x20, s20;
	v23 =	vmax.f32 v23, $0.0e+00;
	v24 =	vmin.f32 v24, $1.025000000e+03;
	v22 =	vadd.f32 v22, v7;
	s18 =	sadd.s32 $0x20, s18;
	v26 =	vpop (erf)  }
0x2bd: {  	v27 =	vld [tilespmem:s21+$0x0];
	p0 =	slt.u32 s20, $0x3FE0;
	v23 =	vmin.f32 v23, $1.025000000e+03;
	v28 =	vmul.f32 v20, v20;
	v17 =	vmul.f32 v26, v17  }
0x2be: {  	v18 =	vadd.f32 v19, v18;
	v24 =	vtrunc.f32 v24;
	v23 =	vtrunc.f32 v23;
	v26 =	vld.idx.msk [tilespmem:v12+s9+$0x0], $0xffff  }
0x2bf: {  	v19 =	vmul.f32 v28, v28;
	v28 =	vmul.f32 v22, v22;
	v29 =	vpop (erf);
	v15 =	vadd.f32 v17, v15  }
0x2c0: {  	v23 =	vcvt.f32.s32 v23;
	v30 =	vld.idx.msk [tilespmem:v13+s11+$0x0], $0xffff;
	(erf) = vrcp.f32 v21;
	[tilespmem:s19+$0xFFFFFFF0] =	vst v18  }
0x2c1: {  	v17 =	vsub.f32 v25, v6;
	v18 =	vmul.f32 v19, v20;
	v19 =	vcvt.f32.s32 v24;
	v20 =	vld.idx.msk [tilespmem:v13+s9+$0x0], $0xffff;
	[tilespmem:s19+$0x0] =	vst v15;
	s19 =	smov.u32 s18  }
0x2c2: {  	v16 =	vmul.f32 v16, v9;
	v9 =	vmovc v10;
	v21 =	vmul.f32 v28, v28;
	v15 =	vsub.f32 v27, v6  }
0x2c3: {  	v13 =	vmovc v23;
	v24 =	vmul.f32 v27, v4;
	v10 =	vmovc v27;
	v22 =	vand.u32 $0x7FFFFFFF, v17;
	(erf) = vrcp.f32 v18;
	v17 =	vld.idx.msk [tilespmem:v12+s11+$0x0], $0xffff  }
.Ltmp8:
0x2c4: {  	v12 =	vmovc v19;
	v18 =	vmul.f32 $1.000000010e-01, v22;
	v22 =	vand.u32 $0x7FFFFFFF, v15;
	v15 =	vadd.f32 v16, v26;
	(pc) =	sbr.rel @p0 .LBB2_18-.Ltmp8, $4  }
0x2c5: {  	v16 =	vmul.f32 v25, v4;
	v24 =	vadd.f32 v24, v5;
	v26 =	vmul.f32 v14, v8;
	v8 =	vmovc v11  }
0x2c6: {  	v21 =	vmul.f32 v21, v21;
	v11 =	vmovc v25;
	v22 =	vmul.f32 $1.000000010e-01, v22;
	v27 =	vadd.f32 v18, v7;
	v14 =	vld.idx.msk [tilespmem:v23+s10+$0x0], $0xffff  }
0x2c7: {  	v23 =	vadd.f32 v16, v5;
	v18 =	vadd.f32 v26, v20;
	v16 =	vld.idx.msk [tilespmem:v19+s10+$0x0], $0xffff;
	v19 =	vmul.f32 v29, v30  }
0x2c8: {  	s21 =	sadd.s32 $0x20, s21;
	v21 =	vmul.f32 v21, v28;
	v24 =	vmax.f32 v24, $0.0e+00;
	v20 =	vmul.f32 v27, v27  }
0x2c9: {  	v22 =	vadd.f32 v22, v7  }
0x2ca: {  	v23 =	vmax.f32 v23, $0.0e+00;
	v24 =	vmin.f32 v24, $1.025000000e+03  }
0x2cb: {  	v23 =	vmin.f32 v23, $1.025000000e+03;
	v25 =	vmul.f32 v20, v20;
	v22 =	vmul.f32 v22, v22  }
0x2cc: {  	v24 =	vtrunc.f32 v24;
	v23 =	vtrunc.f32 v23  }
0x2cd: {  	v24 =	vcvt.f32.s32 v24;
	v26 =	vmul.f32 v22, v22  }
0x2ce: {  	v23 =	vcvt.f32.s32 v23;
	v25 =	vmul.f32 v25, v25  }
0x2cf: {  	v27 =	vld.idx.msk [tilespmem:v12+s9+$0x0], $0xffff;
	v26 =	vmul.f32 v26, v26  }
0x2d0: {  	v28 =	vld.idx.msk [tilespmem:v13+s11+$0x0], $0xffff;
	v20 =	vmul.f32 v25, v20  }
0x2d1: {  	v13 =	vld.idx.msk [tilespmem:v13+s9+$0x0], $0xffff;
	(erf) = vrcp.f32 v21;
	v21 =	vmul.f32 v26, v22  }
0x2d2: {  	v12 =	vld.idx.msk [tilespmem:v12+s11+$0x0], $0xffff;
	(erf) = vrcp.f32 v20  }
0x2d3: {  	v22 =	vld.idx.msk [tilespmem:v24+s9+$0x0], $0xffff;
	(erf) = vrcp.f32 v21  }
0x2d4: {  	v20 =	vld.idx.msk [tilespmem:v23+s10+$0x0], $0xffff  }
0x2d5: {  	v26 =	vld.idx.msk [tilespmem:v23+s11+$0x0], $0xffff  }
0x2d6: {  	v21 =	vld.idx.msk [tilespmem:v24+s10+$0x0], $0xffff  }
0x2d7: {  	v8 =	vmul.f32 v14, v8;
	v23 =	vld.idx.msk [tilespmem:v23+s9+$0x0], $0xffff  }
0x2d8: {  	v9 =	vmul.f32 v16, v9;
	v25 =	vpop (erf);
	v14 =	vld.idx.msk [tilespmem:v24+s11+$0x0], $0xffff  }
0x2d9: {  	v18 =	vadd.f32 v19, v18;
	v8 =	vadd.f32 v8, v13;
	v17 =	vmul.f32 v25, v17;
	v24 =	vpop (erf)  }
0x2da: {  	v9 =	vadd.f32 v9, v27;
	v13 =	vmul.f32 v24, v28;
	v16 =	vpop (erf);
	v11 =	vmul.f32 v20, v11  }
0x2db: {  	v15 =	vadd.f32 v17, v15;
	v12 =	vmul.f32 v16, v12;
	v10 =	vmul.f32 v21, v10;
	v16 =	vpop (erf)  }
0x2dc: {  	[tilespmem:s19+$0xFFFFFFF0] =	vst v18;
	v8 =	vadd.f32 v13, v8;
	v11 =	vadd.f32 v11, v23;
	v13 =	vmul.f32 v16, v26;
	v16 =	vpop (erf)  }
0x2dd: {  	s18 =	sadd.s32 $0x20, s18;
	[tilespmem:s19+$0x0] =	vst v15;
	v9 =	vadd.f32 v12, v9;
	v10 =	vadd.f32 v10, v22;
	v12 =	vmul.f32 v16, v14  }
0x2de: {  	[tilespmem:s18+$0xFFFFFFF0] =	vst v8;
	v8 =	vadd.f32 v13, v11  }
0x2df: {  	s22 =	sadd.s32 $0x20, s18;
	[tilespmem:s18+$0x0] =	vst v9;
	v9 =	vadd.f32 v12, v10  }
0x2e0: {  	[tilespmem:s22+$0xFFFFFFF0] =	vst v8  }
0x2e1: {  	[tilespmem:s22+$0x0] =	vst v9  }
0x2e2: {  	s18 =	rddreg [dreg:$0x12]  }
0x2e3: {  	[hbm4b:s18+s1] =	stream.linear.scatter [tilespmem:s14], [sflag:$0x4], $0x4000, $0x38;
	[tilespmem:$0x11200] =	vst v63  }
0x2e4: {  	s19 =	rddreg [dreg:$0x13]  }
0x2e5: {  	[tilespmem:s6], [sflag:$0x2] =	stream.linear.gather [hbm4b:s19+s1], $0x4000, $0x38;
	[tilespmem:$0x11200] =	vst v63  }
0x2e6: {  	_ =	swait.ge [sflag:s8], $0x4000  }
0x2e7: {  	[sflag:s8] =	ssyncset.done $0x0  }
0x2e8: {  	[sflag:s8] =	ssyncadd.s32 $0xFFFFC000  }
0x2e9: {  	_ =	swait.ge [sflag:s15], $0x4000  }
0x2ea: {  	[sflag:s15] =	ssyncset.done $0x0  }
0x2eb: {  	s20 =	simm.s32 $0x1210;
	[sflag:s15] =	ssyncadd.s32 $0xFFFFC000  }
0x2ec: {  	v14 =	vld [tilespmem:s20+$0xFFFFFFF0];
	_ =	sdelay $0x2  }
0x2ed: {  	v15 =	vld [tilespmem:s20+$0x0];
	_ =	sdelay $0x1  }
0x2ee: {  	v8 =	vsub.f32 v14, v6;
	_ =	sdelay $0x1  }
0x2ef: {  	v9 =	vmul.f32 v14, v4;
	v8 =	vand.u32 $0x7FFFFFFF, v8  }
0x2f0: {  	v10 =	vsub.f32 v15, v6;
	v11 =	vmul.f32 v15, v4;
	v8 =	vmul.f32 $1.000000010e-01, v8  }
0x2f1: {  	v9 =	vadd.f32 v9, v5  }
0x2f2: {  	s21 =	simm.s32 $0x1230;
	v10 =	vand.u32 $0x7FFFFFFF, v10;
	v11 =	vadd.f32 v11, v5;
	v12 =	vadd.f32 v8, v7  }
0x2f3: {  	v10 =	vmul.f32 $1.000000010e-01, v10;
	v13 =	vmax.f32 v9, $0.0e+00;
	v8 =	vld [tilespmem:s21+$0xFFFFFFF0]  }
0x2f4: {  	v11 =	vmax.f32 v11, $0.0e+00;
	v9 =	vld [tilespmem:s21+$0x0];
	v13 =	vmin.f32 v13, $1.025000000e+03;
	v12 =	vmul.f32 v12, v12  }
0x2f5: {  	v11 =	vmin.f32 v11, $1.025000000e+03;
	v10 =	vadd.f32 v10, v7;
	v13 =	vtrunc.f32 v13  }
0x2f6: {  	v11 =	vtrunc.f32 v11;
	v16 =	vmul.f32 v12, v12  }
0x2f7: {  	v10 =	vmul.f32 v10, v10;
	v18 =	vcvt.f32.s32 v11  }
0x2f8: {  	v19 =	vcvt.f32.s32 v13;
	v17 =	vsub.f32 v8, v6;
	v16 =	vmul.f32 v16, v16  }
0x2f9: {  	v13 =	vmul.f32 v9, v4;
	v20 =	vmul.f32 v8, v4  }
0x2fa: {  	v11 =	vmul.f32 v16, v12;
	v12 =	vand.u32 $0x7FFFFFFF, v17;
	v16 =	vsub.f32 v9, v6  }
0x2fb: {  	v17 =	vmul.f32 v10, v10;
	v12 =	vmul.f32 $1.000000010e-01, v12  }
0x2fc: {  	(erf) = vrcp.f32 v11;
	v11 =	vadd.f32 v13, v5;
	v13 =	vand.u32 $0x7FFFFFFF, v16  }
0x2fd: {  	v16 =	vmul.f32 v17, v17;
	v17 =	vadd.f32 v20, v5;
	v12 =	vadd.f32 v12, v7  }
0x2fe: {  	v13 =	vmul.f32 $1.000000010e-01, v13  }
0x2ff: {  	s22 =	simm.s32 $0x1250;
	v20 =	vld.idx.msk [tilespmem:v18+s10+$0x0], $0xffff;
	v21 =	vmax.f32 v11, $0.0e+00;
	v17 =	vmax.f32 v17, $0.0e+00;
	v12 =	vmul.f32 v12, v12  }
0x300: {  	v16 =	vmul.f32 v16, v10;
	v11 =	vld [tilespmem:s22+$0xFFFFFFF0];
	v21 =	vmin.f32 v21, $1.025000000e+03;
	v17 =	vmin.f32 v17, $1.025000000e+03  }
0x301: {  	v10 =	vld [tilespmem:s22+$0x0];
	v13 =	vadd.f32 v13, v7;
	v17 =	vtrunc.f32 v17;
	v22 =	vmul.f32 v12, v12  }
0x302: {  	v21 =	vtrunc.f32 v21;
	(erf) = vrcp.f32 v16  }
0x303: {  	v23 =	vld.idx.msk [tilespmem:v18+s9+$0x0], $0xffff;
	v25 =	vmul.f32 v13, v13;
	v22 =	vmul.f32 v22, v22  }
0x304: {  	v24 =	vld.idx.msk [tilespmem:v19+s10+$0x0], $0xffff;
	v13 =	vcvt.f32.s32 v17;
	v15 =	vmul.f32 v20, v15  }
0x305: {  	v16 =	vld.idx.msk [tilespmem:v19+s11+$0x0], $0xffff;
	v17 =	vsub.f32 v11, v6;
	v26 =	vmul.f32 v25, v25;
	v22 =	vmul.f32 v22, v12  }
0x306: {  	v19 =	vld.idx.msk [tilespmem:v19+s9+$0x0], $0xffff;
	v20 =	vmul.f32 v10, v4;
	v12 =	vcvt.f32.s32 v21  }
0x307: {  	v21 =	vsub.f32 v10, v6;
	v17 =	vand.u32 $0x7FFFFFFF, v17;
	(erf) = vrcp.f32 v22  }
0x308: {  	v15 =	vadd.f32 v15, v23;
	v23 =	vmul.f32 v11, v4;
	v22 =	vmul.f32 $1.000000010e-01, v17  }
0x309: {  	v27 =	vadd.f32 v20, v5;
	v20 =	vmul.f32 v24, v14;
	v21 =	vand.u32 $0x7FFFFFFF, v21;
	v17 =	vld.idx.msk [tilespmem:v18+s11+$0x0], $0xffff  }
0x30a: {  	v24 =	vpop (erf);
	v63 =	vadd.f32 v22, v7;
	v22 =	vmul.f32 $1.000000010e-01, v21;
	v21 =	vmul.f32 v26, v26  }
0x30b: {  	s18 =	simm.s32 $0x9210;
	v23 =	vadd.f32 v23, v5;
	v14 =	vld.idx.msk [tilespmem:v13+s10+$0x0], $0xffff;
	v18 =	vadd.f32 v20, v19;
	v19 =	vmul.f32 v24, v16  }
0x30c: {  	s19 =	simm.s32 $0x9210;
	s20 =	simm.s32 $0x40;
	s21 =	simm.s32 $0x1270;
	v24 =	vmax.f32 v27, $0.0e+00;
	v16 =	vld.idx.msk [tilespmem:v12+s10+$0x0], $0xffff;
	v20 =	vmul.f32 v63, v63;
	v21 =	vmul.f32 v21, v25  }
.LBB2_20:
0x30d: {  	v25 =	vld [tilespmem:s21+$0xFFFFFFF0];
	s20 =	sadd.s32 $0x20, s20;
	v23 =	vmax.f32 v23, $0.0e+00;
	v24 =	vmin.f32 v24, $1.025000000e+03;
	v22 =	vadd.f32 v22, v7;
	s18 =	sadd.s32 $0x20, s18;
	v26 =	vpop (erf)  }
0x30e: {  	v27 =	vld [tilespmem:s21+$0x0];
	p0 =	slt.u32 s20, $0x3FE0;
	v23 =	vmin.f32 v23, $1.025000000e+03;
	v28 =	vmul.f32 v20, v20;
	v17 =	vmul.f32 v26, v17  }
0x30f: {  	v18 =	vadd.f32 v19, v18;
	v24 =	vtrunc.f32 v24;
	v23 =	vtrunc.f32 v23;
	v26 =	vld.idx.msk [tilespmem:v12+s9+$0x0], $0xffff  }
0x310: {  	v19 =	vmul.f32 v28, v28;
	v28 =	vmul.f32 v22, v22;
	v29 =	vpop (erf);
	v15 =	vadd.f32 v17, v15  }
0x311: {  	v23 =	vcvt.f32.s32 v23;
	v30 =	vld.idx.msk [tilespmem:v13+s11+$0x0], $0xffff;
	(erf) = vrcp.f32 v21;
	[tilespmem:s19+$0xFFFFFFF0] =	vst v18  }
0x312: {  	v17 =	vsub.f32 v25, v6;
	v18 =	vmul.f32 v19, v20;
	v19 =	vcvt.f32.s32 v24;
	v20 =	vld.idx.msk [tilespmem:v13+s9+$0x0], $0xffff;
	[tilespmem:s19+$0x0] =	vst v15;
	s19 =	smov.u32 s18  }
0x313: {  	v16 =	vmul.f32 v16, v9;
	v9 =	vmovc v10;
	v21 =	vmul.f32 v28, v28;
	v15 =	vsub.f32 v27, v6  }
0x314: {  	v13 =	vmovc v23;
	v24 =	vmul.f32 v27, v4;
	v10 =	vmovc v27;
	v22 =	vand.u32 $0x7FFFFFFF, v17;
	(erf) = vrcp.f32 v18;
	v17 =	vld.idx.msk [tilespmem:v12+s11+$0x0], $0xffff  }
.Ltmp9:
0x315: {  	v12 =	vmovc v19;
	v18 =	vmul.f32 $1.000000010e-01, v22;
	v22 =	vand.u32 $0x7FFFFFFF, v15;
	v15 =	vadd.f32 v16, v26;
	(pc) =	sbr.rel @p0 .LBB2_20-.Ltmp9, $4  }
0x316: {  	v16 =	vmul.f32 v25, v4;
	v24 =	vadd.f32 v24, v5;
	v26 =	vmul.f32 v14, v8;
	v8 =	vmovc v11  }
0x317: {  	v21 =	vmul.f32 v21, v21;
	v11 =	vmovc v25;
	v22 =	vmul.f32 $1.000000010e-01, v22;
	v27 =	vadd.f32 v18, v7;
	v14 =	vld.idx.msk [tilespmem:v23+s10+$0x0], $0xffff  }
0x318: {  	v23 =	vadd.f32 v16, v5;
	v18 =	vadd.f32 v26, v20;
	v16 =	vld.idx.msk [tilespmem:v19+s10+$0x0], $0xffff;
	v19 =	vmul.f32 v29, v30  }
0x319: {  	s21 =	sadd.s32 $0x20, s21;
	v21 =	vmul.f32 v21, v28;
	v24 =	vmax.f32 v24, $0.0e+00;
	v20 =	vmul.f32 v27, v27  }
0x31a: {  	v22 =	vadd.f32 v22, v7  }
0x31b: {  	v23 =	vmax.f32 v23, $0.0e+00;
	v24 =	vmin.f32 v24, $1.025000000e+03  }
0x31c: {  	v23 =	vmin.f32 v23, $1.025000000e+03;
	v25 =	vmul.f32 v20, v20;
	v22 =	vmul.f32 v22, v22  }
0x31d: {  	v24 =	vtrunc.f32 v24;
	v23 =	vtrunc.f32 v23  }
0x31e: {  	v24 =	vcvt.f32.s32 v24;
	v26 =	vmul.f32 v22, v22  }
0x31f: {  	v23 =	vcvt.f32.s32 v23;
	v25 =	vmul.f32 v25, v25  }
0x320: {  	v27 =	vld.idx.msk [tilespmem:v12+s9+$0x0], $0xffff;
	v26 =	vmul.f32 v26, v26  }
0x321: {  	v28 =	vld.idx.msk [tilespmem:v13+s11+$0x0], $0xffff;
	v20 =	vmul.f32 v25, v20  }
0x322: {  	v13 =	vld.idx.msk [tilespmem:v13+s9+$0x0], $0xffff;
	(erf) = vrcp.f32 v21;
	v21 =	vmul.f32 v26, v22  }
0x323: {  	v12 =	vld.idx.msk [tilespmem:v12+s11+$0x0], $0xffff;
	(erf) = vrcp.f32 v20  }
0x324: {  	v22 =	vld.idx.msk [tilespmem:v24+s9+$0x0], $0xffff;
	(erf) = vrcp.f32 v21  }
0x325: {  	v20 =	vld.idx.msk [tilespmem:v23+s10+$0x0], $0xffff  }
0x326: {  	v26 =	vld.idx.msk [tilespmem:v23+s11+$0x0], $0xffff  }
0x327: {  	v21 =	vld.idx.msk [tilespmem:v24+s10+$0x0], $0xffff  }
0x328: {  	v8 =	vmul.f32 v14, v8;
	v23 =	vld.idx.msk [tilespmem:v23+s9+$0x0], $0xffff  }
0x329: {  	v9 =	vmul.f32 v16, v9;
	v25 =	vpop (erf);
	v14 =	vld.idx.msk [tilespmem:v24+s11+$0x0], $0xffff  }
0x32a: {  	v18 =	vadd.f32 v19, v18;
	v8 =	vadd.f32 v8, v13;
	v17 =	vmul.f32 v25, v17;
	v24 =	vpop (erf)  }
0x32b: {  	v9 =	vadd.f32 v9, v27;
	v13 =	vmul.f32 v24, v28;
	v16 =	vpop (erf);
	v11 =	vmul.f32 v20, v11  }
0x32c: {  	v15 =	vadd.f32 v17, v15;
	v12 =	vmul.f32 v16, v12;
	v10 =	vmul.f32 v21, v10;
	v16 =	vpop (erf)  }
0x32d: {  	[tilespmem:s19+$0xFFFFFFF0] =	vst v18;
	v8 =	vadd.f32 v13, v8;
	v11 =	vadd.f32 v11, v23;
	v13 =	vmul.f32 v16, v26;
	v16 =	vpop (erf)  }
0x32e: {  	s18 =	sadd.s32 $0x20, s18;
	[tilespmem:s19+$0x0] =	vst v15;
	v9 =	vadd.f32 v12, v9;
	v10 =	vadd.f32 v10, v22;
	v12 =	vmul.f32 v16, v14  }
0x32f: {  	[tilespmem:s18+$0xFFFFFFF0] =	vst v8;
	v8 =	vadd.f32 v13, v11  }
0x330: {  	s22 =	sadd.s32 $0x20, s18;
	[tilespmem:s18+$0x0] =	vst v9;
	v9 =	vadd.f32 v12, v10  }
0x331: {  	[tilespmem:s22+$0xFFFFFFF0] =	vst v8  }
0x332: {  	[tilespmem:s22+$0x0] =	vst v9  }
0x333: {  	s18 =	rddreg [dreg:$0x14]  }
0x334: {  	[hbm4b:s18+s1] =	stream.linear.scatter [tilespmem:s12], [sflag:$0x3], $0x4000, $0x38;
	[tilespmem:$0x11200] =	vst v63  }
0x335: {  	s19 =	rddreg [dreg:$0x15]  }
0x336: {  	[tilespmem:s5], [sflag:$0x1] =	stream.linear.gather [hbm4b:s19+s1], $0x4000, $0x38;
	[tilespmem:$0x11200] =	vst v63  }
0x337: {  	_ =	swait.ge [sflag:s13], $0x4000  }
0x338: {  	[sflag:s13] =	ssyncset.done $0x0  }
0x339: {  	[sflag:s13] =	ssyncadd.s32 $0xFFFFC000  }
0x33a: {  	_ =	swait.ge [sflag:s16], $0x4000  }
0x33b: {  	[sflag:s16] =	ssyncset.done $0x0  }
0x33c: {  	s20 =	simm.s32 $0x5210;
	[sflag:s16] =	ssyncadd.s32 $0xFFFFC000  }
0x33d: {  	v14 =	vld [tilespmem:s20+$0xFFFFFFF0];
	_ =	sdelay $0x2  }
0x33e: {  	v15 =	vld [tilespmem:s20+$0x0];
	_ =	sdelay $0x1  }
0x33f: {  	v8 =	vsub.f32 v14, v6;
	_ =	sdelay $0x1  }
0x340: {  	v9 =	vmul.f32 v14, v4;
	v8 =	vand.u32 $0x7FFFFFFF, v8  }
0x341: {  	v10 =	vsub.f32 v15, v6;
	v11 =	vmul.f32 v15, v4;
	v8 =	vmul.f32 $1.000000010e-01, v8  }
0x342: {  	v9 =	vadd.f32 v9, v5  }
0x343: {  	s21 =	simm.s32 $0x5230;
	v10 =	vand.u32 $0x7FFFFFFF, v10;
	v11 =	vadd.f32 v11, v5;
	v12 =	vadd.f32 v8, v7  }
0x344: {  	v10 =	vmul.f32 $1.000000010e-01, v10;
	v13 =	vmax.f32 v9, $0.0e+00;
	v8 =	vld [tilespmem:s21+$0xFFFFFFF0]  }
0x345: {  	v11 =	vmax.f32 v11, $0.0e+00;
	v9 =	vld [tilespmem:s21+$0x0];
	v13 =	vmin.f32 v13, $1.025000000e+03;
	v12 =	vmul.f32 v12, v12  }
0x346: {  	v11 =	vmin.f32 v11, $1.025000000e+03;
	v10 =	vadd.f32 v10, v7;
	v13 =	vtrunc.f32 v13  }
0x347: {  	v11 =	vtrunc.f32 v11;
	v16 =	vmul.f32 v12, v12  }
0x348: {  	v10 =	vmul.f32 v10, v10;
	v18 =	vcvt.f32.s32 v11  }
0x349: {  	v19 =	vcvt.f32.s32 v13;
	v17 =	vsub.f32 v8, v6;
	v16 =	vmul.f32 v16, v16  }
0x34a: {  	v13 =	vmul.f32 v9, v4;
	v20 =	vmul.f32 v8, v4  }
0x34b: {  	v11 =	vmul.f32 v16, v12;
	v12 =	vand.u32 $0x7FFFFFFF, v17;
	v16 =	vsub.f32 v9, v6  }
0x34c: {  	v17 =	vmul.f32 v10, v10;
	v12 =	vmul.f32 $1.000000010e-01, v12  }
0x34d: {  	(erf) = vrcp.f32 v11;
	v11 =	vadd.f32 v13, v5;
	v13 =	vand.u32 $0x7FFFFFFF, v16  }
0x34e: {  	v16 =	vmul.f32 v17, v17;
	v17 =	vadd.f32 v20, v5;
	v12 =	vadd.f32 v12, v7  }
0x34f: {  	v13 =	vmul.f32 $1.000000010e-01, v13  }
0x350: {  	s22 =	simm.s32 $0x5250;
	v20 =	vld.idx.msk [tilespmem:v18+s10+$0x0], $0xffff;
	v21 =	vmax.f32 v11, $0.0e+00;
	v17 =	vmax.f32 v17, $0.0e+00;
	v12 =	vmul.f32 v12, v12  }
0x351: {  	v16 =	vmul.f32 v16, v10;
	v11 =	vld [tilespmem:s22+$0xFFFFFFF0];
	v21 =	vmin.f32 v21, $1.025000000e+03;
	v17 =	vmin.f32 v17, $1.025000000e+03  }
0x352: {  	v10 =	vld [tilespmem:s22+$0x0];
	v13 =	vadd.f32 v13, v7;
	v17 =	vtrunc.f32 v17;
	v22 =	vmul.f32 v12, v12  }
0x353: {  	v21 =	vtrunc.f32 v21;
	(erf) = vrcp.f32 v16  }
0x354: {  	v23 =	vld.idx.msk [tilespmem:v18+s9+$0x0], $0xffff;
	v25 =	vmul.f32 v13, v13;
	v22 =	vmul.f32 v22, v22  }
0x355: {  	v24 =	vld.idx.msk [tilespmem:v19+s10+$0x0], $0xffff;
	v13 =	vcvt.f32.s32 v17;
	v15 =	vmul.f32 v20, v15  }
0x356: {  	v16 =	vld.idx.msk [tilespmem:v19+s11+$0x0], $0xffff;
	v17 =	vsub.f32 v11, v6;
	v26 =	vmul.f32 v25, v25;
	v22 =	vmul.f32 v22, v12  }
0x357: {  	v19 =	vld.idx.msk [tilespmem:v19+s9+$0x0], $0xffff;
	v20 =	vmul.f32 v10, v4;
	v12 =	vcvt.f32.s32 v21  }
0x358: {  	v21 =	vsub.f32 v10, v6;
	v17 =	vand.u32 $0x7FFFFFFF, v17;
	(erf) = vrcp.f32 v22  }
0x359: {  	v15 =	vadd.f32 v15, v23;
	v23 =	vmul.f32 v11, v4;
	v22 =	vmul.f32 $1.000000010e-01, v17  }
0x35a: {  	v27 =	vadd.f32 v20, v5;
	v20 =	vmul.f32 v24, v14;
	v21 =	vand.u32 $0x7FFFFFFF, v21;
	v17 =	vld.idx.msk [tilespmem:v18+s11+$0x0], $0xffff  }
0x35b: {  	v24 =	vpop (erf);
	v63 =	vadd.f32 v22, v7;
	v22 =	vmul.f32 $1.000000010e-01, v21;
	v21 =	vmul.f32 v26, v26  }
0x35c: {  	s18 =	simm.s32 $0xD210;
	v23 =	vadd.f32 v23, v5;
	v14 =	vld.idx.msk [tilespmem:v13+s10+$0x0], $0xffff;
	v18 =	vadd.f32 v20, v19;
	v19 =	vmul.f32 v24, v16  }
0x35d: {  	s19 =	simm.s32 $0xD210;
	s20 =	simm.s32 $0x40;
	s21 =	simm.s32 $0x5270;
	v24 =	vmax.f32 v27, $0.0e+00;
	v16 =	vld.idx.msk [tilespmem:v12+s10+$0x0], $0xffff;
	v20 =	vmul.f32 v63, v63;
	v21 =	vmul.f32 v21, v25  }
.LBB2_22:
0x35e: {  	v25 =	vld [tilespmem:s21+$0xFFFFFFF0];
	s20 =	sadd.s32 $0x20, s20;
	v23 =	vmax.f32 v23, $0.0e+00;
	v24 =	vmin.f32 v24, $1.025000000e+03;
	v22 =	vadd.f32 v22, v7;
	s18 =	sadd.s32 $0x20, s18;
	v26 =	vpop (erf)  }
0x35f: {  	v27 =	vld [tilespmem:s21+$0x0];
	p0 =	slt.u32 s20, $0x3FE0;
	v23 =	vmin.f32 v23, $1.025000000e+03;
	v28 =	vmul.f32 v20, v20;
	v17 =	vmul.f32 v26, v17  }
0x360: {  	v18 =	vadd.f32 v19, v18;
	v24 =	vtrunc.f32 v24;
	v23 =	vtrunc.f32 v23;
	v26 =	vld.idx.msk [tilespmem:v12+s9+$0x0], $0xffff  }
0x361: {  	v19 =	vmul.f32 v28, v28;
	v28 =	vmul.f32 v22, v22;
	v29 =	vpop (erf);
	v15 =	vadd.f32 v17, v15  }
0x362: {  	v23 =	vcvt.f32.s32 v23;
	v30 =	vld.idx.msk [tilespmem:v13+s11+$0x0], $0xffff;
	(erf) = vrcp.f32 v21;
	[tilespmem:s19+$0xFFFFFFF0] =	vst v18  }
0x363: {  	v17 =	vsub.f32 v25, v6;
	v18 =	vmul.f32 v19, v20;
	v19 =	vcvt.f32.s32 v24;
	v20 =	vld.idx.msk [tilespmem:v13+s9+$0x0], $0xffff;
	[tilespmem:s19+$0x0] =	vst v15;
	s19 =	smov.u32 s18  }
0x364: {  	v16 =	vmul.f32 v16, v9;
	v9 =	vmovc v10;
	v21 =	vmul.f32 v28, v28;
	v15 =	vsub.f32 v27, v6  }
0x365: {  	v13 =	vmovc v23;
	v24 =	vmul.f32 v27, v4;
	v10 =	vmovc v27;
	v22 =	vand.u32 $0x7FFFFFFF, v17;
	(erf) = vrcp.f32 v18;
	v17 =	vld.idx.msk [tilespmem:v12+s11+$0x0], $0xffff  }
.Ltmp10:
0x366: {  	v12 =	vmovc v19;
	v18 =	vmul.f32 $1.000000010e-01, v22;
	v22 =	vand.u32 $0x7FFFFFFF, v15;
	v15 =	vadd.f32 v16, v26;
	(pc) =	sbr.rel @p0 .LBB2_22-.Ltmp10, $4  }
0x367: {  	v16 =	vmul.f32 v25, v4;
	v24 =	vadd.f32 v24, v5;
	v26 =	vmul.f32 v14, v8;
	v8 =	vmovc v11  }
0x368: {  	v21 =	vmul.f32 v21, v21;
	v11 =	vmovc v25;
	v22 =	vmul.f32 $1.000000010e-01, v22;
	v27 =	vadd.f32 v18, v7;
	v14 =	vld.idx.msk [tilespmem:v23+s10+$0x0], $0xffff  }
0x369: {  	v23 =	vadd.f32 v16, v5;
	v18 =	vadd.f32 v26, v20;
	v16 =	vld.idx.msk [tilespmem:v19+s10+$0x0], $0xffff;
	v19 =	vmul.f32 v29, v30  }
0x36a: {  	s21 =	sadd.s32 $0x20, s21;
	v21 =	vmul.f32 v21, v28;
	v24 =	vmax.f32 v24, $0.0e+00;
	v20 =	vmul.f32 v27, v27  }
0x36b: {  	v22 =	vadd.f32 v22, v7  }
0x36c: {  	v23 =	vmax.f32 v23, $0.0e+00;
	v24 =	vmin.f32 v24, $1.025000000e+03  }
0x36d: {  	v23 =	vmin.f32 v23, $1.025000000e+03;
	v25 =	vmul.f32 v20, v20;
	v22 =	vmul.f32 v22, v22  }
0x36e: {  	v24 =	vtrunc.f32 v24;
	v23 =	vtrunc.f32 v23  }
0x36f: {  	v24 =	vcvt.f32.s32 v24;
	v26 =	vmul.f32 v22, v22  }
0x370: {  	v23 =	vcvt.f32.s32 v23;
	v25 =	vmul.f32 v25, v25  }
0x371: {  	v27 =	vld.idx.msk [tilespmem:v12+s9+$0x0], $0xffff;
	v26 =	vmul.f32 v26, v26  }
0x372: {  	v28 =	vld.idx.msk [tilespmem:v13+s11+$0x0], $0xffff;
	v20 =	vmul.f32 v25, v20  }
0x373: {  	v13 =	vld.idx.msk [tilespmem:v13+s9+$0x0], $0xffff;
	(erf) = vrcp.f32 v21;
	v21 =	vmul.f32 v26, v22  }
0x374: {  	v12 =	vld.idx.msk [tilespmem:v12+s11+$0x0], $0xffff;
	(erf) = vrcp.f32 v20  }
0x375: {  	v22 =	vld.idx.msk [tilespmem:v24+s9+$0x0], $0xffff;
	(erf) = vrcp.f32 v21  }
0x376: {  	v20 =	vld.idx.msk [tilespmem:v23+s10+$0x0], $0xffff  }
0x377: {  	v26 =	vld.idx.msk [tilespmem:v23+s11+$0x0], $0xffff  }
0x378: {  	v21 =	vld.idx.msk [tilespmem:v24+s10+$0x0], $0xffff  }
0x379: {  	v8 =	vmul.f32 v14, v8;
	v23 =	vld.idx.msk [tilespmem:v23+s9+$0x0], $0xffff  }
0x37a: {  	v9 =	vmul.f32 v16, v9;
	v25 =	vpop (erf);
	v14 =	vld.idx.msk [tilespmem:v24+s11+$0x0], $0xffff  }
0x37b: {  	v18 =	vadd.f32 v19, v18;
	v8 =	vadd.f32 v8, v13;
	v17 =	vmul.f32 v25, v17;
	v24 =	vpop (erf)  }
0x37c: {  	v9 =	vadd.f32 v9, v27;
	v13 =	vmul.f32 v24, v28;
	v16 =	vpop (erf);
	v11 =	vmul.f32 v20, v11  }
0x37d: {  	v15 =	vadd.f32 v17, v15;
	v12 =	vmul.f32 v16, v12;
	v10 =	vmul.f32 v21, v10;
	v16 =	vpop (erf)  }
0x37e: {  	[tilespmem:s19+$0xFFFFFFF0] =	vst v18;
	v8 =	vadd.f32 v13, v8;
	v11 =	vadd.f32 v11, v23;
	v13 =	vmul.f32 v16, v26;
	v16 =	vpop (erf)  }
0x37f: {  	s18 =	sadd.s32 $0x20, s18;
	[tilespmem:s19+$0x0] =	vst v15;
	v9 =	vadd.f32 v12, v9;
	v10 =	vadd.f32 v10, v22;
	v12 =	vmul.f32 v16, v14  }
0x380: {  	[tilespmem:s18+$0xFFFFFFF0] =	vst v8;
	v8 =	vadd.f32 v13, v11  }
0x381: {  	s22 =	sadd.s32 $0x20, s18;
	[tilespmem:s18+$0x0] =	vst v9;
	v9 =	vadd.f32 v12, v10  }
0x382: {  	[tilespmem:s22+$0xFFFFFFF0] =	vst v8  }
0x383: {  	[tilespmem:s22+$0x0] =	vst v9  }
0x384: {  	s18 =	rddreg [dreg:$0x16]  }
0x385: {  	[hbm4b:s18+s1] =	stream.linear.scatter [tilespmem:s14], [sflag:$0x4], $0x4000, $0x38;
	[tilespmem:$0x11200] =	vst v63  }
0x386: {  	s19 =	rddreg [dreg:$0x18]  }
0x387: {  	[tilespmem:s6], [sflag:$0x2] =	stream.linear.gather [hbm4b:s19+s1], $0x4000, $0x38;
	[tilespmem:$0x11200] =	vst v63  }
0x388: {  	_ =	swait.ge [sflag:s8], $0x4000  }
0x389: {  	[sflag:s8] =	ssyncset.done $0x0  }
0x38a: {  	[sflag:s8] =	ssyncadd.s32 $0xFFFFC000  }
0x38b: {  	_ =	swait.ge [sflag:s15], $0x4000  }
0x38c: {  	[sflag:s15] =	ssyncset.done $0x0  }
0x38d: {  	s20 =	simm.s32 $0x1210;
	[sflag:s15] =	ssyncadd.s32 $0xFFFFC000  }
0x38e: {  	v14 =	vld [tilespmem:s20+$0xFFFFFFF0];
	_ =	sdelay $0x2  }
0x38f: {  	v15 =	vld [tilespmem:s20+$0x0];
	_ =	sdelay $0x1  }
0x390: {  	v8 =	vsub.f32 v14, v6;
	_ =	sdelay $0x1  }
0x391: {  	v9 =	vmul.f32 v14, v4;
	v8 =	vand.u32 $0x7FFFFFFF, v8  }
0x392: {  	v10 =	vsub.f32 v15, v6;
	v11 =	vmul.f32 v15, v4;
	v8 =	vmul.f32 $1.000000010e-01, v8  }
0x393: {  	v9 =	vadd.f32 v9, v5  }
0x394: {  	s21 =	simm.s32 $0x1230;
	v10 =	vand.u32 $0x7FFFFFFF, v10;
	v11 =	vadd.f32 v11, v5;
	v12 =	vadd.f32 v8, v7  }
0x395: {  	v10 =	vmul.f32 $1.000000010e-01, v10;
	v13 =	vmax.f32 v9, $0.0e+00;
	v8 =	vld [tilespmem:s21+$0xFFFFFFF0]  }
0x396: {  	v11 =	vmax.f32 v11, $0.0e+00;
	v9 =	vld [tilespmem:s21+$0x0];
	v13 =	vmin.f32 v13, $1.025000000e+03;
	v12 =	vmul.f32 v12, v12  }
0x397: {  	v11 =	vmin.f32 v11, $1.025000000e+03;
	v10 =	vadd.f32 v10, v7;
	v13 =	vtrunc.f32 v13  }
0x398: {  	v11 =	vtrunc.f32 v11;
	v16 =	vmul.f32 v12, v12  }
0x399: {  	v10 =	vmul.f32 v10, v10;
	v18 =	vcvt.f32.s32 v11  }
0x39a: {  	v19 =	vcvt.f32.s32 v13;
	v17 =	vsub.f32 v8, v6;
	v16 =	vmul.f32 v16, v16  }
0x39b: {  	v13 =	vmul.f32 v9, v4;
	v20 =	vmul.f32 v8, v4  }
0x39c: {  	v11 =	vmul.f32 v16, v12;
	v12 =	vand.u32 $0x7FFFFFFF, v17;
	v16 =	vsub.f32 v9, v6  }
0x39d: {  	v17 =	vmul.f32 v10, v10;
	v12 =	vmul.f32 $1.000000010e-01, v12  }
0x39e: {  	(erf) = vrcp.f32 v11;
	v11 =	vadd.f32 v13, v5;
	v13 =	vand.u32 $0x7FFFFFFF, v16  }
0x39f: {  	v16 =	vmul.f32 v17, v17;
	v17 =	vadd.f32 v20, v5;
	v12 =	vadd.f32 v12, v7  }
0x3a0: {  	v13 =	vmul.f32 $1.000000010e-01, v13  }
0x3a1: {  	s22 =	simm.s32 $0x1250;
	v20 =	vld.idx.msk [tilespmem:v18+s10+$0x0], $0xffff;
	v21 =	vmax.f32 v11, $0.0e+00;
	v17 =	vmax.f32 v17, $0.0e+00;
	v12 =	vmul.f32 v12, v12  }
0x3a2: {  	v16 =	vmul.f32 v16, v10;
	v11 =	vld [tilespmem:s22+$0xFFFFFFF0];
	v21 =	vmin.f32 v21, $1.025000000e+03;
	v17 =	vmin.f32 v17, $1.025000000e+03  }
0x3a3: {  	v10 =	vld [tilespmem:s22+$0x0];
	v13 =	vadd.f32 v13, v7;
	v17 =	vtrunc.f32 v17;
	v22 =	vmul.f32 v12, v12  }
0x3a4: {  	v21 =	vtrunc.f32 v21;
	(erf) = vrcp.f32 v16  }
0x3a5: {  	v23 =	vld.idx.msk [tilespmem:v18+s9+$0x0], $0xffff;
	v25 =	vmul.f32 v13, v13;
	v22 =	vmul.f32 v22, v22  }
0x3a6: {  	v24 =	vld.idx.msk [tilespmem:v19+s10+$0x0], $0xffff;
	v13 =	vcvt.f32.s32 v17;
	v15 =	vmul.f32 v20, v15  }
0x3a7: {  	v16 =	vld.idx.msk [tilespmem:v19+s11+$0x0], $0xffff;
	v17 =	vsub.f32 v11, v6;
	v26 =	vmul.f32 v25, v25;
	v22 =	vmul.f32 v22, v12  }
0x3a8: {  	v19 =	vld.idx.msk [tilespmem:v19+s9+$0x0], $0xffff;
	v20 =	vmul.f32 v10, v4;
	v12 =	vcvt.f32.s32 v21  }
0x3a9: {  	v21 =	vsub.f32 v10, v6;
	v17 =	vand.u32 $0x7FFFFFFF, v17;
	(erf) = vrcp.f32 v22  }
0x3aa: {  	v15 =	vadd.f32 v15, v23;
	v23 =	vmul.f32 v11, v4;
	v22 =	vmul.f32 $1.000000010e-01, v17  }
0x3ab: {  	v27 =	vadd.f32 v20, v5;
	v20 =	vmul.f32 v24, v14;
	v21 =	vand.u32 $0x7FFFFFFF, v21;
	v17 =	vld.idx.msk [tilespmem:v18+s11+$0x0], $0xffff  }
0x3ac: {  	v24 =	vpop (erf);
	v63 =	vadd.f32 v22, v7;
	v22 =	vmul.f32 $1.000000010e-01, v21;
	v21 =	vmul.f32 v26, v26  }
0x3ad: {  	s18 =	simm.s32 $0x9210;
	v23 =	vadd.f32 v23, v5;
	v14 =	vld.idx.msk [tilespmem:v13+s10+$0x0], $0xffff;
	v18 =	vadd.f32 v20, v19;
	v19 =	vmul.f32 v24, v16  }
0x3ae: {  	s19 =	simm.s32 $0x9210;
	s20 =	simm.s32 $0x40;
	s21 =	simm.s32 $0x1270;
	v24 =	vmax.f32 v27, $0.0e+00;
	v16 =	vld.idx.msk [tilespmem:v12+s10+$0x0], $0xffff;
	v20 =	vmul.f32 v63, v63;
	v21 =	vmul.f32 v21, v25  }
.LBB2_24:
0x3af: {  	v25 =	vld [tilespmem:s21+$0xFFFFFFF0];
	s20 =	sadd.s32 $0x20, s20;
	v23 =	vmax.f32 v23, $0.0e+00;
	v24 =	vmin.f32 v24, $1.025000000e+03;
	v22 =	vadd.f32 v22, v7;
	s18 =	sadd.s32 $0x20, s18;
	v26 =	vpop (erf)  }
0x3b0: {  	v27 =	vld [tilespmem:s21+$0x0];
	p0 =	slt.u32 s20, $0x3FE0;
	v23 =	vmin.f32 v23, $1.025000000e+03;
	v28 =	vmul.f32 v20, v20;
	v17 =	vmul.f32 v26, v17  }
0x3b1: {  	v18 =	vadd.f32 v19, v18;
	v24 =	vtrunc.f32 v24;
	v23 =	vtrunc.f32 v23;
	v26 =	vld.idx.msk [tilespmem:v12+s9+$0x0], $0xffff  }
0x3b2: {  	v19 =	vmul.f32 v28, v28;
	v28 =	vmul.f32 v22, v22;
	v29 =	vpop (erf);
	v15 =	vadd.f32 v17, v15  }
0x3b3: {  	v23 =	vcvt.f32.s32 v23;
	v30 =	vld.idx.msk [tilespmem:v13+s11+$0x0], $0xffff;
	(erf) = vrcp.f32 v21;
	[tilespmem:s19+$0xFFFFFFF0] =	vst v18  }
0x3b4: {  	v17 =	vsub.f32 v25, v6;
	v18 =	vmul.f32 v19, v20;
	v19 =	vcvt.f32.s32 v24;
	v20 =	vld.idx.msk [tilespmem:v13+s9+$0x0], $0xffff;
	[tilespmem:s19+$0x0] =	vst v15;
	s19 =	smov.u32 s18  }
0x3b5: {  	v16 =	vmul.f32 v16, v9;
	v9 =	vmovc v10;
	v21 =	vmul.f32 v28, v28;
	v15 =	vsub.f32 v27, v6  }
0x3b6: {  	v13 =	vmovc v23;
	v24 =	vmul.f32 v27, v4;
	v10 =	vmovc v27;
	v22 =	vand.u32 $0x7FFFFFFF, v17;
	(erf) = vrcp.f32 v18;
	v17 =	vld.idx.msk [tilespmem:v12+s11+$0x0], $0xffff  }
.Ltmp11:
0x3b7: {  	v12 =	vmovc v19;
	v18 =	vmul.f32 $1.000000010e-01, v22;
	v22 =	vand.u32 $0x7FFFFFFF, v15;
	v15 =	vadd.f32 v16, v26;
	(pc) =	sbr.rel @p0 .LBB2_24-.Ltmp11, $4  }
0x3b8: {  	v16 =	vmul.f32 v25, v4;
	v24 =	vadd.f32 v24, v5;
	v26 =	vmul.f32 v14, v8;
	v8 =	vmovc v11  }
0x3b9: {  	v21 =	vmul.f32 v21, v21;
	v11 =	vmovc v25;
	v22 =	vmul.f32 $1.000000010e-01, v22;
	v27 =	vadd.f32 v18, v7;
	v14 =	vld.idx.msk [tilespmem:v23+s10+$0x0], $0xffff  }
0x3ba: {  	v23 =	vadd.f32 v16, v5;
	v18 =	vadd.f32 v26, v20;
	v16 =	vld.idx.msk [tilespmem:v19+s10+$0x0], $0xffff;
	v19 =	vmul.f32 v29, v30  }
0x3bb: {  	s21 =	sadd.s32 $0x20, s21;
	v21 =	vmul.f32 v21, v28;
	v24 =	vmax.f32 v24, $0.0e+00;
	v20 =	vmul.f32 v27, v27  }
0x3bc: {  	v22 =	vadd.f32 v22, v7  }
0x3bd: {  	v23 =	vmax.f32 v23, $0.0e+00;
	v24 =	vmin.f32 v24, $1.025000000e+03  }
0x3be: {  	v23 =	vmin.f32 v23, $1.025000000e+03;
	v25 =	vmul.f32 v20, v20;
	v22 =	vmul.f32 v22, v22  }
0x3bf: {  	v24 =	vtrunc.f32 v24;
	v23 =	vtrunc.f32 v23  }
0x3c0: {  	v24 =	vcvt.f32.s32 v24;
	v26 =	vmul.f32 v22, v22  }
0x3c1: {  	v23 =	vcvt.f32.s32 v23;
	v25 =	vmul.f32 v25, v25  }
0x3c2: {  	v27 =	vld.idx.msk [tilespmem:v12+s9+$0x0], $0xffff;
	v26 =	vmul.f32 v26, v26  }
0x3c3: {  	v28 =	vld.idx.msk [tilespmem:v13+s11+$0x0], $0xffff;
	v20 =	vmul.f32 v25, v20  }
0x3c4: {  	v13 =	vld.idx.msk [tilespmem:v13+s9+$0x0], $0xffff;
	(erf) = vrcp.f32 v21;
	v21 =	vmul.f32 v26, v22  }
0x3c5: {  	v12 =	vld.idx.msk [tilespmem:v12+s11+$0x0], $0xffff;
	(erf) = vrcp.f32 v20  }
0x3c6: {  	v22 =	vld.idx.msk [tilespmem:v24+s9+$0x0], $0xffff;
	(erf) = vrcp.f32 v21  }
0x3c7: {  	v20 =	vld.idx.msk [tilespmem:v23+s10+$0x0], $0xffff  }
0x3c8: {  	v26 =	vld.idx.msk [tilespmem:v23+s11+$0x0], $0xffff  }
0x3c9: {  	v21 =	vld.idx.msk [tilespmem:v24+s10+$0x0], $0xffff  }
0x3ca: {  	v8 =	vmul.f32 v14, v8;
	v23 =	vld.idx.msk [tilespmem:v23+s9+$0x0], $0xffff  }
0x3cb: {  	v9 =	vmul.f32 v16, v9;
	v25 =	vpop (erf);
	v14 =	vld.idx.msk [tilespmem:v24+s11+$0x0], $0xffff  }
0x3cc: {  	v18 =	vadd.f32 v19, v18;
	v8 =	vadd.f32 v8, v13;
	v17 =	vmul.f32 v25, v17;
	v24 =	vpop (erf)  }
0x3cd: {  	v9 =	vadd.f32 v9, v27;
	v13 =	vmul.f32 v24, v28;
	v16 =	vpop (erf);
	v11 =	vmul.f32 v20, v11  }
0x3ce: {  	v15 =	vadd.f32 v17, v15;
	v12 =	vmul.f32 v16, v12;
	v10 =	vmul.f32 v21, v10;
	v16 =	vpop (erf)  }
0x3cf: {  	[tilespmem:s19+$0xFFFFFFF0] =	vst v18;
	v8 =	vadd.f32 v13, v8;
	v11 =	vadd.f32 v11, v23;
	v13 =	vmul.f32 v16, v26;
	v16 =	vpop (erf)  }
0x3d0: {  	s18 =	sadd.s32 $0x20, s18;
	[tilespmem:s19+$0x0] =	vst v15;
	v9 =	vadd.f32 v12, v9;
	v10 =	vadd.f32 v10, v22;
	v12 =	vmul.f32 v16, v14  }
0x3d1: {  	[tilespmem:s18+$0xFFFFFFF0] =	vst v8;
	v8 =	vadd.f32 v13, v11  }
0x3d2: {  	s22 =	sadd.s32 $0x20, s18;
	[tilespmem:s18+$0x0] =	vst v9;
	v9 =	vadd.f32 v12, v10  }
0x3d3: {  	[tilespmem:s22+$0xFFFFFFF0] =	vst v8  }
0x3d4: {  	[tilespmem:s22+$0x0] =	vst v9  }
0x3d5: {  	s18 =	rddreg [dreg:$0x17]  }
0x3d6: {  	[hbm4b:s18+s1] =	stream.linear.scatter [tilespmem:s12], [sflag:$0x3], $0x4000, $0x38;
	[tilespmem:$0x11200] =	vst v63  }
0x3d7: {  	_ = 	snop  }
0x3d8: {  	[tilespmem:s5], [sflag:$0x1] =	stream.linear.gather [hbm4b:s24+s1], $0x4000, $0x38;
	[tilespmem:$0x11200] =	vst v63  }
0x3d9: {  	_ =	swait.ge [sflag:s13], $0x4000  }
0x3da: {  	[sflag:s13] =	ssyncset.done $0x0  }
0x3db: {  	[sflag:s13] =	ssyncadd.s32 $0xFFFFC000  }
0x3dc: {  	_ =	swait.ge [sflag:s16], $0x4000  }
0x3dd: {  	[sflag:s16] =	ssyncset.done $0x0  }
0x3de: {  	s20 =	simm.s32 $0x5210;
	[sflag:s16] =	ssyncadd.s32 $0xFFFFC000  }
0x3df: {  	v14 =	vld [tilespmem:s20+$0xFFFFFFF0];
	_ =	sdelay $0x2  }
0x3e0: {  	v15 =	vld [tilespmem:s20+$0x0];
	_ =	sdelay $0x1  }
0x3e1: {  	v8 =	vsub.f32 v14, v6;
	_ =	sdelay $0x1  }
0x3e2: {  	v9 =	vmul.f32 v14, v4;
	v8 =	vand.u32 $0x7FFFFFFF, v8  }
0x3e3: {  	v10 =	vsub.f32 v15, v6;
	v11 =	vmul.f32 v15, v4;
	v8 =	vmul.f32 $1.000000010e-01, v8  }
0x3e4: {  	v9 =	vadd.f32 v9, v5  }
0x3e5: {  	s21 =	simm.s32 $0x5230;
	v10 =	vand.u32 $0x7FFFFFFF, v10;
	v11 =	vadd.f32 v11, v5;
	v12 =	vadd.f32 v8, v7  }
0x3e6: {  	v10 =	vmul.f32 $1.000000010e-01, v10;
	v13 =	vmax.f32 v9, $0.0e+00;
	v8 =	vld [tilespmem:s21+$0xFFFFFFF0]  }
0x3e7: {  	v11 =	vmax.f32 v11, $0.0e+00;
	v9 =	vld [tilespmem:s21+$0x0];
	v13 =	vmin.f32 v13, $1.025000000e+03;
	v12 =	vmul.f32 v12, v12  }
0x3e8: {  	v11 =	vmin.f32 v11, $1.025000000e+03;
	v10 =	vadd.f32 v10, v7;
	v13 =	vtrunc.f32 v13  }
0x3e9: {  	v11 =	vtrunc.f32 v11;
	v16 =	vmul.f32 v12, v12  }
0x3ea: {  	v10 =	vmul.f32 v10, v10;
	v18 =	vcvt.f32.s32 v11  }
0x3eb: {  	v19 =	vcvt.f32.s32 v13;
	v17 =	vsub.f32 v8, v6;
	v16 =	vmul.f32 v16, v16  }
0x3ec: {  	v13 =	vmul.f32 v9, v4;
	v20 =	vmul.f32 v8, v4  }
0x3ed: {  	v11 =	vmul.f32 v16, v12;
	v12 =	vand.u32 $0x7FFFFFFF, v17;
	v16 =	vsub.f32 v9, v6  }
0x3ee: {  	v17 =	vmul.f32 v10, v10;
	v12 =	vmul.f32 $1.000000010e-01, v12  }
0x3ef: {  	(erf) = vrcp.f32 v11;
	v11 =	vadd.f32 v13, v5;
	v13 =	vand.u32 $0x7FFFFFFF, v16  }
0x3f0: {  	v16 =	vmul.f32 v17, v17;
	v17 =	vadd.f32 v20, v5;
	v12 =	vadd.f32 v12, v7  }
0x3f1: {  	v13 =	vmul.f32 $1.000000010e-01, v13  }
0x3f2: {  	s22 =	simm.s32 $0x5250;
	v20 =	vld.idx.msk [tilespmem:v18+s10+$0x0], $0xffff;
	v21 =	vmax.f32 v11, $0.0e+00;
	v17 =	vmax.f32 v17, $0.0e+00;
	v12 =	vmul.f32 v12, v12  }
0x3f3: {  	v16 =	vmul.f32 v16, v10;
	v11 =	vld [tilespmem:s22+$0xFFFFFFF0];
	v21 =	vmin.f32 v21, $1.025000000e+03;
	v17 =	vmin.f32 v17, $1.025000000e+03  }
0x3f4: {  	v10 =	vld [tilespmem:s22+$0x0];
	v13 =	vadd.f32 v13, v7;
	v17 =	vtrunc.f32 v17;
	v22 =	vmul.f32 v12, v12  }
0x3f5: {  	v21 =	vtrunc.f32 v21;
	(erf) = vrcp.f32 v16  }
0x3f6: {  	v23 =	vld.idx.msk [tilespmem:v18+s9+$0x0], $0xffff;
	v25 =	vmul.f32 v13, v13;
	v22 =	vmul.f32 v22, v22  }
0x3f7: {  	v24 =	vld.idx.msk [tilespmem:v19+s10+$0x0], $0xffff;
	v13 =	vcvt.f32.s32 v17;
	v15 =	vmul.f32 v20, v15  }
0x3f8: {  	v16 =	vld.idx.msk [tilespmem:v19+s11+$0x0], $0xffff;
	v17 =	vsub.f32 v11, v6;
	v26 =	vmul.f32 v25, v25;
	v22 =	vmul.f32 v22, v12  }
0x3f9: {  	v19 =	vld.idx.msk [tilespmem:v19+s9+$0x0], $0xffff;
	v20 =	vmul.f32 v10, v4;
	v12 =	vcvt.f32.s32 v21  }
0x3fa: {  	v21 =	vsub.f32 v10, v6;
	v17 =	vand.u32 $0x7FFFFFFF, v17;
	(erf) = vrcp.f32 v22  }
0x3fb: {  	v15 =	vadd.f32 v15, v23;
	v23 =	vmul.f32 v11, v4;
	v22 =	vmul.f32 $1.000000010e-01, v17  }
0x3fc: {  	v27 =	vadd.f32 v20, v5;
	v20 =	vmul.f32 v24, v14;
	v21 =	vand.u32 $0x7FFFFFFF, v21;
	v17 =	vld.idx.msk [tilespmem:v18+s11+$0x0], $0xffff  }
0x3fd: {  	v24 =	vpop (erf);
	v63 =	vadd.f32 v22, v7;
	v22 =	vmul.f32 $1.000000010e-01, v21;
	v21 =	vmul.f32 v26, v26  }
0x3fe: {  	s19 =	simm.s32 $0xD210;
	v23 =	vadd.f32 v23, v5;
	v14 =	vld.idx.msk [tilespmem:v13+s10+$0x0], $0xffff;
	v18 =	vadd.f32 v20, v19;
	v19 =	vmul.f32 v24, v16  }
0x3ff: {  	s18 =	simm.s32 $0xD210;
	s20 =	simm.s32 $0x40;
	s21 =	simm.s32 $0x5270;
	v24 =	vmax.f32 v27, $0.0e+00;
	v16 =	vld.idx.msk [tilespmem:v12+s10+$0x0], $0xffff;
	v20 =	vmul.f32 v63, v63;
	v21 =	vmul.f32 v21, v25  }
.LBB2_26:
0x400: {  	v25 =	vld [tilespmem:s21+$0xFFFFFFF0];
	s20 =	sadd.s32 $0x20, s20;
	v23 =	vmax.f32 v23, $0.0e+00;
	v24 =	vmin.f32 v24, $1.025000000e+03;
	v22 =	vadd.f32 v22, v7;
	s18 =	sadd.s32 $0x20, s18;
	v26 =	vpop (erf)  }
0x401: {  	v27 =	vld [tilespmem:s21+$0x0];
	p0 =	slt.u32 s20, $0x3FE0;
	v23 =	vmin.f32 v23, $1.025000000e+03;
	v28 =	vmul.f32 v20, v20;
	v17 =	vmul.f32 v26, v17  }
0x402: {  	v18 =	vadd.f32 v19, v18;
	v24 =	vtrunc.f32 v24;
	v23 =	vtrunc.f32 v23;
	v26 =	vld.idx.msk [tilespmem:v12+s9+$0x0], $0xffff  }
0x403: {  	v19 =	vmul.f32 v28, v28;
	v28 =	vmul.f32 v22, v22;
	v29 =	vpop (erf);
	v15 =	vadd.f32 v17, v15  }
0x404: {  	v23 =	vcvt.f32.s32 v23;
	v30 =	vld.idx.msk [tilespmem:v13+s11+$0x0], $0xffff;
	(erf) = vrcp.f32 v21;
	[tilespmem:s19+$0xFFFFFFF0] =	vst v18  }
0x405: {  	v17 =	vsub.f32 v25, v6;
	v18 =	vmul.f32 v19, v20;
	v19 =	vcvt.f32.s32 v24;
	v20 =	vld.idx.msk [tilespmem:v13+s9+$0x0], $0xffff;
	[tilespmem:s19+$0x0] =	vst v15;
	s19 =	smov.u32 s18  }
0x406: {  	v16 =	vmul.f32 v16, v9;
	v9 =	vmovc v10;
	v21 =	vmul.f32 v28, v28;
	v15 =	vsub.f32 v27, v6  }
0x407: {  	v13 =	vmovc v23;
	v24 =	vmul.f32 v27, v4;
	v10 =	vmovc v27;
	v22 =	vand.u32 $0x7FFFFFFF, v17;
	(erf) = vrcp.f32 v18;
	v17 =	vld.idx.msk [tilespmem:v12+s11+$0x0], $0xffff  }
.Ltmp12:
0x408: {  	v12 =	vmovc v19;
	v18 =	vmul.f32 $1.000000010e-01, v22;
	v22 =	vand.u32 $0x7FFFFFFF, v15;
	v15 =	vadd.f32 v16, v26;
	(pc) =	sbr.rel @p0 .LBB2_26-.Ltmp12, $4  }
0x409: {  	v16 =	vmul.f32 v25, v4;
	v24 =	vadd.f32 v24, v5;
	v26 =	vmul.f32 v14, v8;
	v8 =	vmovc v11  }
0x40a: {  	v21 =	vmul.f32 v21, v21;
	v11 =	vmovc v25;
	v22 =	vmul.f32 $1.000000010e-01, v22;
	v27 =	vadd.f32 v18, v7;
	v14 =	vld.idx.msk [tilespmem:v23+s10+$0x0], $0xffff  }
0x40b: {  	v23 =	vadd.f32 v16, v5;
	v18 =	vadd.f32 v26, v20;
	v16 =	vld.idx.msk [tilespmem:v19+s10+$0x0], $0xffff;
	v19 =	vmul.f32 v29, v30  }
0x40c: {  	s21 =	sadd.s32 $0x20, s21;
	v21 =	vmul.f32 v21, v28;
	v24 =	vmax.f32 v24, $0.0e+00;
	v20 =	vmul.f32 v27, v27  }
0x40d: {  	v22 =	vadd.f32 v22, v7  }
0x40e: {  	v23 =	vmax.f32 v23, $0.0e+00;
	v24 =	vmin.f32 v24, $1.025000000e+03  }
0x40f: {  	v23 =	vmin.f32 v23, $1.025000000e+03;
	v25 =	vmul.f32 v20, v20;
	v22 =	vmul.f32 v22, v22  }
0x410: {  	v24 =	vtrunc.f32 v24;
	v23 =	vtrunc.f32 v23  }
0x411: {  	v24 =	vcvt.f32.s32 v24;
	v26 =	vmul.f32 v22, v22  }
0x412: {  	v23 =	vcvt.f32.s32 v23;
	v25 =	vmul.f32 v25, v25  }
0x413: {  	v27 =	vld.idx.msk [tilespmem:v12+s9+$0x0], $0xffff;
	v26 =	vmul.f32 v26, v26  }
0x414: {  	v28 =	vld.idx.msk [tilespmem:v13+s11+$0x0], $0xffff;
	v20 =	vmul.f32 v25, v20  }
0x415: {  	v13 =	vld.idx.msk [tilespmem:v13+s9+$0x0], $0xffff;
	(erf) = vrcp.f32 v21;
	v21 =	vmul.f32 v26, v22  }
0x416: {  	v12 =	vld.idx.msk [tilespmem:v12+s11+$0x0], $0xffff;
	(erf) = vrcp.f32 v20  }
0x417: {  	v22 =	vld.idx.msk [tilespmem:v24+s9+$0x0], $0xffff;
	(erf) = vrcp.f32 v21  }
0x418: {  	v20 =	vld.idx.msk [tilespmem:v23+s10+$0x0], $0xffff  }
0x419: {  	v26 =	vld.idx.msk [tilespmem:v23+s11+$0x0], $0xffff  }
0x41a: {  	v21 =	vld.idx.msk [tilespmem:v24+s10+$0x0], $0xffff  }
0x41b: {  	v8 =	vmul.f32 v14, v8;
	v23 =	vld.idx.msk [tilespmem:v23+s9+$0x0], $0xffff  }
0x41c: {  	v9 =	vmul.f32 v16, v9;
	v25 =	vpop (erf);
	v14 =	vld.idx.msk [tilespmem:v24+s11+$0x0], $0xffff  }
0x41d: {  	v18 =	vadd.f32 v19, v18;
	v8 =	vadd.f32 v8, v13;
	v17 =	vmul.f32 v25, v17;
	v24 =	vpop (erf)  }
0x41e: {  	v9 =	vadd.f32 v9, v27;
	v13 =	vmul.f32 v24, v28;
	v16 =	vpop (erf);
	v11 =	vmul.f32 v20, v11  }
0x41f: {  	v15 =	vadd.f32 v17, v15;
	v12 =	vmul.f32 v16, v12;
	v10 =	vmul.f32 v21, v10;
	v16 =	vpop (erf)  }
0x420: {  	[tilespmem:s19+$0xFFFFFFF0] =	vst v18;
	v8 =	vadd.f32 v13, v8;
	v11 =	vadd.f32 v11, v23;
	v13 =	vmul.f32 v16, v26;
	v16 =	vpop (erf)  }
0x421: {  	s18 =	sadd.s32 $0x20, s18;
	[tilespmem:s19+$0x0] =	vst v15;
	v9 =	vadd.f32 v12, v9;
	v10 =	vadd.f32 v10, v22;
	v12 =	vmul.f32 v16, v14  }
0x422: {  	[tilespmem:s18+$0xFFFFFFF0] =	vst v8;
	v8 =	vadd.f32 v13, v11  }
0x423: {  	s22 =	sadd.s32 $0x20, s18;
	[tilespmem:s18+$0x0] =	vst v9;
	v9 =	vadd.f32 v12, v10  }
0x424: {  	[tilespmem:s22+$0xFFFFFFF0] =	vst v8  }
0x425: {  	[tilespmem:s22+$0x0] =	vst v9  }
0x426: {  	[hbm4b:s23+s1] =	stream.linear.scatter [tilespmem:s14], [sflag:$0x4], $0x4000, $0x38;
	[tilespmem:$0x11200] =	vst v63  }
0x427: {  	_ = 	snop  }
0x428: {  	[tilespmem:s6], [sflag:$0x2] =	stream.linear.gather [hbm4b:s26+s1], $0x4000, $0x38;
	[tilespmem:$0x11200] =	vst v63  }
0x429: {  	_ =	swait.ge [sflag:s8], $0x4000  }
0x42a: {  	[sflag:s8] =	ssyncset.done $0x0  }
0x42b: {  	[sflag:s8] =	ssyncadd.s32 $0xFFFFC000  }
0x42c: {  	_ =	swait.ge [sflag:s15], $0x4000  }
0x42d: {  	[sflag:s15] =	ssyncset.done $0x0  }
0x42e: {  	s20 =	simm.s32 $0x1210;
	[sflag:s15] =	ssyncadd.s32 $0xFFFFC000  }
0x42f: {  	v14 =	vld [tilespmem:s20+$0xFFFFFFF0];
	_ =	sdelay $0x2  }
0x430: {  	v15 =	vld [tilespmem:s20+$0x0];
	_ =	sdelay $0x1  }
0x431: {  	v8 =	vsub.f32 v14, v6;
	_ =	sdelay $0x1  }
0x432: {  	v9 =	vmul.f32 v14, v4;
	v8 =	vand.u32 $0x7FFFFFFF, v8  }
0x433: {  	v10 =	vsub.f32 v15, v6;
	v11 =	vmul.f32 v15, v4;
	v8 =	vmul.f32 $1.000000010e-01, v8  }
0x434: {  	v9 =	vadd.f32 v9, v5  }
0x435: {  	s21 =	simm.s32 $0x1230;
	v10 =	vand.u32 $0x7FFFFFFF, v10;
	v11 =	vadd.f32 v11, v5;
	v12 =	vadd.f32 v8, v7  }
0x436: {  	v10 =	vmul.f32 $1.000000010e-01, v10;
	v13 =	vmax.f32 v9, $0.0e+00;
	v8 =	vld [tilespmem:s21+$0xFFFFFFF0]  }
0x437: {  	v11 =	vmax.f32 v11, $0.0e+00;
	v9 =	vld [tilespmem:s21+$0x0];
	v13 =	vmin.f32 v13, $1.025000000e+03;
	v12 =	vmul.f32 v12, v12  }
0x438: {  	v11 =	vmin.f32 v11, $1.025000000e+03;
	v10 =	vadd.f32 v10, v7;
	v13 =	vtrunc.f32 v13  }
0x439: {  	v11 =	vtrunc.f32 v11;
	v16 =	vmul.f32 v12, v12  }
0x43a: {  	v10 =	vmul.f32 v10, v10;
	v18 =	vcvt.f32.s32 v11  }
0x43b: {  	v19 =	vcvt.f32.s32 v13;
	v17 =	vsub.f32 v8, v6;
	v16 =	vmul.f32 v16, v16  }
0x43c: {  	v13 =	vmul.f32 v9, v4;
	v20 =	vmul.f32 v8, v4  }
0x43d: {  	v11 =	vmul.f32 v16, v12;
	v12 =	vand.u32 $0x7FFFFFFF, v17;
	v16 =	vsub.f32 v9, v6  }
0x43e: {  	v17 =	vmul.f32 v10, v10;
	v12 =	vmul.f32 $1.000000010e-01, v12  }
0x43f: {  	(erf) = vrcp.f32 v11;
	v11 =	vadd.f32 v13, v5;
	v13 =	vand.u32 $0x7FFFFFFF, v16  }
0x440: {  	v16 =	vmul.f32 v17, v17;
	v17 =	vadd.f32 v20, v5;
	v12 =	vadd.f32 v12, v7  }
0x441: {  	v13 =	vmul.f32 $1.000000010e-01, v13  }
0x442: {  	s22 =	simm.s32 $0x1250;
	v20 =	vld.idx.msk [tilespmem:v18+s10+$0x0], $0xffff;
	v21 =	vmax.f32 v11, $0.0e+00;
	v17 =	vmax.f32 v17, $0.0e+00;
	v12 =	vmul.f32 v12, v12  }
0x443: {  	v16 =	vmul.f32 v16, v10;
	v11 =	vld [tilespmem:s22+$0xFFFFFFF0];
	v21 =	vmin.f32 v21, $1.025000000e+03;
	v17 =	vmin.f32 v17, $1.025000000e+03  }
0x444: {  	v10 =	vld [tilespmem:s22+$0x0];
	v13 =	vadd.f32 v13, v7;
	v17 =	vtrunc.f32 v17;
	v22 =	vmul.f32 v12, v12  }
0x445: {  	v21 =	vtrunc.f32 v21;
	(erf) = vrcp.f32 v16  }
0x446: {  	v23 =	vld.idx.msk [tilespmem:v18+s9+$0x0], $0xffff;
	v25 =	vmul.f32 v13, v13;
	v22 =	vmul.f32 v22, v22  }
0x447: {  	v24 =	vld.idx.msk [tilespmem:v19+s10+$0x0], $0xffff;
	v13 =	vcvt.f32.s32 v17;
	v15 =	vmul.f32 v20, v15  }
0x448: {  	v16 =	vld.idx.msk [tilespmem:v19+s11+$0x0], $0xffff;
	v17 =	vsub.f32 v11, v6;
	v26 =	vmul.f32 v25, v25;
	v22 =	vmul.f32 v22, v12  }
0x449: {  	v19 =	vld.idx.msk [tilespmem:v19+s9+$0x0], $0xffff;
	v20 =	vmul.f32 v10, v4;
	v12 =	vcvt.f32.s32 v21  }
0x44a: {  	v21 =	vsub.f32 v10, v6;
	v17 =	vand.u32 $0x7FFFFFFF, v17;
	(erf) = vrcp.f32 v22  }
0x44b: {  	v15 =	vadd.f32 v15, v23;
	v23 =	vmul.f32 v11, v4;
	v22 =	vmul.f32 $1.000000010e-01, v17  }
0x44c: {  	v27 =	vadd.f32 v20, v5;
	v20 =	vmul.f32 v24, v14;
	v21 =	vand.u32 $0x7FFFFFFF, v21;
	v17 =	vld.idx.msk [tilespmem:v18+s11+$0x0], $0xffff  }
0x44d: {  	v24 =	vpop (erf);
	v63 =	vadd.f32 v22, v7;
	v22 =	vmul.f32 $1.000000010e-01, v21;
	v21 =	vmul.f32 v26, v26  }
0x44e: {  	s19 =	simm.s32 $0x9210;
	v23 =	vadd.f32 v23, v5;
	v14 =	vld.idx.msk [tilespmem:v13+s10+$0x0], $0xffff;
	v18 =	vadd.f32 v20, v19;
	v19 =	vmul.f32 v24, v16  }
0x44f: {  	s18 =	simm.s32 $0x9210;
	s20 =	simm.s32 $0x40;
	s21 =	simm.s32 $0x1270;
	v24 =	vmax.f32 v27, $0.0e+00;
	v16 =	vld.idx.msk [tilespmem:v12+s10+$0x0], $0xffff;
	v20 =	vmul.f32 v63, v63;
	v21 =	vmul.f32 v21, v25  }
.LBB2_28:
0x450: {  	v25 =	vld [tilespmem:s21+$0xFFFFFFF0];
	s20 =	sadd.s32 $0x20, s20;
	v23 =	vmax.f32 v23, $0.0e+00;
	v24 =	vmin.f32 v24, $1.025000000e+03;
	v22 =	vadd.f32 v22, v7;
	s18 =	sadd.s32 $0x20, s18;
	v26 =	vpop (erf)  }
0x451: {  	v27 =	vld [tilespmem:s21+$0x0];
	p0 =	slt.u32 s20, $0x3FE0;
	v23 =	vmin.f32 v23, $1.025000000e+03;
	v28 =	vmul.f32 v20, v20;
	v17 =	vmul.f32 v26, v17  }
0x452: {  	v18 =	vadd.f32 v19, v18;
	v24 =	vtrunc.f32 v24;
	v23 =	vtrunc.f32 v23;
	v26 =	vld.idx.msk [tilespmem:v12+s9+$0x0], $0xffff  }
0x453: {  	v19 =	vmul.f32 v28, v28;
	v28 =	vmul.f32 v22, v22;
	v29 =	vpop (erf);
	v15 =	vadd.f32 v17, v15  }
0x454: {  	v23 =	vcvt.f32.s32 v23;
	v30 =	vld.idx.msk [tilespmem:v13+s11+$0x0], $0xffff;
	(erf) = vrcp.f32 v21;
	[tilespmem:s19+$0xFFFFFFF0] =	vst v18  }
0x455: {  	v17 =	vsub.f32 v25, v6;
	v18 =	vmul.f32 v19, v20;
	v19 =	vcvt.f32.s32 v24;
	v20 =	vld.idx.msk [tilespmem:v13+s9+$0x0], $0xffff;
	[tilespmem:s19+$0x0] =	vst v15;
	s19 =	smov.u32 s18  }
0x456: {  	v16 =	vmul.f32 v16, v9;
	v9 =	vmovc v10;
	v21 =	vmul.f32 v28, v28;
	v15 =	vsub.f32 v27, v6  }
0x457: {  	v13 =	vmovc v23;
	v24 =	vmul.f32 v27, v4;
	v10 =	vmovc v27;
	v22 =	vand.u32 $0x7FFFFFFF, v17;
	(erf) = vrcp.f32 v18;
	v17 =	vld.idx.msk [tilespmem:v12+s11+$0x0], $0xffff  }
.Ltmp13:
0x458: {  	v12 =	vmovc v19;
	v18 =	vmul.f32 $1.000000010e-01, v22;
	v22 =	vand.u32 $0x7FFFFFFF, v15;
	v15 =	vadd.f32 v16, v26;
	(pc) =	sbr.rel @p0 .LBB2_28-.Ltmp13, $4  }
0x459: {  	v16 =	vmul.f32 v25, v4;
	v24 =	vadd.f32 v24, v5;
	v26 =	vmul.f32 v14, v8;
	v8 =	vmovc v11  }
0x45a: {  	v21 =	vmul.f32 v21, v21;
	v11 =	vmovc v25;
	v22 =	vmul.f32 $1.000000010e-01, v22;
	v27 =	vadd.f32 v18, v7;
	v14 =	vld.idx.msk [tilespmem:v23+s10+$0x0], $0xffff  }
0x45b: {  	v23 =	vadd.f32 v16, v5;
	v18 =	vadd.f32 v26, v20;
	v16 =	vld.idx.msk [tilespmem:v19+s10+$0x0], $0xffff;
	v19 =	vmul.f32 v29, v30  }
0x45c: {  	s21 =	sadd.s32 $0x20, s21;
	v21 =	vmul.f32 v21, v28;
	v24 =	vmax.f32 v24, $0.0e+00;
	v20 =	vmul.f32 v27, v27  }
0x45d: {  	v22 =	vadd.f32 v22, v7  }
0x45e: {  	v23 =	vmax.f32 v23, $0.0e+00;
	v24 =	vmin.f32 v24, $1.025000000e+03  }
0x45f: {  	v23 =	vmin.f32 v23, $1.025000000e+03;
	v25 =	vmul.f32 v20, v20;
	v22 =	vmul.f32 v22, v22  }
0x460: {  	v24 =	vtrunc.f32 v24;
	v23 =	vtrunc.f32 v23  }
0x461: {  	v24 =	vcvt.f32.s32 v24;
	v26 =	vmul.f32 v22, v22  }
0x462: {  	v23 =	vcvt.f32.s32 v23;
	v25 =	vmul.f32 v25, v25  }
0x463: {  	v27 =	vld.idx.msk [tilespmem:v12+s9+$0x0], $0xffff;
	v26 =	vmul.f32 v26, v26  }
0x464: {  	v28 =	vld.idx.msk [tilespmem:v13+s11+$0x0], $0xffff;
	v20 =	vmul.f32 v25, v20  }
0x465: {  	v13 =	vld.idx.msk [tilespmem:v13+s9+$0x0], $0xffff;
	(erf) = vrcp.f32 v21;
	v21 =	vmul.f32 v26, v22  }
0x466: {  	v12 =	vld.idx.msk [tilespmem:v12+s11+$0x0], $0xffff;
	(erf) = vrcp.f32 v20  }
0x467: {  	v22 =	vld.idx.msk [tilespmem:v24+s9+$0x0], $0xffff;
	(erf) = vrcp.f32 v21  }
0x468: {  	v20 =	vld.idx.msk [tilespmem:v23+s10+$0x0], $0xffff  }
0x469: {  	v26 =	vld.idx.msk [tilespmem:v23+s11+$0x0], $0xffff  }
0x46a: {  	v21 =	vld.idx.msk [tilespmem:v24+s10+$0x0], $0xffff  }
0x46b: {  	v8 =	vmul.f32 v14, v8;
	v23 =	vld.idx.msk [tilespmem:v23+s9+$0x0], $0xffff  }
0x46c: {  	v9 =	vmul.f32 v16, v9;
	v25 =	vpop (erf);
	v14 =	vld.idx.msk [tilespmem:v24+s11+$0x0], $0xffff  }
0x46d: {  	v18 =	vadd.f32 v19, v18;
	v8 =	vadd.f32 v8, v13;
	v17 =	vmul.f32 v25, v17;
	v24 =	vpop (erf)  }
0x46e: {  	v9 =	vadd.f32 v9, v27;
	v13 =	vmul.f32 v24, v28;
	v16 =	vpop (erf);
	v11 =	vmul.f32 v20, v11  }
0x46f: {  	v15 =	vadd.f32 v17, v15;
	v12 =	vmul.f32 v16, v12;
	v10 =	vmul.f32 v21, v10;
	v16 =	vpop (erf)  }
0x470: {  	[tilespmem:s19+$0xFFFFFFF0] =	vst v18;
	v8 =	vadd.f32 v13, v8;
	v11 =	vadd.f32 v11, v23;
	v13 =	vmul.f32 v16, v26;
	v16 =	vpop (erf)  }
0x471: {  	s18 =	sadd.s32 $0x20, s18;
	[tilespmem:s19+$0x0] =	vst v15;
	v9 =	vadd.f32 v12, v9;
	v10 =	vadd.f32 v10, v22;
	v12 =	vmul.f32 v16, v14  }
0x472: {  	[tilespmem:s18+$0xFFFFFFF0] =	vst v8;
	v8 =	vadd.f32 v13, v11  }
0x473: {  	s22 =	sadd.s32 $0x20, s18;
	[tilespmem:s18+$0x0] =	vst v9;
	v9 =	vadd.f32 v12, v10  }
0x474: {  	[tilespmem:s22+$0xFFFFFFF0] =	vst v8  }
0x475: {  	[tilespmem:s22+$0x0] =	vst v9  }
0x476: {  	[hbm4b:s25+s1] =	stream.linear.scatter [tilespmem:s12], [sflag:$0x3], $0x4000, $0x38;
	[tilespmem:$0x11200] =	vst v63  }
0x477: {  	_ = 	snop  }
0x478: {  	[tilespmem:s5], [sflag:$0x1] =	stream.linear.gather [hbm4b:s31+s1], $0x4000, $0x38;
	[tilespmem:$0x11200] =	vst v63  }
0x479: {  	_ =	swait.ge [sflag:s13], $0x4000  }
0x47a: {  	[sflag:s13] =	ssyncset.done $0x0  }
0x47b: {  	[sflag:s13] =	ssyncadd.s32 $0xFFFFC000  }
0x47c: {  	_ =	swait.ge [sflag:s16], $0x4000  }
0x47d: {  	[sflag:s16] =	ssyncset.done $0x0  }
0x47e: {  	s20 =	simm.s32 $0x5210;
	[sflag:s16] =	ssyncadd.s32 $0xFFFFC000  }
0x47f: {  	v14 =	vld [tilespmem:s20+$0xFFFFFFF0];
	_ =	sdelay $0x2  }
0x480: {  	v15 =	vld [tilespmem:s20+$0x0];
	_ =	sdelay $0x1  }
0x481: {  	v8 =	vsub.f32 v14, v6;
	_ =	sdelay $0x1  }
0x482: {  	v9 =	vmul.f32 v14, v4;
	v8 =	vand.u32 $0x7FFFFFFF, v8  }
0x483: {  	v10 =	vsub.f32 v15, v6;
	v11 =	vmul.f32 v15, v4;
	v8 =	vmul.f32 $1.000000010e-01, v8  }
0x484: {  	v9 =	vadd.f32 v9, v5  }
0x485: {  	s21 =	simm.s32 $0x5230;
	v10 =	vand.u32 $0x7FFFFFFF, v10;
	v11 =	vadd.f32 v11, v5;
	v12 =	vadd.f32 v8, v7  }
0x486: {  	v10 =	vmul.f32 $1.000000010e-01, v10;
	v13 =	vmax.f32 v9, $0.0e+00;
	v8 =	vld [tilespmem:s21+$0xFFFFFFF0]  }
0x487: {  	v11 =	vmax.f32 v11, $0.0e+00;
	v9 =	vld [tilespmem:s21+$0x0];
	v13 =	vmin.f32 v13, $1.025000000e+03;
	v12 =	vmul.f32 v12, v12  }
0x488: {  	v11 =	vmin.f32 v11, $1.025000000e+03;
	v10 =	vadd.f32 v10, v7;
	v13 =	vtrunc.f32 v13  }
0x489: {  	v11 =	vtrunc.f32 v11;
	v16 =	vmul.f32 v12, v12  }
0x48a: {  	v10 =	vmul.f32 v10, v10;
	v18 =	vcvt.f32.s32 v11  }
0x48b: {  	v19 =	vcvt.f32.s32 v13;
	v17 =	vsub.f32 v8, v6;
	v16 =	vmul.f32 v16, v16  }
0x48c: {  	v13 =	vmul.f32 v9, v4;
	v20 =	vmul.f32 v8, v4  }
0x48d: {  	v11 =	vmul.f32 v16, v12;
	v12 =	vand.u32 $0x7FFFFFFF, v17;
	v16 =	vsub.f32 v9, v6  }
0x48e: {  	v17 =	vmul.f32 v10, v10;
	v12 =	vmul.f32 $1.000000010e-01, v12  }
0x48f: {  	(erf) = vrcp.f32 v11;
	v11 =	vadd.f32 v13, v5;
	v13 =	vand.u32 $0x7FFFFFFF, v16  }
0x490: {  	v16 =	vmul.f32 v17, v17;
	v17 =	vadd.f32 v20, v5;
	v12 =	vadd.f32 v12, v7  }
0x491: {  	v13 =	vmul.f32 $1.000000010e-01, v13  }
0x492: {  	s22 =	simm.s32 $0x5250;
	v20 =	vld.idx.msk [tilespmem:v18+s10+$0x0], $0xffff;
	v21 =	vmax.f32 v11, $0.0e+00;
	v17 =	vmax.f32 v17, $0.0e+00;
	v12 =	vmul.f32 v12, v12  }
0x493: {  	v16 =	vmul.f32 v16, v10;
	v11 =	vld [tilespmem:s22+$0xFFFFFFF0];
	v21 =	vmin.f32 v21, $1.025000000e+03;
	v17 =	vmin.f32 v17, $1.025000000e+03  }
0x494: {  	v10 =	vld [tilespmem:s22+$0x0];
	v13 =	vadd.f32 v13, v7;
	v17 =	vtrunc.f32 v17;
	v22 =	vmul.f32 v12, v12  }
0x495: {  	v21 =	vtrunc.f32 v21;
	(erf) = vrcp.f32 v16  }
0x496: {  	v23 =	vld.idx.msk [tilespmem:v18+s9+$0x0], $0xffff;
	v25 =	vmul.f32 v13, v13;
	v22 =	vmul.f32 v22, v22  }
0x497: {  	v24 =	vld.idx.msk [tilespmem:v19+s10+$0x0], $0xffff;
	v13 =	vcvt.f32.s32 v17;
	v15 =	vmul.f32 v20, v15  }
0x498: {  	v16 =	vld.idx.msk [tilespmem:v19+s11+$0x0], $0xffff;
	v17 =	vsub.f32 v11, v6;
	v26 =	vmul.f32 v25, v25;
	v22 =	vmul.f32 v22, v12  }
0x499: {  	v19 =	vld.idx.msk [tilespmem:v19+s9+$0x0], $0xffff;
	v20 =	vmul.f32 v10, v4;
	v12 =	vcvt.f32.s32 v21  }
0x49a: {  	v21 =	vsub.f32 v10, v6;
	v17 =	vand.u32 $0x7FFFFFFF, v17;
	(erf) = vrcp.f32 v22  }
0x49b: {  	v15 =	vadd.f32 v15, v23;
	v23 =	vmul.f32 v11, v4;
	v22 =	vmul.f32 $1.000000010e-01, v17  }
0x49c: {  	v27 =	vadd.f32 v20, v5;
	v20 =	vmul.f32 v24, v14;
	v21 =	vand.u32 $0x7FFFFFFF, v21;
	v17 =	vld.idx.msk [tilespmem:v18+s11+$0x0], $0xffff  }
0x49d: {  	v24 =	vpop (erf);
	v63 =	vadd.f32 v22, v7;
	v22 =	vmul.f32 $1.000000010e-01, v21;
	v21 =	vmul.f32 v26, v26  }
0x49e: {  	s19 =	simm.s32 $0xD210;
	v23 =	vadd.f32 v23, v5;
	v14 =	vld.idx.msk [tilespmem:v13+s10+$0x0], $0xffff;
	v18 =	vadd.f32 v20, v19;
	v19 =	vmul.f32 v24, v16  }
0x49f: {  	s18 =	simm.s32 $0xD210;
	s20 =	simm.s32 $0x40;
	s21 =	simm.s32 $0x5270;
	v24 =	vmax.f32 v27, $0.0e+00;
	v16 =	vld.idx.msk [tilespmem:v12+s10+$0x0], $0xffff;
	v20 =	vmul.f32 v63, v63;
	v21 =	vmul.f32 v21, v25  }
.LBB2_30:
0x4a0: {  	v25 =	vld [tilespmem:s21+$0xFFFFFFF0];
	s20 =	sadd.s32 $0x20, s20;
	v23 =	vmax.f32 v23, $0.0e+00;
	v24 =	vmin.f32 v24, $1.025000000e+03;
	v22 =	vadd.f32 v22, v7;
	s18 =	sadd.s32 $0x20, s18;
	v26 =	vpop (erf)  }
0x4a1: {  	v27 =	vld [tilespmem:s21+$0x0];
	p0 =	slt.u32 s20, $0x3FE0;
	v23 =	vmin.f32 v23, $1.025000000e+03;
	v28 =	vmul.f32 v20, v20;
	v17 =	vmul.f32 v26, v17  }
0x4a2: {  	v18 =	vadd.f32 v19, v18;
	v24 =	vtrunc.f32 v24;
	v23 =	vtrunc.f32 v23;
	v26 =	vld.idx.msk [tilespmem:v12+s9+$0x0], $0xffff  }
0x4a3: {  	v19 =	vmul.f32 v28, v28;
	v28 =	vmul.f32 v22, v22;
	v29 =	vpop (erf);
	v15 =	vadd.f32 v17, v15  }
0x4a4: {  	v23 =	vcvt.f32.s32 v23;
	v30 =	vld.idx.msk [tilespmem:v13+s11+$0x0], $0xffff;
	(erf) = vrcp.f32 v21;
	[tilespmem:s19+$0xFFFFFFF0] =	vst v18  }
0x4a5: {  	v17 =	vsub.f32 v25, v6;
	v18 =	vmul.f32 v19, v20;
	v19 =	vcvt.f32.s32 v24;
	v20 =	vld.idx.msk [tilespmem:v13+s9+$0x0], $0xffff;
	[tilespmem:s19+$0x0] =	vst v15;
	s19 =	smov.u32 s18  }
0x4a6: {  	v16 =	vmul.f32 v16, v9;
	v9 =	vmovc v10;
	v21 =	vmul.f32 v28, v28;
	v15 =	vsub.f32 v27, v6  }
0x4a7: {  	v13 =	vmovc v23;
	v24 =	vmul.f32 v27, v4;
	v10 =	vmovc v27;
	v22 =	vand.u32 $0x7FFFFFFF, v17;
	(erf) = vrcp.f32 v18;
	v17 =	vld.idx.msk [tilespmem:v12+s11+$0x0], $0xffff  }
.Ltmp14:
0x4a8: {  	v12 =	vmovc v19;
	v18 =	vmul.f32 $1.000000010e-01, v22;
	v22 =	vand.u32 $0x7FFFFFFF, v15;
	v15 =	vadd.f32 v16, v26;
	(pc) =	sbr.rel @p0 .LBB2_30-.Ltmp14, $4  }
0x4a9: {  	v16 =	vmul.f32 v25, v4;
	v24 =	vadd.f32 v24, v5;
	v26 =	vmul.f32 v14, v8;
	v8 =	vmovc v11  }
0x4aa: {  	v21 =	vmul.f32 v21, v21;
	v11 =	vmovc v25;
	v22 =	vmul.f32 $1.000000010e-01, v22;
	v27 =	vadd.f32 v18, v7;
	v14 =	vld.idx.msk [tilespmem:v23+s10+$0x0], $0xffff  }
0x4ab: {  	v23 =	vadd.f32 v16, v5;
	v18 =	vadd.f32 v26, v20;
	v16 =	vld.idx.msk [tilespmem:v19+s10+$0x0], $0xffff;
	v19 =	vmul.f32 v29, v30  }
0x4ac: {  	s21 =	sadd.s32 $0x20, s21;
	v21 =	vmul.f32 v21, v28;
	v24 =	vmax.f32 v24, $0.0e+00;
	v20 =	vmul.f32 v27, v27  }
0x4ad: {  	v22 =	vadd.f32 v22, v7  }
0x4ae: {  	v23 =	vmax.f32 v23, $0.0e+00;
	v24 =	vmin.f32 v24, $1.025000000e+03  }
0x4af: {  	v23 =	vmin.f32 v23, $1.025000000e+03;
	v25 =	vmul.f32 v20, v20;
	v22 =	vmul.f32 v22, v22  }
0x4b0: {  	v24 =	vtrunc.f32 v24;
	v23 =	vtrunc.f32 v23  }
0x4b1: {  	v24 =	vcvt.f32.s32 v24;
	v26 =	vmul.f32 v22, v22  }
0x4b2: {  	v23 =	vcvt.f32.s32 v23;
	v25 =	vmul.f32 v25, v25  }
0x4b3: {  	v27 =	vld.idx.msk [tilespmem:v12+s9+$0x0], $0xffff;
	v26 =	vmul.f32 v26, v26  }
0x4b4: {  	v28 =	vld.idx.msk [tilespmem:v13+s11+$0x0], $0xffff;
	v20 =	vmul.f32 v25, v20  }
0x4b5: {  	v13 =	vld.idx.msk [tilespmem:v13+s9+$0x0], $0xffff;
	(erf) = vrcp.f32 v21;
	v21 =	vmul.f32 v26, v22  }
0x4b6: {  	v12 =	vld.idx.msk [tilespmem:v12+s11+$0x0], $0xffff;
	(erf) = vrcp.f32 v20  }
0x4b7: {  	v22 =	vld.idx.msk [tilespmem:v24+s9+$0x0], $0xffff;
	(erf) = vrcp.f32 v21  }
0x4b8: {  	v20 =	vld.idx.msk [tilespmem:v23+s10+$0x0], $0xffff  }
0x4b9: {  	v26 =	vld.idx.msk [tilespmem:v23+s11+$0x0], $0xffff  }
0x4ba: {  	v21 =	vld.idx.msk [tilespmem:v24+s10+$0x0], $0xffff  }
0x4bb: {  	v8 =	vmul.f32 v14, v8;
	v23 =	vld.idx.msk [tilespmem:v23+s9+$0x0], $0xffff  }
0x4bc: {  	v9 =	vmul.f32 v16, v9;
	v25 =	vpop (erf);
	v14 =	vld.idx.msk [tilespmem:v24+s11+$0x0], $0xffff  }
0x4bd: {  	v18 =	vadd.f32 v19, v18;
	v8 =	vadd.f32 v8, v13;
	v17 =	vmul.f32 v25, v17;
	v24 =	vpop (erf)  }
0x4be: {  	v9 =	vadd.f32 v9, v27;
	v13 =	vmul.f32 v24, v28;
	v16 =	vpop (erf);
	v11 =	vmul.f32 v20, v11  }
0x4bf: {  	v15 =	vadd.f32 v17, v15;
	v12 =	vmul.f32 v16, v12;
	v10 =	vmul.f32 v21, v10;
	v16 =	vpop (erf)  }
0x4c0: {  	[tilespmem:s19+$0xFFFFFFF0] =	vst v18;
	v8 =	vadd.f32 v13, v8;
	v11 =	vadd.f32 v11, v23;
	v13 =	vmul.f32 v16, v26;
	v16 =	vpop (erf)  }
0x4c1: {  	s18 =	sadd.s32 $0x20, s18;
	[tilespmem:s19+$0x0] =	vst v15;
	v9 =	vadd.f32 v12, v9;
	v10 =	vadd.f32 v10, v22;
	v12 =	vmul.f32 v16, v14  }
0x4c2: {  	[tilespmem:s18+$0xFFFFFFF0] =	vst v8;
	v8 =	vadd.f32 v13, v11  }
0x4c3: {  	s22 =	sadd.s32 $0x20, s18;
	[tilespmem:s18+$0x0] =	vst v9;
	v9 =	vadd.f32 v12, v10  }
0x4c4: {  	[tilespmem:s22+$0xFFFFFFF0] =	vst v8  }
0x4c5: {  	[tilespmem:s22+$0x0] =	vst v9  }
0x4c6: {  	[hbm4b:s28+s1] =	stream.linear.scatter [tilespmem:s14], [sflag:$0x4], $0x4000, $0x38;
	[tilespmem:$0x11200] =	vst v63  }
0x4c7: {  	_ = 	snop  }
0x4c8: {  	[tilespmem:s6], [sflag:$0x2] =	stream.linear.gather [hbm4b:s0+s1], $0x4000, $0x38;
	[tilespmem:$0x11200] =	vst v63  }
0x4c9: {  	_ =	swait.ge [sflag:s8], $0x4000  }
0x4ca: {  	[sflag:s8] =	ssyncset.done $0x0  }
0x4cb: {  	[sflag:s8] =	ssyncadd.s32 $0xFFFFC000  }
0x4cc: {  	_ =	swait.ge [sflag:s15], $0x4000  }
0x4cd: {  	[sflag:s15] =	ssyncset.done $0x0  }
0x4ce: {  	s20 =	simm.s32 $0x1210;
	[sflag:s15] =	ssyncadd.s32 $0xFFFFC000  }
0x4cf: {  	v14 =	vld [tilespmem:s20+$0xFFFFFFF0];
	_ =	sdelay $0x2  }
0x4d0: {  	v15 =	vld [tilespmem:s20+$0x0];
	_ =	sdelay $0x1  }
0x4d1: {  	v8 =	vsub.f32 v14, v6;
	_ =	sdelay $0x1  }
0x4d2: {  	v9 =	vmul.f32 v14, v4;
	v8 =	vand.u32 $0x7FFFFFFF, v8  }
0x4d3: {  	v10 =	vsub.f32 v15, v6;
	v11 =	vmul.f32 v15, v4;
	v8 =	vmul.f32 $1.000000010e-01, v8  }
0x4d4: {  	v9 =	vadd.f32 v9, v5  }
0x4d5: {  	s21 =	simm.s32 $0x1230;
	v10 =	vand.u32 $0x7FFFFFFF, v10;
	v11 =	vadd.f32 v11, v5;
	v12 =	vadd.f32 v8, v7  }
0x4d6: {  	v10 =	vmul.f32 $1.000000010e-01, v10;
	v13 =	vmax.f32 v9, $0.0e+00;
	v8 =	vld [tilespmem:s21+$0xFFFFFFF0]  }
0x4d7: {  	v11 =	vmax.f32 v11, $0.0e+00;
	v9 =	vld [tilespmem:s21+$0x0];
	v13 =	vmin.f32 v13, $1.025000000e+03;
	v12 =	vmul.f32 v12, v12  }
0x4d8: {  	v11 =	vmin.f32 v11, $1.025000000e+03;
	v10 =	vadd.f32 v10, v7;
	v13 =	vtrunc.f32 v13  }
0x4d9: {  	v11 =	vtrunc.f32 v11;
	v16 =	vmul.f32 v12, v12  }
0x4da: {  	v10 =	vmul.f32 v10, v10;
	v18 =	vcvt.f32.s32 v11  }
0x4db: {  	v19 =	vcvt.f32.s32 v13;
	v17 =	vsub.f32 v8, v6;
	v16 =	vmul.f32 v16, v16  }
0x4dc: {  	v13 =	vmul.f32 v9, v4;
	v20 =	vmul.f32 v8, v4  }
0x4dd: {  	v11 =	vmul.f32 v16, v12;
	v12 =	vand.u32 $0x7FFFFFFF, v17;
	v16 =	vsub.f32 v9, v6  }
0x4de: {  	v17 =	vmul.f32 v10, v10;
	v12 =	vmul.f32 $1.000000010e-01, v12  }
0x4df: {  	(erf) = vrcp.f32 v11;
	v11 =	vadd.f32 v13, v5;
	v13 =	vand.u32 $0x7FFFFFFF, v16  }
0x4e0: {  	v16 =	vmul.f32 v17, v17;
	v17 =	vadd.f32 v20, v5;
	v12 =	vadd.f32 v12, v7  }
0x4e1: {  	v13 =	vmul.f32 $1.000000010e-01, v13  }
0x4e2: {  	s22 =	simm.s32 $0x1250;
	v20 =	vld.idx.msk [tilespmem:v18+s10+$0x0], $0xffff;
	v21 =	vmax.f32 v11, $0.0e+00;
	v17 =	vmax.f32 v17, $0.0e+00;
	v12 =	vmul.f32 v12, v12  }
0x4e3: {  	v16 =	vmul.f32 v16, v10;
	v11 =	vld [tilespmem:s22+$0xFFFFFFF0];
	v21 =	vmin.f32 v21, $1.025000000e+03;
	v17 =	vmin.f32 v17, $1.025000000e+03  }
0x4e4: {  	v10 =	vld [tilespmem:s22+$0x0];
	v13 =	vadd.f32 v13, v7;
	v17 =	vtrunc.f32 v17;
	v22 =	vmul.f32 v12, v12  }
0x4e5: {  	v21 =	vtrunc.f32 v21;
	(erf) = vrcp.f32 v16  }
0x4e6: {  	v23 =	vld.idx.msk [tilespmem:v18+s9+$0x0], $0xffff;
	v25 =	vmul.f32 v13, v13;
	v22 =	vmul.f32 v22, v22  }
0x4e7: {  	v24 =	vld.idx.msk [tilespmem:v19+s10+$0x0], $0xffff;
	v13 =	vcvt.f32.s32 v17;
	v15 =	vmul.f32 v20, v15  }
0x4e8: {  	v16 =	vld.idx.msk [tilespmem:v19+s11+$0x0], $0xffff;
	v17 =	vsub.f32 v11, v6;
	v26 =	vmul.f32 v25, v25;
	v22 =	vmul.f32 v22, v12  }
0x4e9: {  	v19 =	vld.idx.msk [tilespmem:v19+s9+$0x0], $0xffff;
	v20 =	vmul.f32 v10, v4;
	v12 =	vcvt.f32.s32 v21  }
0x4ea: {  	v21 =	vsub.f32 v10, v6;
	v17 =	vand.u32 $0x7FFFFFFF, v17;
	(erf) = vrcp.f32 v22  }
0x4eb: {  	v15 =	vadd.f32 v15, v23;
	v23 =	vmul.f32 v11, v4;
	v22 =	vmul.f32 $1.000000010e-01, v17  }
0x4ec: {  	v27 =	vadd.f32 v20, v5;
	v20 =	vmul.f32 v24, v14;
	v21 =	vand.u32 $0x7FFFFFFF, v21;
	v17 =	vld.idx.msk [tilespmem:v18+s11+$0x0], $0xffff  }
0x4ed: {  	v24 =	vpop (erf);
	v63 =	vadd.f32 v22, v7;
	v22 =	vmul.f32 $1.000000010e-01, v21;
	v21 =	vmul.f32 v26, v26  }
0x4ee: {  	s19 =	simm.s32 $0x9210;
	v23 =	vadd.f32 v23, v5;
	v14 =	vld.idx.msk [tilespmem:v13+s10+$0x0], $0xffff;
	v18 =	vadd.f32 v20, v19;
	v19 =	vmul.f32 v24, v16  }
0x4ef: {  	s18 =	simm.s32 $0x9210;
	s20 =	simm.s32 $0x40;
	s21 =	simm.s32 $0x1270;
	v24 =	vmax.f32 v27, $0.0e+00;
	v16 =	vld.idx.msk [tilespmem:v12+s10+$0x0], $0xffff;
	v20 =	vmul.f32 v63, v63;
	v21 =	vmul.f32 v21, v25  }
.LBB2_32:
0x4f0: {  	v25 =	vld [tilespmem:s21+$0xFFFFFFF0];
	s20 =	sadd.s32 $0x20, s20;
	v23 =	vmax.f32 v23, $0.0e+00;
	v24 =	vmin.f32 v24, $1.025000000e+03;
	v22 =	vadd.f32 v22, v7;
	s18 =	sadd.s32 $0x20, s18;
	v26 =	vpop (erf)  }
0x4f1: {  	v27 =	vld [tilespmem:s21+$0x0];
	p0 =	slt.u32 s20, $0x3FE0;
	v23 =	vmin.f32 v23, $1.025000000e+03;
	v28 =	vmul.f32 v20, v20;
	v17 =	vmul.f32 v26, v17  }
0x4f2: {  	v18 =	vadd.f32 v19, v18;
	v24 =	vtrunc.f32 v24;
	v23 =	vtrunc.f32 v23;
	v26 =	vld.idx.msk [tilespmem:v12+s9+$0x0], $0xffff  }
0x4f3: {  	v19 =	vmul.f32 v28, v28;
	v28 =	vmul.f32 v22, v22;
	v29 =	vpop (erf);
	v15 =	vadd.f32 v17, v15  }
0x4f4: {  	v23 =	vcvt.f32.s32 v23;
	v30 =	vld.idx.msk [tilespmem:v13+s11+$0x0], $0xffff;
	(erf) = vrcp.f32 v21;
	[tilespmem:s19+$0xFFFFFFF0] =	vst v18  }
0x4f5: {  	v17 =	vsub.f32 v25, v6;
	v18 =	vmul.f32 v19, v20;
	v19 =	vcvt.f32.s32 v24;
	v20 =	vld.idx.msk [tilespmem:v13+s9+$0x0], $0xffff;
	[tilespmem:s19+$0x0] =	vst v15;
	s19 =	smov.u32 s18  }
0x4f6: {  	v16 =	vmul.f32 v16, v9;
	v9 =	vmovc v10;
	v21 =	vmul.f32 v28, v28;
	v15 =	vsub.f32 v27, v6  }
0x4f7: {  	v13 =	vmovc v23;
	v24 =	vmul.f32 v27, v4;
	v10 =	vmovc v27;
	v22 =	vand.u32 $0x7FFFFFFF, v17;
	(erf) = vrcp.f32 v18;
	v17 =	vld.idx.msk [tilespmem:v12+s11+$0x0], $0xffff  }
.Ltmp15:
0x4f8: {  	v12 =	vmovc v19;
	v18 =	vmul.f32 $1.000000010e-01, v22;
	v22 =	vand.u32 $0x7FFFFFFF, v15;
	v15 =	vadd.f32 v16, v26;
	(pc) =	sbr.rel @p0 .LBB2_32-.Ltmp15, $4  }
0x4f9: {  	v16 =	vmul.f32 v25, v4;
	v24 =	vadd.f32 v24, v5;
	v26 =	vmul.f32 v14, v8;
	v8 =	vmovc v11  }
0x4fa: {  	v21 =	vmul.f32 v21, v21;
	v11 =	vmovc v25;
	v22 =	vmul.f32 $1.000000010e-01, v22;
	v27 =	vadd.f32 v18, v7;
	v14 =	vld.idx.msk [tilespmem:v23+s10+$0x0], $0xffff  }
0x4fb: {  	v23 =	vadd.f32 v16, v5;
	v18 =	vadd.f32 v26, v20;
	v16 =	vld.idx.msk [tilespmem:v19+s10+$0x0], $0xffff;
	v19 =	vmul.f32 v29, v30  }
0x4fc: {  	s21 =	sadd.s32 $0x20, s21;
	v21 =	vmul.f32 v21, v28;
	v24 =	vmax.f32 v24, $0.0e+00;
	v20 =	vmul.f32 v27, v27  }
0x4fd: {  	v22 =	vadd.f32 v22, v7  }
0x4fe: {  	v23 =	vmax.f32 v23, $0.0e+00;
	v24 =	vmin.f32 v24, $1.025000000e+03  }
0x4ff: {  	v23 =	vmin.f32 v23, $1.025000000e+03;
	v25 =	vmul.f32 v20, v20;
	v22 =	vmul.f32 v22, v22  }
0x500: {  	v24 =	vtrunc.f32 v24;
	v23 =	vtrunc.f32 v23  }
0x501: {  	v24 =	vcvt.f32.s32 v24;
	v26 =	vmul.f32 v22, v22  }
0x502: {  	v23 =	vcvt.f32.s32 v23;
	v25 =	vmul.f32 v25, v25  }
0x503: {  	v27 =	vld.idx.msk [tilespmem:v12+s9+$0x0], $0xffff;
	v26 =	vmul.f32 v26, v26  }
0x504: {  	v28 =	vld.idx.msk [tilespmem:v13+s11+$0x0], $0xffff;
	v20 =	vmul.f32 v25, v20  }
0x505: {  	v13 =	vld.idx.msk [tilespmem:v13+s9+$0x0], $0xffff;
	(erf) = vrcp.f32 v21;
	v21 =	vmul.f32 v26, v22  }
0x506: {  	v12 =	vld.idx.msk [tilespmem:v12+s11+$0x0], $0xffff;
	(erf) = vrcp.f32 v20  }
0x507: {  	v22 =	vld.idx.msk [tilespmem:v24+s9+$0x0], $0xffff;
	(erf) = vrcp.f32 v21  }
0x508: {  	v20 =	vld.idx.msk [tilespmem:v23+s10+$0x0], $0xffff  }
0x509: {  	v26 =	vld.idx.msk [tilespmem:v23+s11+$0x0], $0xffff  }
0x50a: {  	v21 =	vld.idx.msk [tilespmem:v24+s10+$0x0], $0xffff  }
0x50b: {  	v8 =	vmul.f32 v14, v8;
	v23 =	vld.idx.msk [tilespmem:v23+s9+$0x0], $0xffff  }
0x50c: {  	v9 =	vmul.f32 v16, v9;
	v25 =	vpop (erf);
	v14 =	vld.idx.msk [tilespmem:v24+s11+$0x0], $0xffff  }
0x50d: {  	v18 =	vadd.f32 v19, v18;
	v8 =	vadd.f32 v8, v13;
	v17 =	vmul.f32 v25, v17;
	v24 =	vpop (erf)  }
0x50e: {  	v9 =	vadd.f32 v9, v27;
	v13 =	vmul.f32 v24, v28;
	v16 =	vpop (erf);
	v11 =	vmul.f32 v20, v11  }
0x50f: {  	v15 =	vadd.f32 v17, v15;
	v12 =	vmul.f32 v16, v12;
	v10 =	vmul.f32 v21, v10;
	v16 =	vpop (erf)  }
0x510: {  	[tilespmem:s19+$0xFFFFFFF0] =	vst v18;
	v8 =	vadd.f32 v13, v8;
	v11 =	vadd.f32 v11, v23;
	v13 =	vmul.f32 v16, v26;
	v16 =	vpop (erf)  }
0x511: {  	s18 =	sadd.s32 $0x20, s18;
	[tilespmem:s19+$0x0] =	vst v15;
	v9 =	vadd.f32 v12, v9;
	v10 =	vadd.f32 v10, v22;
	v12 =	vmul.f32 v16, v14  }
0x512: {  	[tilespmem:s18+$0xFFFFFFF0] =	vst v8;
	v8 =	vadd.f32 v13, v11  }
0x513: {  	s22 =	sadd.s32 $0x20, s18;
	[tilespmem:s18+$0x0] =	vst v9;
	v9 =	vadd.f32 v12, v10  }
0x514: {  	[tilespmem:s22+$0xFFFFFFF0] =	vst v8  }
0x515: {  	[tilespmem:s22+$0x0] =	vst v9  }
0x516: {  	[hbm4b:s2+s1] =	stream.linear.scatter [tilespmem:s12], [sflag:$0x3], $0x4000, $0x38;
	[tilespmem:$0x11200] =	vst v63  }
0x517: {  	_ =	swait.ge [sflag:s13], $0x4000  }
0x518: {  	[sflag:s13] =	ssyncset.done $0x0  }
0x519: {  	[sflag:s13] =	ssyncadd.s32 $0xFFFFC000  }
0x51a: {  	_ =	swait.ge [sflag:s16], $0x4000  }
0x51b: {  	[sflag:s16] =	ssyncset.done $0x0  }
0x51c: {  	s20 =	simm.s32 $0x5210;
	[sflag:s16] =	ssyncadd.s32 $0xFFFFC000  }
0x51d: {  	v14 =	vld [tilespmem:s20+$0xFFFFFFF0];
	_ =	sdelay $0x2  }
0x51e: {  	v15 =	vld [tilespmem:s20+$0x0];
	_ =	sdelay $0x1  }
0x51f: {  	v8 =	vsub.f32 v14, v6;
	_ =	sdelay $0x1  }
0x520: {  	v9 =	vmul.f32 v14, v4;
	v8 =	vand.u32 $0x7FFFFFFF, v8  }
0x521: {  	v10 =	vsub.f32 v15, v6;
	v11 =	vmul.f32 v15, v4;
	v8 =	vmul.f32 $1.000000010e-01, v8  }
0x522: {  	v9 =	vadd.f32 v9, v5  }
0x523: {  	s21 =	simm.s32 $0x5230;
	v10 =	vand.u32 $0x7FFFFFFF, v10;
	v11 =	vadd.f32 v11, v5;
	v12 =	vadd.f32 v8, v7  }
0x524: {  	v10 =	vmul.f32 $1.000000010e-01, v10;
	v13 =	vmax.f32 v9, $0.0e+00;
	v8 =	vld [tilespmem:s21+$0xFFFFFFF0]  }
0x525: {  	v11 =	vmax.f32 v11, $0.0e+00;
	v9 =	vld [tilespmem:s21+$0x0];
	v13 =	vmin.f32 v13, $1.025000000e+03;
	v12 =	vmul.f32 v12, v12  }
0x526: {  	v11 =	vmin.f32 v11, $1.025000000e+03;
	v10 =	vadd.f32 v10, v7;
	v13 =	vtrunc.f32 v13  }
0x527: {  	v11 =	vtrunc.f32 v11;
	v16 =	vmul.f32 v12, v12  }
0x528: {  	v10 =	vmul.f32 v10, v10;
	v18 =	vcvt.f32.s32 v11  }
0x529: {  	v19 =	vcvt.f32.s32 v13;
	v17 =	vsub.f32 v8, v6;
	v16 =	vmul.f32 v16, v16  }
0x52a: {  	v13 =	vmul.f32 v9, v4;
	v20 =	vmul.f32 v8, v4  }
0x52b: {  	v11 =	vmul.f32 v16, v12;
	v12 =	vand.u32 $0x7FFFFFFF, v17;
	v16 =	vsub.f32 v9, v6  }
0x52c: {  	v17 =	vmul.f32 v10, v10;
	v12 =	vmul.f32 $1.000000010e-01, v12  }
0x52d: {  	(erf) = vrcp.f32 v11;
	v11 =	vadd.f32 v13, v5;
	v13 =	vand.u32 $0x7FFFFFFF, v16  }
0x52e: {  	v16 =	vmul.f32 v17, v17;
	v17 =	vadd.f32 v20, v5;
	v12 =	vadd.f32 v12, v7  }
0x52f: {  	v13 =	vmul.f32 $1.000000010e-01, v13  }
0x530: {  	s22 =	simm.s32 $0x5250;
	v20 =	vld.idx.msk [tilespmem:v18+s10+$0x0], $0xffff;
	v21 =	vmax.f32 v11, $0.0e+00;
	v17 =	vmax.f32 v17, $0.0e+00;
	v12 =	vmul.f32 v12, v12  }
0x531: {  	v16 =	vmul.f32 v16, v10;
	v11 =	vld [tilespmem:s22+$0xFFFFFFF0];
	v21 =	vmin.f32 v21, $1.025000000e+03;
	v17 =	vmin.f32 v17, $1.025000000e+03  }
0x532: {  	v10 =	vld [tilespmem:s22+$0x0];
	v13 =	vadd.f32 v13, v7;
	v17 =	vtrunc.f32 v17;
	v22 =	vmul.f32 v12, v12  }
0x533: {  	v21 =	vtrunc.f32 v21;
	(erf) = vrcp.f32 v16  }
0x534: {  	v23 =	vld.idx.msk [tilespmem:v18+s9+$0x0], $0xffff;
	v25 =	vmul.f32 v13, v13;
	v22 =	vmul.f32 v22, v22  }
0x535: {  	v24 =	vld.idx.msk [tilespmem:v19+s10+$0x0], $0xffff;
	v13 =	vcvt.f32.s32 v17;
	v15 =	vmul.f32 v20, v15  }
0x536: {  	v16 =	vld.idx.msk [tilespmem:v19+s11+$0x0], $0xffff;
	v17 =	vsub.f32 v11, v6;
	v26 =	vmul.f32 v25, v25;
	v22 =	vmul.f32 v22, v12  }
0x537: {  	v19 =	vld.idx.msk [tilespmem:v19+s9+$0x0], $0xffff;
	v20 =	vmul.f32 v10, v4;
	v12 =	vcvt.f32.s32 v21  }
0x538: {  	v21 =	vsub.f32 v10, v6;
	v17 =	vand.u32 $0x7FFFFFFF, v17;
	(erf) = vrcp.f32 v22  }
0x539: {  	v15 =	vadd.f32 v15, v23;
	v23 =	vmul.f32 v11, v4;
	v22 =	vmul.f32 $1.000000010e-01, v17  }
0x53a: {  	v27 =	vadd.f32 v20, v5;
	v20 =	vmul.f32 v24, v14;
	v21 =	vand.u32 $0x7FFFFFFF, v21;
	v17 =	vld.idx.msk [tilespmem:v18+s11+$0x0], $0xffff  }
0x53b: {  	v24 =	vpop (erf);
	v63 =	vadd.f32 v22, v7;
	v22 =	vmul.f32 $1.000000010e-01, v21;
	v21 =	vmul.f32 v26, v26  }
0x53c: {  	s19 =	simm.s32 $0xD210;
	v23 =	vadd.f32 v23, v5;
	v14 =	vld.idx.msk [tilespmem:v13+s10+$0x0], $0xffff;
	v18 =	vadd.f32 v20, v19;
	v19 =	vmul.f32 v24, v16  }
0x53d: {  	s18 =	simm.s32 $0xD210;
	s20 =	simm.s32 $0x40;
	s21 =	simm.s32 $0x5270;
	v24 =	vmax.f32 v27, $0.0e+00;
	v16 =	vld.idx.msk [tilespmem:v12+s10+$0x0], $0xffff;
	v20 =	vmul.f32 v63, v63;
	v21 =	vmul.f32 v21, v25  }
.LBB2_34:
0x53e: {  	v25 =	vld [tilespmem:s21+$0xFFFFFFF0];
	s20 =	sadd.s32 $0x20, s20;
	v23 =	vmax.f32 v23, $0.0e+00;
	v24 =	vmin.f32 v24, $1.025000000e+03;
	v22 =	vadd.f32 v22, v7;
	s18 =	sadd.s32 $0x20, s18;
	v26 =	vpop (erf)  }
0x53f: {  	v27 =	vld [tilespmem:s21+$0x0];
	p0 =	slt.u32 s20, $0x3FE0;
	v23 =	vmin.f32 v23, $1.025000000e+03;
	v28 =	vmul.f32 v20, v20;
	v17 =	vmul.f32 v26, v17  }
0x540: {  	v18 =	vadd.f32 v19, v18;
	v24 =	vtrunc.f32 v24;
	v23 =	vtrunc.f32 v23;
	v26 =	vld.idx.msk [tilespmem:v12+s9+$0x0], $0xffff  }
0x541: {  	v19 =	vmul.f32 v28, v28;
	v28 =	vmul.f32 v22, v22;
	v29 =	vpop (erf);
	v15 =	vadd.f32 v17, v15  }
0x542: {  	v23 =	vcvt.f32.s32 v23;
	v30 =	vld.idx.msk [tilespmem:v13+s11+$0x0], $0xffff;
	(erf) = vrcp.f32 v21;
	[tilespmem:s19+$0xFFFFFFF0] =	vst v18  }
0x543: {  	v17 =	vsub.f32 v25, v6;
	v18 =	vmul.f32 v19, v20;
	v19 =	vcvt.f32.s32 v24;
	v20 =	vld.idx.msk [tilespmem:v13+s9+$0x0], $0xffff;
	[tilespmem:s19+$0x0] =	vst v15;
	s19 =	smov.u32 s18  }
0x544: {  	v16 =	vmul.f32 v16, v9;
	v9 =	vmovc v10;
	v21 =	vmul.f32 v28, v28;
	v15 =	vsub.f32 v27, v6  }
0x545: {  	v13 =	vmovc v23;
	v24 =	vmul.f32 v27, v4;
	v10 =	vmovc v27;
	v22 =	vand.u32 $0x7FFFFFFF, v17;
	(erf) = vrcp.f32 v18;
	v17 =	vld.idx.msk [tilespmem:v12+s11+$0x0], $0xffff  }
.Ltmp16:
0x546: {  	v12 =	vmovc v19;
	v18 =	vmul.f32 $1.000000010e-01, v22;
	v22 =	vand.u32 $0x7FFFFFFF, v15;
	v15 =	vadd.f32 v16, v26;
	(pc) =	sbr.rel @p0 .LBB2_34-.Ltmp16, $4  }
0x547: {  	v16 =	vmul.f32 v25, v4;
	v24 =	vadd.f32 v24, v5;
	v26 =	vmul.f32 v14, v8;
	v8 =	vmovc v11  }
0x548: {  	v21 =	vmul.f32 v21, v21;
	v11 =	vmovc v25;
	v22 =	vmul.f32 $1.000000010e-01, v22;
	v27 =	vadd.f32 v18, v7;
	v14 =	vld.idx.msk [tilespmem:v23+s10+$0x0], $0xffff  }
0x549: {  	v23 =	vadd.f32 v16, v5;
	v18 =	vadd.f32 v26, v20;
	v16 =	vld.idx.msk [tilespmem:v19+s10+$0x0], $0xffff;
	v19 =	vmul.f32 v29, v30  }
0x54a: {  	s21 =	sadd.s32 $0x20, s21;
	v21 =	vmul.f32 v21, v28;
	v24 =	vmax.f32 v24, $0.0e+00;
	v20 =	vmul.f32 v27, v27  }
0x54b: {  	v4 =	vadd.f32 v22, v7  }
0x54c: {  	v5 =	vmax.f32 v23, $0.0e+00;
	v6 =	vmin.f32 v24, $1.025000000e+03  }
0x54d: {  	v5 =	vmin.f32 v5, $1.025000000e+03;
	v48 =	vmul.f32 v20, v20;
	v4 =	vmul.f32 v4, v4  }
0x54e: {  	v6 =	vtrunc.f32 v6;
	v5 =	vtrunc.f32 v5  }
0x54f: {  	v6 =	vcvt.f32.s32 v6;
	v49 =	vmul.f32 v4, v4  }
0x550: {  	v5 =	vcvt.f32.s32 v5;
	v7 =	vmul.f32 v48, v48  }
0x551: {  	v50 =	vld.idx.msk [tilespmem:v12+s9+$0x0], $0xffff;
	v22 =	vmul.f32 v49, v49  }
0x552: {  	v51 =	vld.idx.msk [tilespmem:v13+s11+$0x0], $0xffff;
	v7 =	vmul.f32 v7, v20  }
0x553: {  	v52 =	vld.idx.msk [tilespmem:v13+s9+$0x0], $0xffff;
	(erf) = vrcp.f32 v21;
	v4 =	vmul.f32 v22, v4  }
0x554: {  	v53 =	vld.idx.msk [tilespmem:v12+s11+$0x0], $0xffff;
	(erf) = vrcp.f32 v7  }
0x555: {  	v55 =	vld.idx.msk [tilespmem:v6+s9+$0x0], $0xffff;
	(erf) = vrcp.f32 v4  }
0x556: {  	v54 =	vld.idx.msk [tilespmem:v5+s10+$0x0], $0xffff  }
0x557: {  	v57 =	vld.idx.msk [tilespmem:v5+s11+$0x0], $0xffff  }
0x558: {  	v56 =	vpop (erf);
	v4 =	vld.idx.msk [tilespmem:v6+s10+$0x0], $0xffff  }
0x559: {  	v17 =	vmul.f32 v56, v17;
	v5 =	vld.idx.msk [tilespmem:v5+s9+$0x0], $0xffff  }
0x55a: {  	v8 =	vmul.f32 v14, v8;
	v6 =	vld.idx.msk [tilespmem:v6+s11+$0x0], $0xffff  }
0x55b: {  	v18 =	vadd.f32 v19, v18;
	v58 =	vpop (erf);
	v15 =	vadd.f32 v17, v15;
	v9 =	vmul.f32 v16, v9  }
0x55c: {  	v8 =	vadd.f32 v8, v52;
	v60 =	vmul.f32 v58, v51;
	v59 =	vpop (erf);
	v11 =	vmul.f32 v54, v11  }
0x55d: {  	v9 =	vadd.f32 v9, v50;
	v7 =	vmul.f32 v59, v53;
	v4 =	vmul.f32 v4, v10;
	v61 =	vpop (erf)  }
0x55e: {  	[tilespmem:s19+$0xFFFFFFF0] =	vst v18;
	v8 =	vadd.f32 v60, v8;
	v5 =	vadd.f32 v11, v5;
	v62 =	vmul.f32 v61, v57;
	v63 =	vpop (erf)  }
0x55f: {  	s18 =	sadd.s32 $0x20, s18;
	[tilespmem:s19+$0x0] =	vst v15;
	v7 =	vadd.f32 v7, v9;
	v4 =	vadd.f32 v4, v55;
	v6 =	vmul.f32 v63, v6  }
0x560: {  	[tilespmem:s18+$0xFFFFFFF0] =	vst v8;
	v5 =	vadd.f32 v62, v5  }
0x561: {  	s22 =	sadd.s32 $0x20, s18;
	[tilespmem:s18+$0x0] =	vst v7;
	v4 =	vadd.f32 v6, v4  }
0x562: {  	[tilespmem:s22+$0xFFFFFFF0] =	vst v5  }
0x563: {  	s17 =	sadd.s32 $0x1, s17;
	[tilespmem:s22+$0x0] =	vst v4  }
0x564: {  	[hbm4b:s3+s1] =	stream.linear.scatter [tilespmem:s14], [sflag:$0x4], $0x4000, $0x38;
	[tilespmem:$0x11200] =	vst v63  }
0x565: {  	p0 =	sne.s32 s17, s4;
	_ =	swait.ge [sflag:s15], $0x4000  }
.Ltmp17:
0x566: {  	[sflag:s15] =	ssyncset.done $0x0;
	(pc) =	sbr.rel @p0 .LBB2_1-.Ltmp17, $4  }
0x567: {  	[sflag:s15] =	ssyncadd.s32 $0xFFFFC000  }
0x568: {  	_ =	swait.ge [sflag:s16], $0x4000  }
0x569: {  	[sflag:s16] =	ssyncset.done $0x0  }
0x56a: {  	[sflag:s16] =	ssyncadd.s32 $0xFFFFC000  }
0x56b: {  	_ =	sfence.sel $0x180000  }
0x56c: {  	[bflag:$0x0] =	sbarrier.arrive $0xFFFF  }
0x56d: {  	_ =	strace $0x90000047  }
0x56e: {  	s0 =	stileid.u32;
	[bflag:$0x2] =	sbarrier.arrive $0xFFFF  }
0x56f: {  	p0 =	sne.s32 s0, $0x0;
	s0 =	rddreg [dreg:$0x3]  }
0x570: {  	s0 =	sadd.s32 @!p0 $0x100000, s0  }
0x571: {  	[sflag:s0] =	ssyncadd.tile.s32 @!p0 $0x1;
	_ =	shalt  }
.Lfunc_end2:
_tile_overlayer_lowered:
.L_overlay_start_2:
0x572: {  	(tag) =	ssettag $0x2  }
0x573: {  	s0 =	rddreg [dreg:$0x0];
	s2 =	stileid.u32  }
0x574: {  	s1 =	rddreg [dreg:$0x1];
	p0 =	sne.s32 s2, $0x0  }
0x575: {  	s3 =	rddreg [dreg:$0x2];
	[bflag:$0x3] =	sbarrier.arrive $0xFFFF;
	s2 =	simm.s32 @!p0 $0x1C05  }
0x576: {  	[timem:s3], [sflag:s2] =	dma.local @!p0 [hbm:s0], s1  }
0x577: {  	s0 =	simm.s32 @!p0 $0x5  }
0x578: {  	_ =	swait.ge @!p0 [sflag:s0], s1  }
0x579: {  	s1 =	ssub.s32 @!p0 $0x0, s1;
	[sflag:s0] =	ssyncset.done @!p0 $0x0  }
0x57a: {  	[sflag:s0] =	ssyncadd.s32 @!p0 s1  }
0x57b: {  	[bflag:$0x3] =	sbarrier.arrive $0xFFFF  }
0x57c: {  	_ =	shalt  }

</sc_bundles>
